<compile_context>
chip_gen: v7x
topology: tpu7x:2x2x1
jax: 0.10.2.dev20260603
libtpu: 0.0.44.dev20260713+nightly
codegen_flags: <defaults>
</compile_context>

<pallas_src>
import functools

import jax
import jax.numpy as jnp
from jax import lax
from jax.experimental import pallas as pl
from jax.experimental.pallas import tpu as pltpu
from jax.experimental.pallas import tpu_sc as plsc

N_IN = 16384
N_OUT = 16384
B = 64

NC = 2
NS = 16
NW = NC * NS

SUB = 128
S = 8
PER_W_SUBS = 72
NNZ_PAD = NW * PER_W_SUBS * SUB
N_BLOCKS = PER_W_SUBS // S

_ZCHUNK = 128
_ROWS_PER_TILE = N_OUT // NS

Q = 2
N_CHUNKS = PER_W_SUBS // Q
N_PAIRS = N_CHUNKS // 2


def _sc_scatter(xT, w2, rows2, cols2):
    mesh = plsc.VectorSubcoreMesh(core_axis_name="c", subcore_axis_name="s")

    @functools.partial(
        pl.kernel,
        mesh=mesh,
        out_type=jax.ShapeDtypeStruct((NC * N_OUT, B), jnp.float32),
        scratch_types=[
            pltpu.VMEM((PER_W_SUBS * SUB,), jnp.int32),
            pltpu.VMEM((PER_W_SUBS * SUB,), jnp.int32),
            pltpu.VMEM((PER_W_SUBS * SUB,), jnp.float32),
            pltpu.VMEM((Q * SUB, B), jnp.float32),
            pltpu.VMEM((Q * SUB, B), jnp.float32),
            pltpu.VMEM_SHARED((N_OUT, B), jnp.float32),
            pltpu.SemaphoreType.DMA,
            pltpu.SemaphoreType.DMA,
            pltpu.SemaphoreType.DMA,
            pltpu.SemaphoreType.DMA,
        ],
        compiler_params=pltpu.CompilerParams(use_tc_tiling_on_sc=False),
    )
    def k(xT_hbm, w_hbm, rows_hbm, cols_hbm, out_hbm,
          cols_v, rows_v, w_v, g_a, g_b, acc, sga, sgb, ssa, ssb):
        c = lax.axis_index("c")
        s = lax.axis_index("s")
        wid = c * NS + s

        def zbody(i, _):
            for j4 in range(B // 16):
                g_a[i, pl.ds(j4 * 16, 16)] = jnp.zeros((16,), jnp.float32)
            return 0
        lax.fori_loop(0, _ZCHUNK, zbody, 0)
        zrow = s * _ROWS_PER_TILE
        for t in range(_ROWS_PER_TILE // _ZCHUNK):
            pltpu.sync_copy(g_a.at[pl.ds(0, _ZCHUNK)],
                            acc.at[pl.ds(zrow + t * _ZCHUNK, _ZCHUNK)])

        rbase = wid * PER_W_SUBS * SUB
        pltpu.sync_copy(cols_hbm.at[pl.ds(rbase, PER_W_SUBS * SUB)], cols_v)
        pltpu.sync_copy(rows_hbm.at[pl.ds(rbase, PER_W_SUBS * SUB)], rows_v)
        pltpu.sync_copy(w_hbm.at[pl.ds(rbase, PER_W_SUBS * SUB)], w_v)
        plsc.subcore_barrier()

        def gather_issue(q, buf, sem):
            pltpu.async_copy(xT_hbm.at[cols_v.at[pl.ds(Q * SUB * q, Q * SUB)]], buf, sem)

        def gather_wait(buf, sem):
            pltpu.make_async_copy(xT_hbm.at[cols_v.at[pl.ds(0, Q * SUB)]], buf,
                                  sem).wait()

        def scatter_issue(q, buf, sem):
            pltpu.async_copy(buf, acc.at[rows_v.at[pl.ds(Q * SUB * q, Q * SUB)]], sem,
                             add=True)

        def scatter_wait(buf, sem):
            pltpu.make_async_copy(buf, acc.at[rows_v.at[pl.ds(0, Q * SUB)]],
                                  sem).wait()

        def scale(q, buf):
            def scale_body(gi, _):
                kb = gi * 16
                w16 = w_v[pl.ds(q * Q * SUB + kb, 16)]
                for i in range(16):
                    ws = lax.gather(
                        w16, jnp.full((16, 1), i, jnp.int32),
                        lax.GatherDimensionNumbers(
                            offset_dims=(), collapsed_slice_dims=(0,),
                            start_index_map=(0,)),
                        slice_sizes=(1,),
                        mode=lax.GatherScatterMode.PROMISE_IN_BOUNDS)
                    for j4 in range(B // 16):
                        sl = pl.ds(j4 * 16, 16)
                        buf[kb + i, sl] = buf[kb + i, sl] * ws
                return 0
            lax.fori_loop(0, Q * SUB // 16, scale_body, 0)

        gather_issue(0, g_a, sga)

        def pair_body(i, _):
            q0 = 2 * i
            gather_wait(g_a, sga)

            @pl.when(i > 0)
            def _():
                scatter_wait(g_b, ssb)
            gather_issue(q0 + 1, g_b, sgb)
            scale(q0, g_a)
            scatter_issue(q0, g_a, ssa)
            gather_wait(g_b, sgb)
            scatter_wait(g_a, ssa)

            @pl.when(i < N_PAIRS - 1)
            def _():
                gather_issue(q0 + 2, g_a, sga)
            scale(q0 + 1, g_b)
            scatter_issue(q0 + 1, g_b, ssb)
            return 0
        lax.fori_loop(0, N_PAIRS, pair_body, 0)
        scatter_wait(g_b, ssb)

        plsc.subcore_barrier()
        orow = s * _ROWS_PER_TILE
        pltpu.sync_copy(acc.at[pl.ds(orow, _ROWS_PER_TILE)],
                        out_hbm.at[pl.ds(c * N_OUT + orow, _ROWS_PER_TILE)])

    return k(xT, w2, rows2, cols2)


def _combine(partials, bias_col):
    BLK = 1024

    def body(p0_ref, p1_ref, b_ref, o_ref):
        o_ref[...] = p0_ref[...] + p1_ref[...] + b_ref[...]

    return pl.pallas_call(
        body,
        grid=(N_OUT // BLK,),
        in_specs=[
            pl.BlockSpec((BLK, B), lambda i: (i, 0)),
            pl.BlockSpec((BLK, B), lambda i: (i + N_OUT // BLK, 0)),
            pl.BlockSpec((BLK, 1), lambda i: (i, 0)),
        ],
        out_specs=pl.BlockSpec((BLK, B), lambda i: (i, 0)),
        out_shape=jax.ShapeDtypeStruct((N_OUT, B), jnp.float32),
    )(partials, partials, bias_col)


def kernel(x, sparse_weight, bias, rows, cols):
    nnz = sparse_weight.shape[0]
    npad = NNZ_PAD - nnz
    xT = x.T
    w2 = jnp.pad(sparse_weight, (0, npad))
    rows2 = jnp.pad(rows, (0, npad))
    cols2 = jnp.pad(cols, (0, npad))
    partials = _sc_scatter(xT, w2, rows2, cols2)
    outT = _combine(partials, bias.reshape(-1, 1))
    return outT.T

# --- scband reference (transcript-rebuilt; emitter-appended) ---
"""Pipeline reference for scband-sparse-linear-6365141533108 (READ-ONLY COPY).

The authoritative reference and input builder live on the scoring server;
editing this copy changes nothing except your own understanding.
"""

import jax, jax.numpy as jnp
import numpy as np

N_IN = 16384
N_OUT = 16384
NNZ = 268435
B = 64

def setup_inputs(seed: int = 0) -> dict:
    key = jax.random.key(seed)
    k1, k2, k3, k4, k5 = jax.random.split(key, 5)
    x = jax.random.normal(k1, (B, N_IN), dtype=jnp.float32)
    # sparse_indices (row=out_channel, col=in_channel) derived from a 0.1% Bernoulli mask
    rows = jax.random.randint(k2, (NNZ,), 0, N_OUT, dtype=jnp.int32)
    cols = jax.random.randint(k3, (NNZ,), 0, N_IN, dtype=jnp.int32)
    # kaiming-uniform-like scale: fan_in ~ N_IN*0.001 ~= 16.4 -> bound ~ sqrt(3)*gain/sqrt(fan_in)
    fan_in = max(N_IN * 0.001, 1.0)
    gain = float(np.sqrt(2.0 / (1.0 + 5.0)))
    bound = float(np.sqrt(3.0) * gain / np.sqrt(fan_in))
    sparse_weight = jax.random.uniform(k4, (NNZ,), dtype=jnp.float32, minval=-bound, maxval=bound)
    bbound = float(1.0 / np.sqrt(fan_in))
    bias = jax.random.uniform(k5, (N_OUT,), dtype=jnp.float32, minval=-bbound, maxval=bbound)
    return {"x": x, "sparse_weight": sparse_weight, "bias": bias, "rows": rows, "cols": cols}

def reference(x, sparse_weight, bias, rows, cols):
    # out = (W_sparse @ x.T).T + bias, where W_sparse is COO with (rows, cols, sparse_weight)
    # gather input columns for every nnz, scale by weight, scatter-add into output rows
    contrib = jnp.take(x, cols, axis=1) * sparse_weight[None, :]          # [B, NNZ]
    out = jax.ops.segment_sum(contrib.T, rows, num_segments=N_OUT).T     # [B, N_OUT]
    return out + bias[None, :]

if __name__ == "__main__":
    import jax
    _d = setup_inputs()
    print(jax.jit(kernel)(*tuple(_d.values())))

</pallas_src>

<mosaic_0001>
#map = affine_map<(d0, d1) -> (0, 0)>
#map1 = affine_map<(d0, d1) -> (0)>
module attributes {stable_mosaic.version = 14 : i64} {
  func.func @k(%arg0: i32, %arg1: i32, %arg2: memref<16384x64xf32, #tpu.memory_space<hbm>>, %arg3: memref<294912xf32, #tpu.memory_space<hbm>>, %arg4: memref<294912xi32, #tpu.memory_space<hbm>>, %arg5: memref<294912xi32, #tpu.memory_space<hbm>>, %arg6: memref<32768x64xf32, #tpu.memory_space<hbm>>, %arg7: memref<9216xi32, #tpu.memory_space<vmem>>, %arg8: memref<9216xi32, #tpu.memory_space<vmem>>, %arg9: memref<9216xf32, #tpu.memory_space<vmem>>, %arg10: memref<256x64xf32, #tpu.memory_space<vmem>>, %arg11: memref<256x64xf32, #tpu.memory_space<vmem>>, %arg12: memref<16384x64xf32, #tpu.memory_space<vmem_shared>>, %arg13: memref<!tpu.dma_semaphore, #tpu.memory_space<semaphore_mem>>, %arg14: memref<!tpu.dma_semaphore, #tpu.memory_space<semaphore_mem>>, %arg15: memref<!tpu.dma_semaphore, #tpu.memory_space<semaphore_mem>>, %arg16: memref<!tpu.dma_semaphore, #tpu.memory_space<semaphore_mem>>) attributes {dimension_semantics = [#tpu.dimension_semantics<core_parallel>, #tpu.dimension_semantics<subcore_parallel>], iteration_bounds = array<i64: 2, 16>, scalar_prefetch = 0 : i64, scratch_operands = 10 : i64, tpu.core_type = #tpu.core_type<sc_vector_subcore>, window_params = [{transform_indices = #map}, {transform_indices = #map1}, {transform_indices = #map1}, {transform_indices = #map1}, {transform_indices = #map}]} {
    %mul3A = arith.constant 16 : i32
    %mul3A_0 = arith.muli %arg0, %mul3A : i32
    %add3A = arith.addi %mul3A_0, %arg1 : i32
    %scan3A = arith.constant 0 : i32
    %scan3A_1 = arith.constant 0 : i32
    %scan3A_2 = arith.constant 128 : i32
    %scan3A_3 = arith.addi %scan3A_1, %scan3A_2 : i32
    %scan3A_4 = arith.constant 1 : i32
    %scan3A_5 = scf.for %scan3A_50 = %scan3A_1 to %scan3A_3 step %scan3A_4 iter_args(%scan3A_51 = %scan3A) -> (i32)  : i32 {
      %broadcast_in_dim3A = arith.constant 0.000000e+00 : f32
      %broadcast_in_dim3A_52 = vector.broadcast %broadcast_in_dim3A : f32 to vector<16xf32>
      %swap3A = arith.index_cast %scan3A_50 : i32 to index
      %swap3A_53 = arith.constant 0 : index
      %swap3A_54 = tpu.vector_load %arg10[%swap3A, %swap3A_53] {strides = array<i32>} : memref<256x64xf32, #tpu.memory_space<vmem>>, vector<1x16xf32>,
      %swap3A_55 = vector.shape_cast %swap3A_54 : vector<1x16xf32> to vector<16xf32>
      %swap3A_56 = vector.shape_cast %broadcast_in_dim3A_52 : vector<16xf32> to vector<1x16xf32>
      tpu.vector_store %arg10[%swap3A, %swap3A_53], %swap3A_56 {strides = array<i32>} : memref<256x64xf32, #tpu.memory_space<vmem>>, vector<1x16xf32>,
      %broadcast_in_dim3A_57 = arith.constant 0.000000e+00 : f32
      %broadcast_in_dim3A_58 = vector.broadcast %broadcast_in_dim3A_57 : f32 to vector<16xf32>
      %swap3A_59 = arith.index_cast %scan3A_50 : i32 to index
      %swap3A_60 = arith.constant 16 : index
      %swap3A_61 = tpu.vector_load %arg10[%swap3A_59, %swap3A_60] {strides = array<i32>} : memref<256x64xf32, #tpu.memory_space<vmem>>, vector<1x16xf32>,
      %swap3A_62 = vector.shape_cast %swap3A_61 : vector<1x16xf32> to vector<16xf32>
      %swap3A_63 = vector.shape_cast %broadcast_in_dim3A_58 : vector<16xf32> to vector<1x16xf32>
      tpu.vector_store %arg10[%swap3A_59, %swap3A_60], %swap3A_63 {strides = array<i32>} : memref<256x64xf32, #tpu.memory_space<vmem>>, vector<1x16xf32>,
      %broadcast_in_dim3A_64 = arith.constant 0.000000e+00 : f32
      %broadcast_in_dim3A_65 = vector.broadcast %broadcast_in_dim3A_64 : f32 to vector<16xf32>
      %swap3A_66 = arith.index_cast %scan3A_50 : i32 to index
      %swap3A_67 = arith.constant 32 : index
      %swap3A_68 = tpu.vector_load %arg10[%swap3A_66, %swap3A_67] {strides = array<i32>} : memref<256x64xf32, #tpu.memory_space<vmem>>, vector<1x16xf32>,
      %swap3A_69 = vector.shape_cast %swap3A_68 : vector<1x16xf32> to vector<16xf32>
      %swap3A_70 = vector.shape_cast %broadcast_in_dim3A_65 : vector<16xf32> to vector<1x16xf32>
      tpu.vector_store %arg10[%swap3A_66, %swap3A_67], %swap3A_70 {strides = array<i32>} : memref<256x64xf32, #tpu.memory_space<vmem>>, vector<1x16xf32>,
      %broadcast_in_dim3A_71 = arith.constant 0.000000e+00 : f32
      %broadcast_in_dim3A_72 = vector.broadcast %broadcast_in_dim3A_71 : f32 to vector<16xf32>
      %swap3A_73 = arith.index_cast %scan3A_50 : i32 to index
      %swap3A_74 = arith.constant 48 : index
      %swap3A_75 = tpu.vector_load %arg10[%swap3A_73, %swap3A_74] {strides = array<i32>} : memref<256x64xf32, #tpu.memory_space<vmem>>, vector<1x16xf32>,
      %swap3A_76 = vector.shape_cast %swap3A_75 : vector<1x16xf32> to vector<16xf32>
      %swap3A_77 = vector.shape_cast %broadcast_in_dim3A_72 : vector<16xf32> to vector<1x16xf32>
      tpu.vector_store %arg10[%swap3A_73, %swap3A_74], %swap3A_77 {strides = array<i32>} : memref<256x64xf32, #tpu.memory_space<vmem>>, vector<1x16xf32>,
      %scan3A_78 = arith.constant 0 : i32
      scf.yield %scan3A_78 : i32
    }
    %scan3A_6 = arith.constant 128 : i32
    %mul3A_7 = arith.constant 1024 : i32
    %mul3A_8 = arith.muli %arg1, %mul3A_7 : i32
    %add3A_9 = arith.constant 0 : i32
    %add3A_10 = arith.addi %mul3A_8, %add3A_9 : i32
    "tpu.region"() ({
      %run_scoped3A = tpu.sem_alloc : memref<!tpu.dma_semaphore, #tpu.memory_space<semaphore_mem>>
      %dma_start3A_50 = arith.constant 0 : i32
      %dma_start3A_51 = arith.constant 0 : i32
      %dma_start3A_52 = tpu.memref_slice %arg10[%dma_start3A_50, %dma_start3A_51] : memref<256x64xf32, #tpu.memory_space<vmem>> -> memref<128x64xf32, #tpu.memory_space<vmem>>
      %dma_start3A_53 = arith.constant 0 : i32
      %dma_start3A_54 = tpu.memref_slice %arg12[%add3A_10, %dma_start3A_53] : memref<16384x64xf32, #tpu.memory_space<vmem_shared>> -> memref<128x64xf32, #tpu.memory_space<vmem_shared>>
      %dma_start3A_55 = arith.constant 0 : i32
      %dma_start3A_56 = tpu.memref_slice %arg12[%add3A_10, %dma_start3A_55] : memref<16384x64xf32, #tpu.memory_space<vmem_shared>> -> memref<128x64xf32, #tpu.memory_space<vmem_shared>>
      %dma_start3A_57 = arith.constant 0 : i32
      %dma_start3A_58 = arith.constant 0 : i32
      %dma_start3A_59 = tpu.memref_slice %arg10[%dma_start3A_57, %dma_start3A_58] : memref<256x64xf32, #tpu.memory_space<vmem>> -> memref<128x64xf32, #tpu.memory_space<vmem>>
      tpu.enqueue_dma source(%dma_start3A_59 : memref<128x64xf32, #tpu.memory_space<vmem>>) target(%dma_start3A_56 : memref<128x64xf32, #tpu.memory_space<vmem_shared>>) target_semaphore(%run_scoped3A : memref<!tpu.dma_semaphore, #tpu.memory_space<semaphore_mem>>)
      %dma_wait3A_60 = arith.constant 0 : i32
      %dma_wait3A_61 = arith.constant 0 : i32
      %dma_wait3A_62 = tpu.memref_slice %arg10[%dma_wait3A_60, %dma_wait3A_61] : memref<256x64xf32, #tpu.memory_space<vmem>> -> memref<128x64xf32, #tpu.memory_space<vmem>>
      %dma_wait3A_63 = arith.constant 0 : i32
      %dma_wait3A_64 = tpu.memref_slice %arg12[%add3A_10, %dma_wait3A_63] : memref<16384x64xf32, #tpu.memory_space<vmem_shared>> -> memref<128x64xf32, #tpu.memory_space<vmem_shared>>
      %dma_wait3A_65 = arith.constant 0 : i32
      %dma_wait3A_66 = tpu.memref_slice %arg12[%add3A_10, %dma_wait3A_65] : memref<16384x64xf32, #tpu.memory_space<vmem_shared>> -> memref<128x64xf32, #tpu.memory_space<vmem_shared>>
      %dma_wait3A_67 = arith.constant 0 : i32
      %dma_wait3A_68 = arith.constant 0 : i32
      %dma_wait3A_69 = tpu.memref_slice %arg10[%dma_wait3A_67, %dma_wait3A_68] : memref<256x64xf32, #tpu.memory_space<vmem>> -> memref<128x64xf32, #tpu.memory_space<vmem>>
      tpu.wait_dma2 semaphore(%run_scoped3A : memref<!tpu.dma_semaphore, #tpu.memory_space<semaphore_mem>>) src(%dma_wait3A_69 : memref<128x64xf32, #tpu.memory_space<vmem>>) dst(%dma_wait3A_66 : memref<128x64xf32, #tpu.memory_space<vmem_shared>>)
      tpu.yield
    }) : () -> ()
    %add3A_11 = arith.constant 128 : i32
    %add3A_12 = arith.addi %mul3A_8, %add3A_11 : i32
    "tpu.region"() ({
      %run_scoped3A = tpu.sem_alloc : memref<!tpu.dma_semaphore, #tpu.memory_space<semaphore_mem>>
      %dma_start3A_50 = arith.constant 0 : i32
      %dma_start3A_51 = arith.constant 0 : i32
      %dma_start3A_52 = tpu.memref_slice %arg10[%dma_start3A_50, %dma_start3A_51] : memref<256x64xf32, #tpu.memory_space<vmem>> -> memref<128x64xf32, #tpu.memory_space<vmem>>
      %dma_start3A_53 = arith.constant 0 : i32
      %dma_start3A_54 = tpu.memref_slice %arg12[%add3A_12, %dma_start3A_53] : memref<16384x64xf32, #tpu.memory_space<vmem_shared>> -> memref<128x64xf32, #tpu.memory_space<vmem_shared>>
      %dma_start3A_55 = arith.constant 0 : i32
      %dma_start3A_56 = tpu.memref_slice %arg12[%add3A_12, %dma_start3A_55] : memref<16384x64xf32, #tpu.memory_space<vmem_shared>> -> memref<128x64xf32, #tpu.memory_space<vmem_shared>>
      %dma_start3A_57 = arith.constant 0 : i32
      %dma_start3A_58 = arith.constant 0 : i32
      %dma_start3A_59 = tpu.memref_slice %arg10[%dma_start3A_57, %dma_start3A_58] : memref<256x64xf32, #tpu.memory_space<vmem>> -> memref<128x64xf32, #tpu.memory_space<vmem>>
      tpu.enqueue_dma source(%dma_start3A_59 : memref<128x64xf32, #tpu.memory_space<vmem>>) target(%dma_start3A_56 : memref<128x64xf32, #tpu.memory_space<vmem_shared>>) target_semaphore(%run_scoped3A : memref<!tpu.dma_semaphore, #tpu.memory_space<semaphore_mem>>)
      %dma_wait3A_60 = arith.constant 0 : i32
      %dma_wait3A_61 = arith.constant 0 : i32
      %dma_wait3A_62 = tpu.memref_slice %arg10[%dma_wait3A_60, %dma_wait3A_61] : memref<256x64xf32, #tpu.memory_space<vmem>> -> memref<128x64xf32, #tpu.memory_space<vmem>>
      %dma_wait3A_63 = arith.constant 0 : i32
      %dma_wait3A_64 = tpu.memref_slice %arg12[%add3A_12, %dma_wait3A_63] : memref<16384x64xf32, #tpu.memory_space<vmem_shared>> -> memref<128x64xf32, #tpu.memory_space<vmem_shared>>
      %dma_wait3A_65 = arith.constant 0 : i32
      %dma_wait3A_66 = tpu.memref_slice %arg12[%add3A_12, %dma_wait3A_65] : memref<16384x64xf32, #tpu.memory_space<vmem_shared>> -> memref<128x64xf32, #tpu.memory_space<vmem_shared>>
      %dma_wait3A_67 = arith.constant 0 : i32
      %dma_wait3A_68 = arith.constant 0 : i32
      %dma_wait3A_69 = tpu.memref_slice %arg10[%dma_wait3A_67, %dma_wait3A_68] : memref<256x64xf32, #tpu.memory_space<vmem>> -> memref<128x64xf32, #tpu.memory_space<vmem>>
      tpu.wait_dma2 semaphore(%run_scoped3A : memref<!tpu.dma_semaphore, #tpu.memory_space<semaphore_mem>>) src(%dma_wait3A_69 : memref<128x64xf32, #tpu.memory_space<vmem>>) dst(%dma_wait3A_66 : memref<128x64xf32, #tpu.memory_space<vmem_shared>>)
      tpu.yield
    }) : () -> ()
    %add3A_13 = arith.constant 256 : i32
    %add3A_14 = arith.addi %mul3A_8, %add3A_13 : i32
    "tpu.region"() ({
      %run_scoped3A = tpu.sem_alloc : memref<!tpu.dma_semaphore, #tpu.memory_space<semaphore_mem>>
      %dma_start3A_50 = arith.constant 0 : i32
      %dma_start3A_51 = arith.constant 0 : i32
      %dma_start3A_52 = tpu.memref_slice %arg10[%dma_start3A_50, %dma_start3A_51] : memref<256x64xf32, #tpu.memory_space<vmem>> -> memref<128x64xf32, #tpu.memory_space<vmem>>
      %dma_start3A_53 = arith.constant 0 : i32
      %dma_start3A_54 = tpu.memref_slice %arg12[%add3A_14, %dma_start3A_53] : memref<16384x64xf32, #tpu.memory_space<vmem_shared>> -> memref<128x64xf32, #tpu.memory_space<vmem_shared>>
      %dma_start3A_55 = arith.constant 0 : i32
      %dma_start3A_56 = tpu.memref_slice %arg12[%add3A_14, %dma_start3A_55] : memref<16384x64xf32, #tpu.memory_space<vmem_shared>> -> memref<128x64xf32, #tpu.memory_space<vmem_shared>>
      %dma_start3A_57 = arith.constant 0 : i32
      %dma_start3A_58 = arith.constant 0 : i32
      %dma_start3A_59 = tpu.memref_slice %arg10[%dma_start3A_57, %dma_start3A_58] : memref<256x64xf32, #tpu.memory_space<vmem>> -> memref<128x64xf32, #tpu.memory_space<vmem>>
      tpu.enqueue_dma source(%dma_start3A_59 : memref<128x64xf32, #tpu.memory_space<vmem>>) target(%dma_start3A_56 : memref<128x64xf32, #tpu.memory_space<vmem_shared>>) target_semaphore(%run_scoped3A : memref<!tpu.dma_semaphore, #tpu.memory_space<semaphore_mem>>)
      %dma_wait3A_60 = arith.constant 0 : i32
      %dma_wait3A_61 = arith.constant 0 : i32
      %dma_wait3A_62 = tpu.memref_slice %arg10[%dma_wait3A_60, %dma_wait3A_61] : memref<256x64xf32, #tpu.memory_space<vmem>> -> memref<128x64xf32, #tpu.memory_space<vmem>>
      %dma_wait3A_63 = arith.constant 0 : i32
      %dma_wait3A_64 = tpu.memref_slice %arg12[%add3A_14, %dma_wait3A_63] : memref<16384x64xf32, #tpu.memory_space<vmem_shared>> -> memref<128x64xf32, #tpu.memory_space<vmem_shared>>
      %dma_wait3A_65 = arith.constant 0 : i32
      %dma_wait3A_66 = tpu.memref_slice %arg12[%add3A_14, %dma_wait3A_65] : memref<16384x64xf32, #tpu.memory_space<vmem_shared>> -> memref<128x64xf32, #tpu.memory_space<vmem_shared>>
      %dma_wait3A_67 = arith.constant 0 : i32
      %dma_wait3A_68 = arith.constant 0 : i32
      %dma_wait3A_69 = tpu.memref_slice %arg10[%dma_wait3A_67, %dma_wait3A_68] : memref<256x64xf32, #tpu.memory_space<vmem>> -> memref<128x64xf32, #tpu.memory_space<vmem>>
      tpu.wait_dma2 semaphore(%run_scoped3A : memref<!tpu.dma_semaphore, #tpu.memory_space<semaphore_mem>>) src(%dma_wait3A_69 : memref<128x64xf32, #tpu.memory_space<vmem>>) dst(%dma_wait3A_66 : memref<128x64xf32, #tpu.memory_space<vmem_shared>>)
      tpu.yield
    }) : () -> ()
    %add3A_15 = arith.constant 384 : i32
    %add3A_16 = arith.addi %mul3A_8, %add3A_15 : i32
    "tpu.region"() ({
      %run_scoped3A = tpu.sem_alloc : memref<!tpu.dma_semaphore, #tpu.memory_space<semaphore_mem>>
      %dma_start3A_50 = arith.constant 0 : i32
      %dma_start3A_51 = arith.constant 0 : i32
      %dma_start3A_52 = tpu.memref_slice %arg10[%dma_start3A_50, %dma_start3A_51] : memref<256x64xf32, #tpu.memory_space<vmem>> -> memref<128x64xf32, #tpu.memory_space<vmem>>
      %dma_start3A_53 = arith.constant 0 : i32
      %dma_start3A_54 = tpu.memref_slice %arg12[%add3A_16, %dma_start3A_53] : memref<16384x64xf32, #tpu.memory_space<vmem_shared>> -> memref<128x64xf32, #tpu.memory_space<vmem_shared>>
      %dma_start3A_55 = arith.constant 0 : i32
      %dma_start3A_56 = tpu.memref_slice %arg12[%add3A_16, %dma_start3A_55] : memref<16384x64xf32, #tpu.memory_space<vmem_shared>> -> memref<128x64xf32, #tpu.memory_space<vmem_shared>>
      %dma_start3A_57 = arith.constant 0 : i32
      %dma_start3A_58 = arith.constant 0 : i32
      %dma_start3A_59 = tpu.memref_slice %arg10[%dma_start3A_57, %dma_start3A_58] : memref<256x64xf32, #tpu.memory_space<vmem>> -> memref<128x64xf32, #tpu.memory_space<vmem>>
      tpu.enqueue_dma source(%dma_start3A_59 : memref<128x64xf32, #tpu.memory_space<vmem>>) target(%dma_start3A_56 : memref<128x64xf32, #tpu.memory_space<vmem_shared>>) target_semaphore(%run_scoped3A : memref<!tpu.dma_semaphore, #tpu.memory_space<semaphore_mem>>)
      %dma_wait3A_60 = arith.constant 0 : i32
      %dma_wait3A_61 = arith.constant 0 : i32
      %dma_wait3A_62 = tpu.memref_slice %arg10[%dma_wait3A_60, %dma_wait3A_61] : memref<256x64xf32, #tpu.memory_space<vmem>> -> memref<128x64xf32, #tpu.memory_space<vmem>>
      %dma_wait3A_63 = arith.constant 0 : i32
      %dma_wait3A_64 = tpu.memref_slice %arg12[%add3A_16, %dma_wait3A_63] : memref<16384x64xf32, #tpu.memory_space<vmem_shared>> -> memref<128x64xf32, #tpu.memory_space<vmem_shared>>
      %dma_wait3A_65 = arith.constant 0 : i32
      %dma_wait3A_66 = tpu.memref_slice %arg12[%add3A_16, %dma_wait3A_65] : memref<16384x64xf32, #tpu.memory_space<vmem_shared>> -> memref<128x64xf32, #tpu.memory_space<vmem_shared>>
      %dma_wait3A_67 = arith.constant 0 : i32
      %dma_wait3A_68 = arith.constant 0 : i32
      %dma_wait3A_69 = tpu.memref_slice %arg10[%dma_wait3A_67, %dma_wait3A_68] : memref<256x64xf32, #tpu.memory_space<vmem>> -> memref<128x64xf32, #tpu.memory_space<vmem>>
      tpu.wait_dma2 semaphore(%run_scoped3A : memref<!tpu.dma_semaphore, #tpu.memory_space<semaphore_mem>>) src(%dma_wait3A_69 : memref<128x64xf32, #tpu.memory_space<vmem>>) dst(%dma_wait3A_66 : memref<128x64xf32, #tpu.memory_space<vmem_shared>>)
      tpu.yield
    }) : () -> ()
    %add3A_17 = arith.constant 512 : i32
    %add3A_18 = arith.addi %mul3A_8, %add3A_17 : i32
    "tpu.region"() ({
      %run_scoped3A = tpu.sem_alloc : memref<!tpu.dma_semaphore, #tpu.memory_space<semaphore_mem>>
      %dma_start3A_50 = arith.constant 0 : i32
      %dma_start3A_51 = arith.constant 0 : i32
      %dma_start3A_52 = tpu.memref_slice %arg10[%dma_start3A_50, %dma_start3A_51] : memref<256x64xf32, #tpu.memory_space<vmem>> -> memref<128x64xf32, #tpu.memory_space<vmem>>
      %dma_start3A_53 = arith.constant 0 : i32
      %dma_start3A_54 = tpu.memref_slice %arg12[%add3A_18, %dma_start3A_53] : memref<16384x64xf32, #tpu.memory_space<vmem_shared>> -> memref<128x64xf32, #tpu.memory_space<vmem_shared>>
      %dma_start3A_55 = arith.constant 0 : i32
      %dma_start3A_56 = tpu.memref_slice %arg12[%add3A_18, %dma_start3A_55] : memref<16384x64xf32, #tpu.memory_space<vmem_shared>> -> memref<128x64xf32, #tpu.memory_space<vmem_shared>>
      %dma_start3A_57 = arith.constant 0 : i32
      %dma_start3A_58 = arith.constant 0 : i32
      %dma_start3A_59 = tpu.memref_slice %arg10[%dma_start3A_57, %dma_start3A_58] : memref<256x64xf32, #tpu.memory_space<vmem>> -> memref<128x64xf32, #tpu.memory_space<vmem>>
      tpu.enqueue_dma source(%dma_start3A_59 : memref<128x64xf32, #tpu.memory_space<vmem>>) target(%dma_start3A_56 : memref<128x64xf32, #tpu.memory_space<vmem_shared>>) target_semaphore(%run_scoped3A : memref<!tpu.dma_semaphore, #tpu.memory_space<semaphore_mem>>)
      %dma_wait3A_60 = arith.constant 0 : i32
      %dma_wait3A_61 = arith.constant 0 : i32
      %dma_wait3A_62 = tpu.memref_slice %arg10[%dma_wait3A_60, %dma_wait3A_61] : memref<256x64xf32, #tpu.memory_space<vmem>> -> memref<128x64xf32, #tpu.memory_space<vmem>>
      %dma_wait3A_63 = arith.constant 0 : i32
      %dma_wait3A_64 = tpu.memref_slice %arg12[%add3A_18, %dma_wait3A_63] : memref<16384x64xf32, #tpu.memory_space<vmem_shared>> -> memref<128x64xf32, #tpu.memory_space<vmem_shared>>
      %dma_wait3A_65 = arith.constant 0 : i32
      %dma_wait3A_66 = tpu.memref_slice %arg12[%add3A_18, %dma_wait3A_65] : memref<16384x64xf32, #tpu.memory_space<vmem_shared>> -> memref<128x64xf32, #tpu.memory_space<vmem_shared>>
      %dma_wait3A_67 = arith.constant 0 : i32
      %dma_wait3A_68 = arith.constant 0 : i32
      %dma_wait3A_69 = tpu.memref_slice %arg10[%dma_wait3A_67, %dma_wait3A_68] : memref<256x64xf32, #tpu.memory_space<vmem>> -> memref<128x64xf32, #tpu.memory_space<vmem>>
      tpu.wait_dma2 semaphore(%run_scoped3A : memref<!tpu.dma_semaphore, #tpu.memory_space<semaphore_mem>>) src(%dma_wait3A_69 : memref<128x64xf32, #tpu.memory_space<vmem>>) dst(%dma_wait3A_66 : memref<128x64xf32, #tpu.memory_space<vmem_shared>>)
      tpu.yield
    }) : () -> ()
    %add3A_19 = arith.constant 640 : i32
    %add3A_20 = arith.addi %mul3A_8, %add3A_19 : i32
    "tpu.region"() ({
      %run_scoped3A = tpu.sem_alloc : memref<!tpu.dma_semaphore, #tpu.memory_space<semaphore_mem>>
      %dma_start3A_50 = arith.constant 0 : i32
      %dma_start3A_51 = arith.constant 0 : i32
      %dma_start3A_52 = tpu.memref_slice %arg10[%dma_start3A_50, %dma_start3A_51] : memref<256x64xf32, #tpu.memory_space<vmem>> -> memref<128x64xf32, #tpu.memory_space<vmem>>
      %dma_start3A_53 = arith.constant 0 : i32
      %dma_start3A_54 = tpu.memref_slice %arg12[%add3A_20, %dma_start3A_53] : memref<16384x64xf32, #tpu.memory_space<vmem_shared>> -> memref<128x64xf32, #tpu.memory_space<vmem_shared>>
      %dma_start3A_55 = arith.constant 0 : i32
      %dma_start3A_56 = tpu.memref_slice %arg12[%add3A_20, %dma_start3A_55] : memref<16384x64xf32, #tpu.memory_space<vmem_shared>> -> memref<128x64xf32, #tpu.memory_space<vmem_shared>>
      %dma_start3A_57 = arith.constant 0 : i32
      %dma_start3A_58 = arith.constant 0 : i32
      %dma_start3A_59 = tpu.memref_slice %arg10[%dma_start3A_57, %dma_start3A_58] : memref<256x64xf32, #tpu.memory_space<vmem>> -> memref<128x64xf32, #tpu.memory_space<vmem>>
      tpu.enqueue_dma source(%dma_start3A_59 : memref<128x64xf32, #tpu.memory_space<vmem>>) target(%dma_start3A_56 : memref<128x64xf32, #tpu.memory_space<vmem_shared>>) target_semaphore(%run_scoped3A : memref<!tpu.dma_semaphore, #tpu.memory_space<semaphore_mem>>)
      %dma_wait3A_60 = arith.constant 0 : i32
      %dma_wait3A_61 = arith.constant 0 : i32
      %dma_wait3A_62 = tpu.memref_slice %arg10[%dma_wait3A_60, %dma_wait3A_61] : memref<256x64xf32, #tpu.memory_space<vmem>> -> memref<128x64xf32, #tpu.memory_space<vmem>>
      %dma_wait3A_63 = arith.constant 0 : i32
      %dma_wait3A_64 = tpu.memref_slice %arg12[%add3A_20, %dma_wait3A_63] : memref<16384x64xf32, #tpu.memory_space<vmem_shared>> -> memref<128x64xf32, #tpu.memory_space<vmem_shared>>
      %dma_wait3A_65 = arith.constant 0 : i32
      %dma_wait3A_66 = tpu.memref_slice %arg12[%add3A_20, %dma_wait3A_65] : memref<16384x64xf32, #tpu.memory_space<vmem_shared>> -> memref<128x64xf32, #tpu.memory_space<vmem_shared>>
      %dma_wait3A_67 = arith.constant 0 : i32
      %dma_wait3A_68 = arith.constant 0 : i32
      %dma_wait3A_69 = tpu.memref_slice %arg10[%dma_wait3A_67, %dma_wait3A_68] : memref<256x64xf32, #tpu.memory_space<vmem>> -> memref<128x64xf32, #tpu.memory_space<vmem>>
      tpu.wait_dma2 semaphore(%run_scoped3A : memref<!tpu.dma_semaphore, #tpu.memory_space<semaphore_mem>>) src(%dma_wait3A_69 : memref<128x64xf32, #tpu.memory_space<vmem>>) dst(%dma_wait3A_66 : memref<128x64xf32, #tpu.memory_space<vmem_shared>>)
      tpu.yield
    }) : () -> ()
    %add3A_21 = arith.constant 768 : i32
    %add3A_22 = arith.addi %mul3A_8, %add3A_21 : i32
    "tpu.region"() ({
      %run_scoped3A = tpu.sem_alloc : memref<!tpu.dma_semaphore, #tpu.memory_space<semaphore_mem>>
      %dma_start3A_50 = arith.constant 0 : i32
      %dma_start3A_51 = arith.constant 0 : i32
      %dma_start3A_52 = tpu.memref_slice %arg10[%dma_start3A_50, %dma_start3A_51] : memref<256x64xf32, #tpu.memory_space<vmem>> -> memref<128x64xf32, #tpu.memory_space<vmem>>
      %dma_start3A_53 = arith.constant 0 : i32
      %dma_start3A_54 = tpu.memref_slice %arg12[%add3A_22, %dma_start3A_53] : memref<16384x64xf32, #tpu.memory_space<vmem_shared>> -> memref<128x64xf32, #tpu.memory_space<vmem_shared>>
      %dma_start3A_55 = arith.constant 0 : i32
      %dma_start3A_56 = tpu.memref_slice %arg12[%add3A_22, %dma_start3A_55] : memref<16384x64xf32, #tpu.memory_space<vmem_shared>> -> memref<128x64xf32, #tpu.memory_space<vmem_shared>>
      %dma_start3A_57 = arith.constant 0 : i32
      %dma_start3A_58 = arith.constant 0 : i32
      %dma_start3A_59 = tpu.memref_slice %arg10[%dma_start3A_57, %dma_start3A_58] : memref<256x64xf32, #tpu.memory_space<vmem>> -> memref<128x64xf32, #tpu.memory_space<vmem>>
      tpu.enqueue_dma source(%dma_start3A_59 : memref<128x64xf32, #tpu.memory_space<vmem>>) target(%dma_start3A_56 : memref<128x64xf32, #tpu.memory_space<vmem_shared>>) target_semaphore(%run_scoped3A : memref<!tpu.dma_semaphore, #tpu.memory_space<semaphore_mem>>)
      %dma_wait3A_60 = arith.constant 0 : i32
      %dma_wait3A_61 = arith.constant 0 : i32
      %dma_wait3A_62 = tpu.memref_slice %arg10[%dma_wait3A_60, %dma_wait3A_61] : memref<256x64xf32, #tpu.memory_space<vmem>> -> memref<128x64xf32, #tpu.memory_space<vmem>>
      %dma_wait3A_63 = arith.constant 0 : i32
      %dma_wait3A_64 = tpu.memref_slice %arg12[%add3A_22, %dma_wait3A_63] : memref<16384x64xf32, #tpu.memory_space<vmem_shared>> -> memref<128x64xf32, #tpu.memory_space<vmem_shared>>
      %dma_wait3A_65 = arith.constant 0 : i32
      %dma_wait3A_66 = tpu.memref_slice %arg12[%add3A_22, %dma_wait3A_65] : memref<16384x64xf32, #tpu.memory_space<vmem_shared>> -> memref<128x64xf32, #tpu.memory_space<vmem_shared>>
      %dma_wait3A_67 = arith.constant 0 : i32
      %dma_wait3A_68 = arith.constant 0 : i32
      %dma_wait3A_69 = tpu.memref_slice %arg10[%dma_wait3A_67, %dma_wait3A_68] : memref<256x64xf32, #tpu.memory_space<vmem>> -> memref<128x64xf32, #tpu.memory_space<vmem>>
      tpu.wait_dma2 semaphore(%run_scoped3A : memref<!tpu.dma_semaphore, #tpu.memory_space<semaphore_mem>>) src(%dma_wait3A_69 : memref<128x64xf32, #tpu.memory_space<vmem>>) dst(%dma_wait3A_66 : memref<128x64xf32, #tpu.memory_space<vmem_shared>>)
      tpu.yield
    }) : () -> ()
    %add3A_23 = arith.constant 896 : i32
    %add3A_24 = arith.addi %mul3A_8, %add3A_23 : i32
    "tpu.region"() ({
      %run_scoped3A = tpu.sem_alloc : memref<!tpu.dma_semaphore, #tpu.memory_space<semaphore_mem>>
      %dma_start3A_50 = arith.constant 0 : i32
      %dma_start3A_51 = arith.constant 0 : i32
      %dma_start3A_52 = tpu.memref_slice %arg10[%dma_start3A_50, %dma_start3A_51] : memref<256x64xf32, #tpu.memory_space<vmem>> -> memref<128x64xf32, #tpu.memory_space<vmem>>
      %dma_start3A_53 = arith.constant 0 : i32
      %dma_start3A_54 = tpu.memref_slice %arg12[%add3A_24, %dma_start3A_53] : memref<16384x64xf32, #tpu.memory_space<vmem_shared>> -> memref<128x64xf32, #tpu.memory_space<vmem_shared>>
      %dma_start3A_55 = arith.constant 0 : i32
      %dma_start3A_56 = tpu.memref_slice %arg12[%add3A_24, %dma_start3A_55] : memref<16384x64xf32, #tpu.memory_space<vmem_shared>> -> memref<128x64xf32, #tpu.memory_space<vmem_shared>>
      %dma_start3A_57 = arith.constant 0 : i32
      %dma_start3A_58 = arith.constant 0 : i32
      %dma_start3A_59 = tpu.memref_slice %arg10[%dma_start3A_57, %dma_start3A_58] : memref<256x64xf32, #tpu.memory_space<vmem>> -> memref<128x64xf32, #tpu.memory_space<vmem>>
      tpu.enqueue_dma source(%dma_start3A_59 : memref<128x64xf32, #tpu.memory_space<vmem>>) target(%dma_start3A_56 : memref<128x64xf32, #tpu.memory_space<vmem_shared>>) target_semaphore(%run_scoped3A : memref<!tpu.dma_semaphore, #tpu.memory_space<semaphore_mem>>)
      %dma_wait3A_60 = arith.constant 0 : i32
      %dma_wait3A_61 = arith.constant 0 : i32
      %dma_wait3A_62 = tpu.memref_slice %arg10[%dma_wait3A_60, %dma_wait3A_61] : memref<256x64xf32, #tpu.memory_space<vmem>> -> memref<128x64xf32, #tpu.memory_space<vmem>>
      %dma_wait3A_63 = arith.constant 0 : i32
      %dma_wait3A_64 = tpu.memref_slice %arg12[%add3A_24, %dma_wait3A_63] : memref<16384x64xf32, #tpu.memory_space<vmem_shared>> -> memref<128x64xf32, #tpu.memory_space<vmem_shared>>
      %dma_wait3A_65 = arith.constant 0 : i32
      %dma_wait3A_66 = tpu.memref_slice %arg12[%add3A_24, %dma_wait3A_65] : memref<16384x64xf32, #tpu.memory_space<vmem_shared>> -> memref<128x64xf32, #tpu.memory_space<vmem_shared>>
      %dma_wait3A_67 = arith.constant 0 : i32
      %dma_wait3A_68 = arith.constant 0 : i32
      %dma_wait3A_69 = tpu.memref_slice %arg10[%dma_wait3A_67, %dma_wait3A_68] : memref<256x64xf32, #tpu.memory_space<vmem>> -> memref<128x64xf32, #tpu.memory_space<vmem>>
      tpu.wait_dma2 semaphore(%run_scoped3A : memref<!tpu.dma_semaphore, #tpu.memory_space<semaphore_mem>>) src(%dma_wait3A_69 : memref<128x64xf32, #tpu.memory_space<vmem>>) dst(%dma_wait3A_66 : memref<128x64xf32, #tpu.memory_space<vmem_shared>>)
      tpu.yield
    }) : () -> ()
    %mul3A_25 = arith.constant 72 : i32
    %mul3A_26 = arith.muli %add3A, %mul3A_25 : i32
    %mul3A_27 = arith.constant 128 : i32
    %mul3A_28 = arith.muli %mul3A_26, %mul3A_27 : i32
    "tpu.region"() ({
      %run_scoped3A = tpu.sem_alloc : memref<!tpu.dma_semaphore, #tpu.memory_space<semaphore_mem>>
      %dma_start3A_50 = tpu.memref_slice %arg5[%mul3A_28] : memref<294912xi32, #tpu.memory_space<hbm>> -> memref<9216xi32, #tpu.memory_space<hbm>>
      %dma_start3A_51 = tpu.memref_slice %arg5[%mul3A_28] : memref<294912xi32, #tpu.memory_space<hbm>> -> memref<9216xi32, #tpu.memory_space<hbm>>
      tpu.enqueue_dma source(%dma_start3A_51 : memref<9216xi32, #tpu.memory_space<hbm>>) target(%arg7 : memref<9216xi32, #tpu.memory_space<vmem>>) target_semaphore(%run_scoped3A : memref<!tpu.dma_semaphore, #tpu.memory_space<semaphore_mem>>)
      %dma_wait3A_52 = tpu.memref_slice %arg5[%mul3A_28] : memref<294912xi32, #tpu.memory_space<hbm>> -> memref<9216xi32, #tpu.memory_space<hbm>>
      %dma_wait3A_53 = tpu.memref_slice %arg5[%mul3A_28] : memref<294912xi32, #tpu.memory_space<hbm>> -> memref<9216xi32, #tpu.memory_space<hbm>>
      tpu.wait_dma2 semaphore(%run_scoped3A : memref<!tpu.dma_semaphore, #tpu.memory_space<semaphore_mem>>) src(%dma_wait3A_53 : memref<9216xi32, #tpu.memory_space<hbm>>) dst(%arg7 : memref<9216xi32, #tpu.memory_space<vmem>>)
      tpu.yield
    }) : () -> ()
    "tpu.region"() ({
      %run_scoped3A = tpu.sem_alloc : memref<!tpu.dma_semaphore, #tpu.memory_space<semaphore_mem>>
      %dma_start3A_50 = tpu.memref_slice %arg4[%mul3A_28] : memref<294912xi32, #tpu.memory_space<hbm>> -> memref<9216xi32, #tpu.memory_space<hbm>>
      %dma_start3A_51 = tpu.memref_slice %arg4[%mul3A_28] : memref<294912xi32, #tpu.memory_space<hbm>> -> memref<9216xi32, #tpu.memory_space<hbm>>
      tpu.enqueue_dma source(%dma_start3A_51 : memref<9216xi32, #tpu.memory_space<hbm>>) target(%arg8 : memref<9216xi32, #tpu.memory_space<vmem>>) target_semaphore(%run_scoped3A : memref<!tpu.dma_semaphore, #tpu.memory_space<semaphore_mem>>)
      %dma_wait3A_52 = tpu.memref_slice %arg4[%mul3A_28] : memref<294912xi32, #tpu.memory_space<hbm>> -> memref<9216xi32, #tpu.memory_space<hbm>>
      %dma_wait3A_53 = tpu.memref_slice %arg4[%mul3A_28] : memref<294912xi32, #tpu.memory_space<hbm>> -> memref<9216xi32, #tpu.memory_space<hbm>>
      tpu.wait_dma2 semaphore(%run_scoped3A : memref<!tpu.dma_semaphore, #tpu.memory_space<semaphore_mem>>) src(%dma_wait3A_53 : memref<9216xi32, #tpu.memory_space<hbm>>) dst(%arg8 : memref<9216xi32, #tpu.memory_space<vmem>>)
      tpu.yield
    }) : () -> ()
    "tpu.region"() ({
      %run_scoped3A = tpu.sem_alloc : memref<!tpu.dma_semaphore, #tpu.memory_space<semaphore_mem>>
      %dma_start3A_50 = tpu.memref_slice %arg3[%mul3A_28] : memref<294912xf32, #tpu.memory_space<hbm>> -> memref<9216xf32, #tpu.memory_space<hbm>>
      %dma_start3A_51 = tpu.memref_slice %arg3[%mul3A_28] : memref<294912xf32, #tpu.memory_space<hbm>> -> memref<9216xf32, #tpu.memory_space<hbm>>
      tpu.enqueue_dma source(%dma_start3A_51 : memref<9216xf32, #tpu.memory_space<hbm>>) target(%arg9 : memref<9216xf32, #tpu.memory_space<vmem>>) target_semaphore(%run_scoped3A : memref<!tpu.dma_semaphore, #tpu.memory_space<semaphore_mem>>)
      %dma_wait3A_52 = tpu.memref_slice %arg3[%mul3A_28] : memref<294912xf32, #tpu.memory_space<hbm>> -> memref<9216xf32, #tpu.memory_space<hbm>>
      %dma_wait3A_53 = tpu.memref_slice %arg3[%mul3A_28] : memref<294912xf32, #tpu.memory_space<hbm>> -> memref<9216xf32, #tpu.memory_space<hbm>>
      tpu.wait_dma2 semaphore(%run_scoped3A : memref<!tpu.dma_semaphore, #tpu.memory_space<semaphore_mem>>) src(%dma_wait3A_53 : memref<9216xf32, #tpu.memory_space<hbm>>) dst(%arg9 : memref<9216xf32, #tpu.memory_space<vmem>>)
      tpu.yield
    }) : () -> ()
    %barrier3A = arith.constant 0 : index
    tpu.barrier barrier_id(%barrier3A)
    %dma_start3A = arith.constant 0 : i32
    %dma_start3A_29 = tpu.memref_slice %arg7[%dma_start3A] : memref<9216xi32, #tpu.memory_space<vmem>> -> memref<256xi32, #tpu.memory_space<vmem>>
    %dma_start3A_30 = arith.constant 0 : i32
    %dma_start3A_31 = arith.constant 0 : i32
    %dma_start3A_32 = tpu.memref_slice %arg2[%dma_start3A_30, %dma_start3A_31] : memref<16384x64xf32, #tpu.memory_space<hbm>> -> memref<16384x64xf32, #tpu.memory_space<hbm>>
    tpu.enqueue_indirect_dma source(%dma_start3A_32 : memref<16384x64xf32, #tpu.memory_space<hbm>>) target(%arg10 : memref<256x64xf32, #tpu.memory_space<vmem>>) offsets(%dma_start3A_29 : memref<256xi32, #tpu.memory_space<vmem>>) semaphore(%arg13 : memref<!tpu.dma_semaphore, #tpu.memory_space<semaphore_mem>>)
    %scan3A_33 = arith.constant 0 : i32
    %scan3A_34 = arith.constant 0 : i32
    %scan3A_35 = arith.constant 18 : i32
    %scan3A_36 = arith.addi %scan3A_34, %scan3A_35 : i32
    %scan3A_37 = arith.constant 1 : i32
    %scan3A_38 = scf.for %scan3A_50 = %scan3A_34 to %scan3A_36 step %scan3A_37 iter_args(%scan3A_51 = %scan3A_33) -> (i32)  : i32 {
      %mul3A_52 = arith.constant 2 : i32
      %mul3A_53 = arith.muli %mul3A_52, %scan3A_50 : i32
      %dma_wait3A_54 = arith.constant 0 : i32
      %dma_wait3A_55 = tpu.memref_slice %arg7[%dma_wait3A_54] : memref<9216xi32, #tpu.memory_space<vmem>> -> memref<256xi32, #tpu.memory_space<vmem>>
      %dma_wait3A_56 = arith.constant 0 : i32
      %dma_wait3A_57 = arith.constant 0 : i32
      %dma_wait3A_58 = tpu.memref_slice %arg2[%dma_wait3A_56, %dma_wait3A_57] : memref<16384x64xf32, #tpu.memory_space<hbm>> -> memref<16384x64xf32, #tpu.memory_space<hbm>>
      tpu.wait_indirect_dma semaphore(%arg13 : memref<!tpu.dma_semaphore, #tpu.memory_space<semaphore_mem>>) src(%dma_wait3A_58 : memref<16384x64xf32, #tpu.memory_space<hbm>>) dst(%arg10 : memref<256x64xf32, #tpu.memory_space<vmem>>)
      %gt3A = arith.constant 0 : i32
      %gt3A_59 = arith.cmpi sgt, %scan3A_50, %gt3A : i32
      %convert_element_type3A = arith.extui %gt3A_59 : i1 to i32
      %cond3A = arith.constant 0 : i32
      %cond3A_60 = arith.cmpi ne, %convert_element_type3A, %cond3A : i32
      scf.if %cond3A_60 {
        %dma_wait3A_114 = arith.constant 0 : i32
        %dma_wait3A_115 = tpu.memref_slice %arg8[%dma_wait3A_114] : memref<9216xi32, #tpu.memory_space<vmem>> -> memref<256xi32, #tpu.memory_space<vmem>>
        %dma_wait3A_116 = arith.constant 0 : i32
        %dma_wait3A_117 = arith.constant 0 : i32
        %dma_wait3A_118 = tpu.memref_slice %arg12[%dma_wait3A_116, %dma_wait3A_117] : memref<16384x64xf32, #tpu.memory_space<vmem_shared>> -> memref<16384x64xf32, #tpu.memory_space<vmem_shared>>
        tpu.wait_indirect_dma semaphore(%arg16 : memref<!tpu.dma_semaphore, #tpu.memory_space<semaphore_mem>>) src(%arg11 : memref<256x64xf32, #tpu.memory_space<vmem>>) dst(%dma_wait3A_118 : memref<16384x64xf32, #tpu.memory_space<vmem_shared>>)
      } else {
      }
      %add3A_61 = arith.constant 1 : i32
      %add3A_62 = arith.addi %mul3A_53, %add3A_61 : i32
      %mul3A_63 = arith.constant 256 : i32
      %mul3A_64 = arith.muli %mul3A_63, %add3A_62 : i32
      %dma_start3A_65 = tpu.memref_slice %arg7[%mul3A_64] : memref<9216xi32, #tpu.memory_space<vmem>> -> memref<256xi32, #tpu.memory_space<vmem>>
      %dma_start3A_66 = arith.constant 0 : i32
      %dma_start3A_67 = arith.constant 0 : i32
      %dma_start3A_68 = tpu.memref_slice %arg2[%dma_start3A_66, %dma_start3A_67] : memref<16384x64xf32, #tpu.memory_space<hbm>> -> memref<16384x64xf32, #tpu.memory_space<hbm>>
      tpu.enqueue_indirect_dma source(%dma_start3A_68 : memref<16384x64xf32, #tpu.memory_space<hbm>>) target(%arg11 : memref<256x64xf32, #tpu.memory_space<vmem>>) offsets(%dma_start3A_65 : memref<256xi32, #tpu.memory_space<vmem>>) semaphore(%arg14 : memref<!tpu.dma_semaphore, #tpu.memory_space<semaphore_mem>>)
      %scan3A_69 = arith.constant 0 : i32
      %scan3A_70 = arith.constant 0 : i32
      %scan3A_71 = arith.constant 16 : i32
      %scan3A_72 = arith.addi %scan3A_70, %scan3A_71 : i32
      %scan3A_73 = arith.constant 1 : i32
      %scan3A_74 = scf.for %scan3A_114 = %scan3A_70 to %scan3A_72 step %scan3A_73 iter_args(%scan3A_115 = %scan3A_69) -> (i32)  : i32 {
        %mul3A_116 = arith.constant 16 : i32
        %mul3A_117 = arith.muli %scan3A_114, %mul3A_116 : i32
        %mul3A_118 = arith.constant 2 : i32
        %mul3A_119 = arith.muli %mul3A_53, %mul3A_118 : i32
        %mul3A_120 = arith.constant 128 : i32
        %mul3A_121 = arith.muli %mul3A_119, %mul3A_120 : i32
        %add3A_122 = arith.addi %mul3A_121, %mul3A_117 : i32
        %get3A = arith.index_cast %add3A_122 : i32 to index
        %get3A_123 = tpu.vector_load %arg9[%get3A] {strides = array<i32>} : memref<9216xf32, #tpu.memory_space<vmem>>, vector<16xf32>,
        %get3A_124 = vector.shape_cast %get3A_123 : vector<16xf32> to vector<16xf32>
        %broadcast_in_dim3A = arith.constant 0 : i32
        %broadcast_in_dim3A_125 = vector.broadcast %broadcast_in_dim3A : i32 to vector<16x1xi32>
        %gather3A = vector.shape_cast %broadcast_in_dim3A_125 : vector<16x1xi32> to vector<16xi32>
        %gather3A_126 = tpu.dynamic_gather %get3A_124[%gather3A] in [0] : vector<16xf32>, vector<16xi32> -> vector<16xf32>
        %add3A_127 = arith.constant 0 : i32
        %add3A_128 = arith.addi %mul3A_117, %add3A_127 : i32
        %get3A_129 = arith.index_cast %add3A_128 : i32 to index
        %get3A_130 = arith.constant 0 : index
        %get3A_131 = tpu.vector_load %arg10[%get3A_129, %get3A_130] {strides = array<i32>} : memref<256x64xf32, #tpu.memory_space<vmem>>, vector<1x16xf32>,
        %get3A_132 = vector.shape_cast %get3A_131 : vector<1x16xf32> to vector<16xf32>
        %mul3A_133 = arith.mulf %get3A_132, %gather3A_126 : vector<16xf32>
        %add3A_134 = arith.constant 0 : i32
        %add3A_135 = arith.addi %mul3A_117, %add3A_134 : i32
        %swap3A = arith.index_cast %add3A_135 : i32 to index
        %swap3A_136 = arith.constant 0 : index
        %swap3A_137 = tpu.vector_load %arg10[%swap3A, %swap3A_136] {strides = array<i32>} : memref<256x64xf32, #tpu.memory_space<vmem>>, vector<1x16xf32>,
        %swap3A_138 = vector.shape_cast %swap3A_137 : vector<1x16xf32> to vector<16xf32>
        %swap3A_139 = vector.shape_cast %mul3A_133 : vector<16xf32> to vector<1x16xf32>
        tpu.vector_store %arg10[%swap3A, %swap3A_136], %swap3A_139 {strides = array<i32>} : memref<256x64xf32, #tpu.memory_space<vmem>>, vector<1x16xf32>,
        %add3A_140 = arith.constant 0 : i32
        %add3A_141 = arith.addi %mul3A_117, %add3A_140 : i32
        %get3A_142 = arith.index_cast %add3A_141 : i32 to index
        %get3A_143 = arith.constant 16 : index
        %get3A_144 = tpu.vector_load %arg10[%get3A_142, %get3A_143] {strides = array<i32>} : memref<256x64xf32, #tpu.memory_space<vmem>>, vector<1x16xf32>,
        %get3A_145 = vector.shape_cast %get3A_144 : vector<1x16xf32> to vector<16xf32>
        %mul3A_146 = arith.mulf %get3A_145, %gather3A_126 : vector<16xf32>
        %add3A_147 = arith.constant 0 : i32
        %add3A_148 = arith.addi %mul3A_117, %add3A_147 : i32
        %swap3A_149 = arith.index_cast %add3A_148 : i32 to index
        %swap3A_150 = arith.constant 16 : index
        %swap3A_151 = tpu.vector_load %arg10[%swap3A_149, %swap3A_150] {strides = array<i32>} : memref<256x64xf32, #tpu.memory_space<vmem>>, vector<1x16xf32>,
        %swap3A_152 = vector.shape_cast %swap3A_151 : vector<1x16xf32> to vector<16xf32>
        %swap3A_153 = vector.shape_cast %mul3A_146 : vector<16xf32> to vector<1x16xf32>
        tpu.vector_store %arg10[%swap3A_149, %swap3A_150], %swap3A_153 {strides = array<i32>} : memref<256x64xf32, #tpu.memory_space<vmem>>, vector<1x16xf32>,
        %add3A_154 = arith.constant 0 : i32
        %add3A_155 = arith.addi %mul3A_117, %add3A_154 : i32
        %get3A_156 = arith.index_cast %add3A_155 : i32 to index
        %get3A_157 = arith.constant 32 : index
        %get3A_158 = tpu.vector_load %arg10[%get3A_156, %get3A_157] {strides = array<i32>} : memref<256x64xf32, #tpu.memory_space<vmem>>, vector<1x16xf32>,
        %get3A_159 = vector.shape_cast %get3A_158 : vector<1x16xf32> to vector<16xf32>
        %mul3A_160 = arith.mulf %get3A_159, %gather3A_126 : vector<16xf32>
        %add3A_161 = arith.constant 0 : i32
        %add3A_162 = arith.addi %mul3A_117, %add3A_161 : i32
        %swap3A_163 = arith.index_cast %add3A_162 : i32 to index
        %swap3A_164 = arith.constant 32 : index
        %swap3A_165 = tpu.vector_load %arg10[%swap3A_163, %swap3A_164] {strides = array<i32>} : memref<256x64xf32, #tpu.memory_space<vmem>>, vector<1x16xf32>,
        %swap3A_166 = vector.shape_cast %swap3A_165 : vector<1x16xf32> to vector<16xf32>
        %swap3A_167 = vector.shape_cast %mul3A_160 : vector<16xf32> to vector<1x16xf32>
        tpu.vector_store %arg10[%swap3A_163, %swap3A_164], %swap3A_167 {strides = array<i32>} : memref<256x64xf32, #tpu.memory_space<vmem>>, vector<1x16xf32>,
        %add3A_168 = arith.constant 0 : i32
        %add3A_169 = arith.addi %mul3A_117, %add3A_168 : i32
        %get3A_170 = arith.index_cast %add3A_169 : i32 to index
        %get3A_171 = arith.constant 48 : index
        %get3A_172 = tpu.vector_load %arg10[%get3A_170, %get3A_171] {strides = array<i32>} : memref<256x64xf32, #tpu.memory_space<vmem>>, vector<1x16xf32>,
        %get3A_173 = vector.shape_cast %get3A_172 : vector<1x16xf32> to vector<16xf32>
        %mul3A_174 = arith.mulf %get3A_173, %gather3A_126 : vector<16xf32>
        %add3A_175 = arith.constant 0 : i32
        %add3A_176 = arith.addi %mul3A_117, %add3A_175 : i32
        %swap3A_177 = arith.index_cast %add3A_176 : i32 to index
        %swap3A_178 = arith.constant 48 : index
        %swap3A_179 = tpu.vector_load %arg10[%swap3A_177, %swap3A_178] {strides = array<i32>} : memref<256x64xf32, #tpu.memory_space<vmem>>, vector<1x16xf32>,
        %swap3A_180 = vector.shape_cast %swap3A_179 : vector<1x16xf32> to vector<16xf32>
        %swap3A_181 = vector.shape_cast %mul3A_174 : vector<16xf32> to vector<1x16xf32>
        tpu.vector_store %arg10[%swap3A_177, %swap3A_178], %swap3A_181 {strides = array<i32>} : memref<256x64xf32, #tpu.memory_space<vmem>>, vector<1x16xf32>,
        %broadcast_in_dim3A_182 = arith.constant 1 : i32
        %broadcast_in_dim3A_183 = vector.broadcast %broadcast_in_dim3A_182 : i32 to vector<16x1xi32>
        %gather3A_184 = vector.shape_cast %broadcast_in_dim3A_183 : vector<16x1xi32> to vector<16xi32>
        %gather3A_185 = tpu.dynamic_gather %get3A_124[%gather3A_184] in [0] : vector<16xf32>, vector<16xi32> -> vector<16xf32>
        %add3A_186 = arith.constant 1 : i32
        %add3A_187 = arith.addi %mul3A_117, %add3A_186 : i32
        %get3A_188 = arith.index_cast %add3A_187 : i32 to index
        %get3A_189 = arith.constant 0 : index
        %get3A_190 = tpu.vector_load %arg10[%get3A_188, %get3A_189] {strides = array<i32>} : memref<256x64xf32, #tpu.memory_space<vmem>>, vector<1x16xf32>,
        %get3A_191 = vector.shape_cast %get3A_190 : vector<1x16xf32> to vector<16xf32>
        %mul3A_192 = arith.mulf %get3A_191, %gather3A_185 : vector<16xf32>
        %add3A_193 = arith.constant 1 : i32
        %add3A_194 = arith.addi %mul3A_117, %add3A_193 : i32
        %swap3A_195 = arith.index_cast %add3A_194 : i32 to index
        %swap3A_196 = arith.constant 0 : index
        %swap3A_197 = tpu.vector_load %arg10[%swap3A_195, %swap3A_196] {strides = array<i32>} : memref<256x64xf32, #tpu.memory_space<vmem>>, vector<1x16xf32>,
        %swap3A_198 = vector.shape_cast %swap3A_197 : vector<1x16xf32> to vector<16xf32>
        %swap3A_199 = vector.shape_cast %mul3A_192 : vector<16xf32> to vector<1x16xf32>
        tpu.vector_store %arg10[%swap3A_195, %swap3A_196], %swap3A_199 {strides = array<i32>} : memref<256x64xf32, #tpu.memory_space<vmem>>, vector<1x16xf32>,
        %add3A_200 = arith.constant 1 : i32
        %add3A_201 = arith.addi %mul3A_117, %add3A_200 : i32
        %get3A_202 = arith.index_cast %add3A_201 : i32 to index
        %get3A_203 = arith.constant 16 : index
        %get3A_204 = tpu.vector_load %arg10[%get3A_202, %get3A_203] {strides = array<i32>} : memref<256x64xf32, #tpu.memory_space<vmem>>, vector<1x16xf32>,
        %get3A_205 = vector.shape_cast %get3A_204 : vector<1x16xf32> to vector<16xf32>
        %mul3A_206 = arith.mulf %get3A_205, %gather3A_185 : vector<16xf32>
        %add3A_207 = arith.constant 1 : i32
        %add3A_208 = arith.addi %mul3A_117, %add3A_207 : i32
        %swap3A_209 = arith.index_cast %add3A_208 : i32 to index
        %swap3A_210 = arith.constant 16 : index
        %swap3A_211 = tpu.vector_load %arg10[%swap3A_209, %swap3A_210] {strides = array<i32>} : memref<256x64xf32, #tpu.memory_space<vmem>>, vector<1x16xf32>,
        %swap3A_212 = vector.shape_cast %swap3A_211 : vector<1x16xf32> to vector<16xf32>
        %swap3A_213 = vector.shape_cast %mul3A_206 : vector<16xf32> to vector<1x16xf32>
        tpu.vector_store %arg10[%swap3A_209, %swap3A_210], %swap3A_213 {strides = array<i32>} : memref<256x64xf32, #tpu.memory_space<vmem>>, vector<1x16xf32>,
        %add3A_214 = arith.constant 1 : i32
        %add3A_215 = arith.addi %mul3A_117, %add3A_214 : i32
        %get3A_216 = arith.index_cast %add3A_215 : i32 to index
        %get3A_217 = arith.constant 32 : index
        %get3A_218 = tpu.vector_load %arg10[%get3A_216, %get3A_217] {strides = array<i32>} : memref<256x64xf32, #tpu.memory_space<vmem>>, vector<1x16xf32>,
        %get3A_219 = vector.shape_cast %get3A_218 : vector<1x16xf32> to vector<16xf32>
        %mul3A_220 = arith.mulf %get3A_219, %gather3A_185 : vector<16xf32>
        %add3A_221 = arith.constant 1 : i32
        %add3A_222 = arith.addi %mul3A_117, %add3A_221 : i32
        %swap3A_223 = arith.index_cast %add3A_222 : i32 to index
        %swap3A_224 = arith.constant 32 : index
        %swap3A_225 = tpu.vector_load %arg10[%swap3A_223, %swap3A_224] {strides = array<i32>} : memref<256x64xf32, #tpu.memory_space<vmem>>, vector<1x16xf32>,
        %swap3A_226 = vector.shape_cast %swap3A_225 : vector<1x16xf32> to vector<16xf32>
        %swap3A_227 = vector.shape_cast %mul3A_220 : vector<16xf32> to vector<1x16xf32>
        tpu.vector_store %arg10[%swap3A_223, %swap3A_224], %swap3A_227 {strides = array<i32>} : memref<256x64xf32, #tpu.memory_space<vmem>>, vector<1x16xf32>,
        %add3A_228 = arith.constant 1 : i32
        %add3A_229 = arith.addi %mul3A_117, %add3A_228 : i32
        %get3A_230 = arith.index_cast %add3A_229 : i32 to index
        %get3A_231 = arith.constant 48 : index
        %get3A_232 = tpu.vector_load %arg10[%get3A_230, %get3A_231] {strides = array<i32>} : memref<256x64xf32, #tpu.memory_space<vmem>>, vector<1x16xf32>,
        %get3A_233 = vector.shape_cast %get3A_232 : vector<1x16xf32> to vector<16xf32>
        %mul3A_234 = arith.mulf %get3A_233, %gather3A_185 : vector<16xf32>
        %add3A_235 = arith.constant 1 : i32
        %add3A_236 = arith.addi %mul3A_117, %add3A_235 : i32
        %swap3A_237 = arith.index_cast %add3A_236 : i32 to index
        %swap3A_238 = arith.constant 48 : index
        %swap3A_239 = tpu.vector_load %arg10[%swap3A_237, %swap3A_238] {strides = array<i32>} : memref<256x64xf32, #tpu.memory_space<vmem>>, vector<1x16xf32>,
        %swap3A_240 = vector.shape_cast %swap3A_239 : vector<1x16xf32> to vector<16xf32>
        %swap3A_241 = vector.shape_cast %mul3A_234 : vector<16xf32> to vector<1x16xf32>
        tpu.vector_store %arg10[%swap3A_237, %swap3A_238], %swap3A_241 {strides = array<i32>} : memref<256x64xf32, #tpu.memory_space<vmem>>, vector<1x16xf32>,
        %broadcast_in_dim3A_242 = arith.constant 2 : i32
        %broadcast_in_dim3A_243 = vector.broadcast %broadcast_in_dim3A_242 : i32 to vector<16x1xi32>
        %gather3A_244 = vector.shape_cast %broadcast_in_dim3A_243 : vector<16x1xi32> to vector<16xi32>
        %gather3A_245 = tpu.dynamic_gather %get3A_124[%gather3A_244] in [0] : vector<16xf32>, vector<16xi32> -> vector<16xf32>
        %add3A_246 = arith.constant 2 : i32
        %add3A_247 = arith.addi %mul3A_117, %add3A_246 : i32
        %get3A_248 = arith.index_cast %add3A_247 : i32 to index
        %get3A_249 = arith.constant 0 : index
        %get3A_250 = tpu.vector_load %arg10[%get3A_248, %get3A_249] {strides = array<i32>} : memref<256x64xf32, #tpu.memory_space<vmem>>, vector<1x16xf32>,
        %get3A_251 = vector.shape_cast %get3A_250 : vector<1x16xf32> to vector<16xf32>
        %mul3A_252 = arith.mulf %get3A_251, %gather3A_245 : vector<16xf32>
        %add3A_253 = arith.constant 2 : i32
        %add3A_254 = arith.addi %mul3A_117, %add3A_253 : i32
        %swap3A_255 = arith.index_cast %add3A_254 : i32 to index
        %swap3A_256 = arith.constant 0 : index
        %swap3A_257 = tpu.vector_load %arg10[%swap3A_255, %swap3A_256] {strides = array<i32>} : memref<256x64xf32, #tpu.memory_space<vmem>>, vector<1x16xf32>,
        %swap3A_258 = vector.shape_cast %swap3A_257 : vector<1x16xf32> to vector<16xf32>
        %swap3A_259 = vector.shape_cast %mul3A_252 : vector<16xf32> to vector<1x16xf32>
        tpu.vector_store %arg10[%swap3A_255, %swap3A_256], %swap3A_259 {strides = array<i32>} : memref<256x64xf32, #tpu.memory_space<vmem>>, vector<1x16xf32>,
        %add3A_260 = arith.constant 2 : i32
        %add3A_261 = arith.addi %mul3A_117, %add3A_260 : i32
        %get3A_262 = arith.index_cast %add3A_261 : i32 to index
        %get3A_263 = arith.constant 16 : index
        %get3A_264 = tpu.vector_load %arg10[%get3A_262, %get3A_263] {strides = array<i32>} : memref<256x64xf32, #tpu.memory_space<vmem>>, vector<1x16xf32>,
        %get3A_265 = vector.shape_cast %get3A_264 : vector<1x16xf32> to vector<16xf32>
        %mul3A_266 = arith.mulf %get3A_265, %gather3A_245 : vector<16xf32>
        %add3A_267 = arith.constant 2 : i32
        %add3A_268 = arith.addi %mul3A_117, %add3A_267 : i32
        %swap3A_269 = arith.index_cast %add3A_268 : i32 to index
        %swap3A_270 = arith.constant 16 : index
        %swap3A_271 = tpu.vector_load %arg10[%swap3A_269, %swap3A_270] {strides = array<i32>} : memref<256x64xf32, #tpu.memory_space<vmem>>, vector<1x16xf32>,
        %swap3A_272 = vector.shape_cast %swap3A_271 : vector<1x16xf32> to vector<16xf32>
        %swap3A_273 = vector.shape_cast %mul3A_266 : vector<16xf32> to vector<1x16xf32>
        tpu.vector_store %arg10[%swap3A_269, %swap3A_270], %swap3A_273 {strides = array<i32>} : memref<256x64xf32, #tpu.memory_space<vmem>>, vector<1x16xf32>,
        %add3A_274 = arith.constant 2 : i32
        %add3A_275 = arith.addi %mul3A_117, %add3A_274 : i32
        %get3A_276 = arith.index_cast %add3A_275 : i32 to index
        %get3A_277 = arith.constant 32 : index
        %get3A_278 = tpu.vector_load %arg10[%get3A_276, %get3A_277] {strides = array<i32>} : memref<256x64xf32, #tpu.memory_space<vmem>>, vector<1x16xf32>,
        %get3A_279 = vector.shape_cast %get3A_278 : vector<1x16xf32> to vector<16xf32>
        %mul3A_280 = arith.mulf %get3A_279, %gather3A_245 : vector<16xf32>
        %add3A_281 = arith.constant 2 : i32
        %add3A_282 = arith.addi %mul3A_117, %add3A_281 : i32
        %swap3A_283 = arith.index_cast %add3A_282 : i32 to index
        %swap3A_284 = arith.constant 32 : index
        %swap3A_285 = tpu.vector_load %arg10[%swap3A_283, %swap3A_284] {strides = array<i32>} : memref<256x64xf32, #tpu.memory_space<vmem>>, vector<1x16xf32>,
        %swap3A_286 = vector.shape_cast %swap3A_285 : vector<1x16xf32> to vector<16xf32>
        %swap3A_287 = vector.shape_cast %mul3A_280 : vector<16xf32> to vector<1x16xf32>
        tpu.vector_store %arg10[%swap3A_283, %swap3A_284], %swap3A_287 {strides = array<i32>} : memref<256x64xf32, #tpu.memory_space<vmem>>, vector<1x16xf32>,
        %add3A_288 = arith.constant 2 : i32
        %add3A_289 = arith.addi %mul3A_117, %add3A_288 : i32
        %get3A_290 = arith.index_cast %add3A_289 : i32 to index
        %get3A_291 = arith.constant 48 : index
        %get3A_292 = tpu.vector_load %arg10[%get3A_290, %get3A_291] {strides = array<i32>} : memref<256x64xf32, #tpu.memory_space<vmem>>, vector<1x16xf32>,
        %get3A_293 = vector.shape_cast %get3A_292 : vector<1x16xf32> to vector<16xf32>
        %mul3A_294 = arith.mulf %get3A_293, %gather3A_245 : vector<16xf32>
        %add3A_295 = arith.constant 2 : i32
        %add3A_296 = arith.addi %mul3A_117, %add3A_295 : i32
        %swap3A_297 = arith.index_cast %add3A_296 : i32 to index
        %swap3A_298 = arith.constant 48 : index
        %swap3A_299 = tpu.vector_load %arg10[%swap3A_297, %swap3A_298] {strides = array<i32>} : memref<256x64xf32, #tpu.memory_space<vmem>>, vector<1x16xf32>,
        %swap3A_300 = vector.shape_cast %swap3A_299 : vector<1x16xf32> to vector<16xf32>
        %swap3A_301 = vector.shape_cast %mul3A_294 : vector<16xf32> to vector<1x16xf32>
        tpu.vector_store %arg10[%swap3A_297, %swap3A_298], %swap3A_301 {strides = array<i32>} : memref<256x64xf32, #tpu.memory_space<vmem>>, vector<1x16xf32>,
        %broadcast_in_dim3A_302 = arith.constant 3 : i32
        %broadcast_in_dim3A_303 = vector.broadcast %broadcast_in_dim3A_302 : i32 to vector<16x1xi32>
        %gather3A_304 = vector.shape_cast %broadcast_in_dim3A_303 : vector<16x1xi32> to vector<16xi32>
        %gather3A_305 = tpu.dynamic_gather %get3A_124[%gather3A_304] in [0] : vector<16xf32>, vector<16xi32> -> vector<16xf32>
        %add3A_306 = arith.constant 3 : i32
        %add3A_307 = arith.addi %mul3A_117, %add3A_306 : i32
        %get3A_308 = arith.index_cast %add3A_307 : i32 to index
        %get3A_309 = arith.constant 0 : index
        %get3A_310 = tpu.vector_load %arg10[%get3A_308, %get3A_309] {strides = array<i32>} : memref<256x64xf32, #tpu.memory_space<vmem>>, vector<1x16xf32>,
        %get3A_311 = vector.shape_cast %get3A_310 : vector<1x16xf32> to vector<16xf32>
        %mul3A_312 = arith.mulf %get3A_311, %gather3A_305 : vector<16xf32>
        %add3A_313 = arith.constant 3 : i32
        %add3A_314 = arith.addi %mul3A_117, %add3A_313 : i32
        %swap3A_315 = arith.index_cast %add3A_314 : i32 to index
        %swap3A_316 = arith.constant 0 : index
        %swap3A_317 = tpu.vector_load %arg10[%swap3A_315, %swap3A_316] {strides = array<i32>} : memref<256x64xf32, #tpu.memory_space<vmem>>, vector<1x16xf32>,
        %swap3A_318 = vector.shape_cast %swap3A_317 : vector<1x16xf32> to vector<16xf32>
        %swap3A_319 = vector.shape_cast %mul3A_312 : vector<16xf32> to vector<1x16xf32>
        tpu.vector_store %arg10[%swap3A_315, %swap3A_316], %swap3A_319 {strides = array<i32>} : memref<256x64xf32, #tpu.memory_space<vmem>>, vector<1x16xf32>,
        %add3A_320 = arith.constant 3 : i32
        %add3A_321 = arith.addi %mul3A_117, %add3A_320 : i32
        %get3A_322 = arith.index_cast %add3A_321 : i32 to index
        %get3A_323 = arith.constant 16 : index
        %get3A_324 = tpu.vector_load %arg10[%get3A_322, %get3A_323] {strides = array<i32>} : memref<256x64xf32, #tpu.memory_space<vmem>>, vector<1x16xf32>,
        %get3A_325 = vector.shape_cast %get3A_324 : vector<1x16xf32> to vector<16xf32>
        %mul3A_326 = arith.mulf %get3A_325, %gather3A_305 : vector<16xf32>
        %add3A_327 = arith.constant 3 : i32
        %add3A_328 = arith.addi %mul3A_117, %add3A_327 : i32
        %swap3A_329 = arith.index_cast %add3A_328 : i32 to index
        %swap3A_330 = arith.constant 16 : index
        %swap3A_331 = tpu.vector_load %arg10[%swap3A_329, %swap3A_330] {strides = array<i32>} : memref<256x64xf32, #tpu.memory_space<vmem>>, vector<1x16xf32>,
        %swap3A_332 = vector.shape_cast %swap3A_331 : vector<1x16xf32> to vector<16xf32>
        %swap3A_333 = vector.shape_cast %mul3A_326 : vector<16xf32> to vector<1x16xf32>
        tpu.vector_store %arg10[%swap3A_329, %swap3A_330], %swap3A_333 {strides = array<i32>} : memref<256x64xf32, #tpu.memory_space<vmem>>, vector<1x16xf32>,
        %add3A_334 = arith.constant 3 : i32
        %add3A_335 = arith.addi %mul3A_117, %add3A_334 : i32
        %get3A_336 = arith.index_cast %add3A_335 : i32 to index
        %get3A_337 = arith.constant 32 : index
        %get3A_338 = tpu.vector_load %arg10[%get3A_336, %get3A_337] {strides = array<i32>} : memref<256x64xf32, #tpu.memory_space<vmem>>, vector<1x16xf32>,
        %get3A_339 = vector.shape_cast %get3A_338 : vector<1x16xf32> to vector<16xf32>
        %mul3A_340 = arith.mulf %get3A_339, %gather3A_305 : vector<16xf32>
        %add3A_341 = arith.constant 3 : i32
        %add3A_342 = arith.addi %mul3A_117, %add3A_341 : i32
        %swap3A_343 = arith.index_cast %add3A_342 : i32 to index
        %swap3A_344 = arith.constant 32 : index
        %swap3A_345 = tpu.vector_load %arg10[%swap3A_343, %swap3A_344] {strides = array<i32>} : memref<256x64xf32, #tpu.memory_space<vmem>>, vector<1x16xf32>,
        %swap3A_346 = vector.shape_cast %swap3A_345 : vector<1x16xf32> to vector<16xf32>
        %swap3A_347 = vector.shape_cast %mul3A_340 : vector<16xf32> to vector<1x16xf32>
        tpu.vector_store %arg10[%swap3A_343, %swap3A_344], %swap3A_347 {strides = array<i32>} : memref<256x64xf32, #tpu.memory_space<vmem>>, vector<1x16xf32>,
        %add3A_348 = arith.constant 3 : i32
        %add3A_349 = arith.addi %mul3A_117, %add3A_348 : i32
        %get3A_350 = arith.index_cast %add3A_349 : i32 to index
        %get3A_351 = arith.constant 48 : index
        %get3A_352 = tpu.vector_load %arg10[%get3A_350, %get3A_351] {strides = array<i32>} : memref<256x64xf32, #tpu.memory_space<vmem>>, vector<1x16xf32>,
        %get3A_353 = vector.shape_cast %get3A_352 : vector<1x16xf32> to vector<16xf32>
        %mul3A_354 = arith.mulf %get3A_353, %gather3A_305 : vector<16xf32>
        %add3A_355 = arith.constant 3 : i32
        %add3A_356 = arith.addi %mul3A_117, %add3A_355 : i32
        %swap3A_357 = arith.index_cast %add3A_356 : i32 to index
        %swap3A_358 = arith.constant 48 : index
        %swap3A_359 = tpu.vector_load %arg10[%swap3A_357, %swap3A_358] {strides = array<i32>} : memref<256x64xf32, #tpu.memory_space<vmem>>, vector<1x16xf32>,
        %swap3A_360 = vector.shape_cast %swap3A_359 : vector<1x16xf32> to vector<16xf32>
        %swap3A_361 = vector.shape_cast %mul3A_354 : vector<16xf32> to vector<1x16xf32>
        tpu.vector_store %arg10[%swap3A_357, %swap3A_358], %swap3A_361 {strides = array<i32>} : memref<256x64xf32, #tpu.memory_space<vmem>>, vector<1x16xf32>,
        %broadcast_in_dim3A_362 = arith.constant 4 : i32
        %broadcast_in_dim3A_363 = vector.broadcast %broadcast_in_dim3A_362 : i32 to vector<16x1xi32>
        %gather3A_364 = vector.shape_cast %broadcast_in_dim3A_363 : vector<16x1xi32> to vector<16xi32>
        %gather3A_365 = tpu.dynamic_gather %get3A_124[%gather3A_364] in [0] : vector<16xf32>, vector<16xi32> -> vector<16xf32>
        %add3A_366 = arith.constant 4 : i32
        %add3A_367 = arith.addi %mul3A_117, %add3A_366 : i32
        %get3A_368 = arith.index_cast %add3A_367 : i32 to index
        %get3A_369 = arith.constant 0 : index
        %get3A_370 = tpu.vector_load %arg10[%get3A_368, %get3A_369] {strides = array<i32>} : memref<256x64xf32, #tpu.memory_space<vmem>>, vector<1x16xf32>,
        %get3A_371 = vector.shape_cast %get3A_370 : vector<1x16xf32> to vector<16xf32>
        %mul3A_372 = arith.mulf %get3A_371, %gather3A_365 : vector<16xf32>
        %add3A_373 = arith.constant 4 : i32
        %add3A_374 = arith.addi %mul3A_117, %add3A_373 : i32
        %swap3A_375 = arith.index_cast %add3A_374 : i32 to index
        %swap3A_376 = arith.constant 0 : index
        %swap3A_377 = tpu.vector_load %arg10[%swap3A_375, %swap3A_376] {strides = array<i32>} : memref<256x64xf32, #tpu.memory_space<vmem>>, vector<1x16xf32>,
        %swap3A_378 = vector.shape_cast %swap3A_377 : vector<1x16xf32> to vector<16xf32>
        %swap3A_379 = vector.shape_cast %mul3A_372 : vector<16xf32> to vector<1x16xf32>
        tpu.vector_store %arg10[%swap3A_375, %swap3A_376], %swap3A_379 {strides = array<i32>} : memref<256x64xf32, #tpu.memory_space<vmem>>, vector<1x16xf32>,
        %add3A_380 = arith.constant 4 : i32
        %add3A_381 = arith.addi %mul3A_117, %add3A_380 : i32
        %get3A_382 = arith.index_cast %add3A_381 : i32 to index
        %get3A_383 = arith.constant 16 : index
        %get3A_384 = tpu.vector_load %arg10[%get3A_382, %get3A_383] {strides = array<i32>} : memref<256x64xf32, #tpu.memory_space<vmem>>, vector<1x16xf32>,
        %get3A_385 = vector.shape_cast %get3A_384 : vector<1x16xf32> to vector<16xf32>
        %mul3A_386 = arith.mulf %get3A_385, %gather3A_365 : vector<16xf32>
        %add3A_387 = arith.constant 4 : i32
        %add3A_388 = arith.addi %mul3A_117, %add3A_387 : i32
        %swap3A_389 = arith.index_cast %add3A_388 : i32 to index
        %swap3A_390 = arith.constant 16 : index
        %swap3A_391 = tpu.vector_load %arg10[%swap3A_389, %swap3A_390] {strides = array<i32>} : memref<256x64xf32, #tpu.memory_space<vmem>>, vector<1x16xf32>,
        %swap3A_392 = vector.shape_cast %swap3A_391 : vector<1x16xf32> to vector<16xf32>
        %swap3A_393 = vector.shape_cast %mul3A_386 : vector<16xf32> to vector<1x16xf32>
        tpu.vector_store %arg10[%swap3A_389, %swap3A_390], %swap3A_393 {strides = array<i32>} : memref<256x64xf32, #tpu.memory_space<vmem>>, vector<1x16xf32>,
        %add3A_394 = arith.constant 4 : i32
        %add3A_395 = arith.addi %mul3A_117, %add3A_394 : i32
        %get3A_396 = arith.index_cast %add3A_395 : i32 to index
        %get3A_397 = arith.constant 32 : index
        %get3A_398 = tpu.vector_load %arg10[%get3A_396, %get3A_397] {strides = array<i32>} : memref<256x64xf32, #tpu.memory_space<vmem>>, vector<1x16xf32>,
        %get3A_399 = vector.shape_cast %get3A_398 : vector<1x16xf32> to vector<16xf32>
        %mul3A_400 = arith.mulf %get3A_399, %gather3A_365 : vector<16xf32>
        %add3A_401 = arith.constant 4 : i32
        %add3A_402 = arith.addi %mul3A_117, %add3A_401 : i32
        %swap3A_403 = arith.index_cast %add3A_402 : i32 to index
        %swap3A_404 = arith.constant 32 : index
        %swap3A_405 = tpu.vector_load %arg10[%swap3A_403, %swap3A_404] {strides = array<i32>} : memref<256x64xf32, #tpu.memory_space<vmem>>, vector<1x16xf32>,
        %swap3A_406 = vector.shape_cast %swap3A_405 : vector<1x16xf32> to vector<16xf32>
        %swap3A_407 = vector.shape_cast %mul3A_400 : vector<16xf32> to vector<1x16xf32>
        tpu.vector_store %arg10[%swap3A_403, %swap3A_404], %swap3A_407 {strides = array<i32>} : memref<256x64xf32, #tpu.memory_space<vmem>>, vector<1x16xf32>,
        %add3A_408 = arith.constant 4 : i32
        %add3A_409 = arith.addi %mul3A_117, %add3A_408 : i32
        %get3A_410 = arith.index_cast %add3A_409 : i32 to index
        %get3A_411 = arith.constant 48 : index
        %get3A_412 = tpu.vector_load %arg10[%get3A_410, %get3A_411] {strides = array<i32>} : memref<256x64xf32, #tpu.memory_space<vmem>>, vector<1x16xf32>,
        %get3A_413 = vector.shape_cast %get3A_412 : vector<1x16xf32> to vector<16xf32>
        %mul3A_414 = arith.mulf %get3A_413, %gather3A_365 : vector<16xf32>
        %add3A_415 = arith.constant 4 : i32
        %add3A_416 = arith.addi %mul3A_117, %add3A_415 : i32
        %swap3A_417 = arith.index_cast %add3A_416 : i32 to index
        %swap3A_418 = arith.constant 48 : index
        %swap3A_419 = tpu.vector_load %arg10[%swap3A_417, %swap3A_418] {strides = array<i32>} : memref<256x64xf32, #tpu.memory_space<vmem>>, vector<1x16xf32>,
        %swap3A_420 = vector.shape_cast %swap3A_419 : vector<1x16xf32> to vector<16xf32>
        %swap3A_421 = vector.shape_cast %mul3A_414 : vector<16xf32> to vector<1x16xf32>
        tpu.vector_store %arg10[%swap3A_417, %swap3A_418], %swap3A_421 {strides = array<i32>} : memref<256x64xf32, #tpu.memory_space<vmem>>, vector<1x16xf32>,
        %broadcast_in_dim3A_422 = arith.constant 5 : i32
        %broadcast_in_dim3A_423 = vector.broadcast %broadcast_in_dim3A_422 : i32 to vector<16x1xi32>
        %gather3A_424 = vector.shape_cast %broadcast_in_dim3A_423 : vector<16x1xi32> to vector<16xi32>
        %gather3A_425 = tpu.dynamic_gather %get3A_124[%gather3A_424] in [0] : vector<16xf32>, vector<16xi32> -> vector<16xf32>
        %add3A_426 = arith.constant 5 : i32
        %add3A_427 = arith.addi %mul3A_117, %add3A_426 : i32
        %get3A_428 = arith.index_cast %add3A_427 : i32 to index
        %get3A_429 = arith.constant 0 : index
        %get3A_430 = tpu.vector_load %arg10[%get3A_428, %get3A_429] {strides = array<i32>} : memref<256x64xf32, #tpu.memory_space<vmem>>, vector<1x16xf32>,
        %get3A_431 = vector.shape_cast %get3A_430 : vector<1x16xf32> to vector<16xf32>
        %mul3A_432 = arith.mulf %get3A_431, %gather3A_425 : vector<16xf32>
        %add3A_433 = arith.constant 5 : i32
        %add3A_434 = arith.addi %mul3A_117, %add3A_433 : i32
        %swap3A_435 = arith.index_cast %add3A_434 : i32 to index
        %swap3A_436 = arith.constant 0 : index
        %swap3A_437 = tpu.vector_load %arg10[%swap3A_435, %swap3A_436] {strides = array<i32>} : memref<256x64xf32, #tpu.memory_space<vmem>>, vector<1x16xf32>,
        %swap3A_438 = vector.shape_cast %swap3A_437 : vector<1x16xf32> to vector<16xf32>
        %swap3A_439 = vector.shape_cast %mul3A_432 : vector<16xf32> to vector<1x16xf32>
        tpu.vector_store %arg10[%swap3A_435, %swap3A_436], %swap3A_439 {strides = array<i32>} : memref<256x64xf32, #tpu.memory_space<vmem>>, vector<1x16xf32>,
        %add3A_440 = arith.constant 5 : i32
        %add3A_441 = arith.addi %mul3A_117, %add3A_440 : i32
        %get3A_442 = arith.index_cast %add3A_441 : i32 to index
        %get3A_443 = arith.constant 16 : index
        %get3A_444 = tpu.vector_load %arg10[%get3A_442, %get3A_443] {strides = array<i32>} : memref<256x64xf32, #tpu.memory_space<vmem>>, vector<1x16xf32>,
        %get3A_445 = vector.shape_cast %get3A_444 : vector<1x16xf32> to vector<16xf32>
        %mul3A_446 = arith.mulf %get3A_445, %gather3A_425 : vector<16xf32>
        %add3A_447 = arith.constant 5 : i32
        %add3A_448 = arith.addi %mul3A_117, %add3A_447 : i32
        %swap3A_449 = arith.index_cast %add3A_448 : i32 to index
        %swap3A_450 = arith.constant 16 : index
        %swap3A_451 = tpu.vector_load %arg10[%swap3A_449, %swap3A_450] {strides = array<i32>} : memref<256x64xf32, #tpu.memory_space<vmem>>, vector<1x16xf32>,
        %swap3A_452 = vector.shape_cast %swap3A_451 : vector<1x16xf32> to vector<16xf32>
        %swap3A_453 = vector.shape_cast %mul3A_446 : vector<16xf32> to vector<1x16xf32>
        tpu.vector_store %arg10[%swap3A_449, %swap3A_450], %swap3A_453 {strides = array<i32>} : memref<256x64xf32, #tpu.memory_space<vmem>>, vector<1x16xf32>,
        %add3A_454 = arith.constant 5 : i32
        %add3A_455 = arith.addi %mul3A_117, %add3A_454 : i32
        %get3A_456 = arith.index_cast %add3A_455 : i32 to index
        %get3A_457 = arith.constant 32 : index
        %get3A_458 = tpu.vector_load %arg10[%get3A_456, %get3A_457] {strides = array<i32>} : memref<256x64xf32, #tpu.memory_space<vmem>>, vector<1x16xf32>,
        %get3A_459 = vector.shape_cast %get3A_458 : vector<1x16xf32> to vector<16xf32>
        %mul3A_460 = arith.mulf %get3A_459, %gather3A_425 : vector<16xf32>
        %add3A_461 = arith.constant 5 : i32
        %add3A_462 = arith.addi %mul3A_117, %add3A_461 : i32
        %swap3A_463 = arith.index_cast %add3A_462 : i32 to index
        %swap3A_464 = arith.constant 32 : index
        %swap3A_465 = tpu.vector_load %arg10[%swap3A_463, %swap3A_464] {strides = array<i32>} : memref<256x64xf32, #tpu.memory_space<vmem>>, vector<1x16xf32>,
        %swap3A_466 = vector.shape_cast %swap3A_465 : vector<1x16xf32> to vector<16xf32>
        %swap3A_467 = vector.shape_cast %mul3A_460 : vector<16xf32> to vector<1x16xf32>
        tpu.vector_store %arg10[%swap3A_463, %swap3A_464], %swap3A_467 {strides = array<i32>} : memref<256x64xf32, #tpu.memory_space<vmem>>, vector<1x16xf32>,
        %add3A_468 = arith.constant 5 : i32
        %add3A_469 = arith.addi %mul3A_117, %add3A_468 : i32
        %get3A_470 = arith.index_cast %add3A_469 : i32 to index
        %get3A_471 = arith.constant 48 : index
        %get3A_472 = tpu.vector_load %arg10[%get3A_470, %get3A_471] {strides = array<i32>} : memref<256x64xf32, #tpu.memory_space<vmem>>, vector<1x16xf32>,
        %get3A_473 = vector.shape_cast %get3A_472 : vector<1x16xf32> to vector<16xf32>
        %mul3A_474 = arith.mulf %get3A_473, %gather3A_425 : vector<16xf32>
        %add3A_475 = arith.constant 5 : i32
        %add3A_476 = arith.addi %mul3A_117, %add3A_475 : i32
        %swap3A_477 = arith.index_cast %add3A_476 : i32 to index
        %swap3A_478 = arith.constant 48 : index
        %swap3A_479 = tpu.vector_load %arg10[%swap3A_477, %swap3A_478] {strides = array<i32>} : memref<256x64xf32, #tpu.memory_space<vmem>>, vector<1x16xf32>,
        %swap3A_480 = vector.shape_cast %swap3A_479 : vector<1x16xf32> to vector<16xf32>
        %swap3A_481 = vector.shape_cast %mul3A_474 : vector<16xf32> to vector<1x16xf32>
        tpu.vector_store %arg10[%swap3A_477, %swap3A_478], %swap3A_481 {strides = array<i32>} : memref<256x64xf32, #tpu.memory_space<vmem>>, vector<1x16xf32>,
        %broadcast_in_dim3A_482 = arith.constant 6 : i32
        %broadcast_in_dim3A_483 = vector.broadcast %broadcast_in_dim3A_482 : i32 to vector<16x1xi32>
        %gather3A_484 = vector.shape_cast %broadcast_in_dim3A_483 : vector<16x1xi32> to vector<16xi32>
        %gather3A_485 = tpu.dynamic_gather %get3A_124[%gather3A_484] in [0] : vector<16xf32>, vector<16xi32> -> vector<16xf32>
        %add3A_486 = arith.constant 6 : i32
        %add3A_487 = arith.addi %mul3A_117, %add3A_486 : i32
        %get3A_488 = arith.index_cast %add3A_487 : i32 to index
        %get3A_489 = arith.constant 0 : index
        %get3A_490 = tpu.vector_load %arg10[%get3A_488, %get3A_489] {strides = array<i32>} : memref<256x64xf32, #tpu.memory_space<vmem>>, vector<1x16xf32>,
        %get3A_491 = vector.shape_cast %get3A_490 : vector<1x16xf32> to vector<16xf32>
        %mul3A_492 = arith.mulf %get3A_491, %gather3A_485 : vector<16xf32>
        %add3A_493 = arith.constant 6 : i32
        %add3A_494 = arith.addi %mul3A_117, %add3A_493 : i32
        %swap3A_495 = arith.index_cast %add3A_494 : i32 to index
        %swap3A_496 = arith.constant 0 : index
        %swap3A_497 = tpu.vector_load %arg10[%swap3A_495, %swap3A_496] {strides = array<i32>} : memref<256x64xf32, #tpu.memory_space<vmem>>, vector<1x16xf32>,
        %swap3A_498 = vector.shape_cast %swap3A_497 : vector<1x16xf32> to vector<16xf32>
        %swap3A_499 = vector.shape_cast %mul3A_492 : vector<16xf32> to vector<1x16xf32>
        tpu.vector_store %arg10[%swap3A_495, %swap3A_496], %swap3A_499 {strides = array<i32>} : memref<256x64xf32, #tpu.memory_space<vmem>>, vector<1x16xf32>,
        %add3A_500 = arith.constant 6 : i32
        %add3A_501 = arith.addi %mul3A_117, %add3A_500 : i32
        %get3A_502 = arith.index_cast %add3A_501 : i32 to index
        %get3A_503 = arith.constant 16 : index
        %get3A_504 = tpu.vector_load %arg10[%get3A_502, %get3A_503] {strides = array<i32>} : memref<256x64xf32, #tpu.memory_space<vmem>>, vector<1x16xf32>,
        %get3A_505 = vector.shape_cast %get3A_504 : vector<1x16xf32> to vector<16xf32>
        %mul3A_506 = arith.mulf %get3A_505, %gather3A_485 : vector<16xf32>
        %add3A_507 = arith.constant 6 : i32
        %add3A_508 = arith.addi %mul3A_117, %add3A_507 : i32
        %swap3A_509 = arith.index_cast %add3A_508 : i32 to index
        %swap3A_510 = arith.constant 16 : index
        %swap3A_511 = tpu.vector_load %arg10[%swap3A_509, %swap3A_510] {strides = array<i32>} : memref<256x64xf32, #tpu.memory_space<vmem>>, vector<1x16xf32>,
        %swap3A_512 = vector.shape_cast %swap3A_511 : vector<1x16xf32> to vector<16xf32>
        %swap3A_513 = vector.shape_cast %mul3A_506 : vector<16xf32> to vector<1x16xf32>
        tpu.vector_store %arg10[%swap3A_509, %swap3A_510], %swap3A_513 {strides = array<i32>} : memref<256x64xf32, #tpu.memory_space<vmem>>, vector<1x16xf32>,
        %add3A_514 = arith.constant 6 : i32
        %add3A_515 = arith.addi %mul3A_117, %add3A_514 : i32
        %get3A_516 = arith.index_cast %add3A_515 : i32 to index
        %get3A_517 = arith.constant 32 : index
        %get3A_518 = tpu.vector_load %arg10[%get3A_516, %get3A_517] {strides = array<i32>} : memref<256x64xf32, #tpu.memory_space<vmem>>, vector<1x16xf32>,
        %get3A_519 = vector.shape_cast %get3A_518 : vector<1x16xf32> to vector<16xf32>
        %mul3A_520 = arith.mulf %get3A_519, %gather3A_485 : vector<16xf32>
        %add3A_521 = arith.constant 6 : i32
        %add3A_522 = arith.addi %mul3A_117, %add3A_521 : i32
        %swap3A_523 = arith.index_cast %add3A_522 : i32 to index
        %swap3A_524 = arith.constant 32 : index
        %swap3A_525 = tpu.vector_load %arg10[%swap3A_523, %swap3A_524] {strides = array<i32>} : memref<256x64xf32, #tpu.memory_space<vmem>>, vector<1x16xf32>,
        %swap3A_526 = vector.shape_cast %swap3A_525 : vector<1x16xf32> to vector<16xf32>
        %swap3A_527 = vector.shape_cast %mul3A_520 : vector<16xf32> to vector<1x16xf32>
        tpu.vector_store %arg10[%swap3A_523, %swap3A_524], %swap3A_527 {strides = array<i32>} : memref<256x64xf32, #tpu.memory_space<vmem>>, vector<1x16xf32>,
        %add3A_528 = arith.constant 6 : i32
        %add3A_529 = arith.addi %mul3A_117, %add3A_528 : i32
        %get3A_530 = arith.index_cast %add3A_529 : i32 to index
        %get3A_531 = arith.constant 48 : index
        %get3A_532 = tpu.vector_load %arg10[%get3A_530, %get3A_531] {strides = array<i32>} : memref<256x64xf32, #tpu.memory_space<vmem>>, vector<1x16xf32>,
        %get3A_533 = vector.shape_cast %get3A_532 : vector<1x16xf32> to vector<16xf32>
        %mul3A_534 = arith.mulf %get3A_533, %gather3A_485 : vector<16xf32>
        %add3A_535 = arith.constant 6 : i32
        %add3A_536 = arith.addi %mul3A_117, %add3A_535 : i32
        %swap3A_537 = arith.index_cast %add3A_536 : i32 to index
        %swap3A_538 = arith.constant 48 : index
        %swap3A_539 = tpu.vector_load %arg10[%swap3A_537, %swap3A_538] {strides = array<i32>} : memref<256x64xf32, #tpu.memory_space<vmem>>, vector<1x16xf32>,
        %swap3A_540 = vector.shape_cast %swap3A_539 : vector<1x16xf32> to vector<16xf32>
        %swap3A_541 = vector.shape_cast %mul3A_534 : vector<16xf32> to vector<1x16xf32>
        tpu.vector_store %arg10[%swap3A_537, %swap3A_538], %swap3A_541 {strides = array<i32>} : memref<256x64xf32, #tpu.memory_space<vmem>>, vector<1x16xf32>,
        %broadcast_in_dim3A_542 = arith.constant 7 : i32
        %broadcast_in_dim3A_543 = vector.broadcast %broadcast_in_dim3A_542 : i32 to vector<16x1xi32>
        %gather3A_544 = vector.shape_cast %broadcast_in_dim3A_543 : vector<16x1xi32> to vector<16xi32>
        %gather3A_545 = tpu.dynamic_gather %get3A_124[%gather3A_544] in [0] : vector<16xf32>, vector<16xi32> -> vector<16xf32>
        %add3A_546 = arith.constant 7 : i32
        %add3A_547 = arith.addi %mul3A_117, %add3A_546 : i32
        %get3A_548 = arith.index_cast %add3A_547 : i32 to index
        %get3A_549 = arith.constant 0 : index
        %get3A_550 = tpu.vector_load %arg10[%get3A_548, %get3A_549] {strides = array<i32>} : memref<256x64xf32, #tpu.memory_space<vmem>>, vector<1x16xf32>,
        %get3A_551 = vector.shape_cast %get3A_550 : vector<1x16xf32> to vector<16xf32>
        %mul3A_552 = arith.mulf %get3A_551, %gather3A_545 : vector<16xf32>
        %add3A_553 = arith.constant 7 : i32
        %add3A_554 = arith.addi %mul3A_117, %add3A_553 : i32
        %swap3A_555 = arith.index_cast %add3A_554 : i32 to index
        %swap3A_556 = arith.constant 0 : index
        %swap3A_557 = tpu.vector_load %arg10[%swap3A_555, %swap3A_556] {strides = array<i32>} : memref<256x64xf32, #tpu.memory_space<vmem>>, vector<1x16xf32>,
        %swap3A_558 = vector.shape_cast %swap3A_557 : vector<1x16xf32> to vector<16xf32>
        %swap3A_559 = vector.shape_cast %mul3A_552 : vector<16xf32> to vector<1x16xf32>
        tpu.vector_store %arg10[%swap3A_555, %swap3A_556], %swap3A_559 {strides = array<i32>} : memref<256x64xf32, #tpu.memory_space<vmem>>, vector<1x16xf32>,
        %add3A_560 = arith.constant 7 : i32
        %add3A_561 = arith.addi %mul3A_117, %add3A_560 : i32
        %get3A_562 = arith.index_cast %add3A_561 : i32 to index
        %get3A_563 = arith.constant 16 : index
        %get3A_564 = tpu.vector_load %arg10[%get3A_562, %get3A_563] {strides = array<i32>} : memref<256x64xf32, #tpu.memory_space<vmem>>, vector<1x16xf32>,
        %get3A_565 = vector.shape_cast %get3A_564 : vector<1x16xf32> to vector<16xf32>
        %mul3A_566 = arith.mulf %get3A_565, %gather3A_545 : vector<16xf32>
        %add3A_567 = arith.constant 7 : i32
        %add3A_568 = arith.addi %mul3A_117, %add3A_567 : i32
        %swap3A_569 = arith.index_cast %add3A_568 : i32 to index
        %swap3A_570 = arith.constant 16 : index
        %swap3A_571 = tpu.vector_load %arg10[%swap3A_569, %swap3A_570] {strides = array<i32>} : memref<256x64xf32, #tpu.memory_space<vmem>>, vector<1x16xf32>,
        %swap3A_572 = vector.shape_cast %swap3A_571 : vector<1x16xf32> to vector<16xf32>
        %swap3A_573 = vector.shape_cast %mul3A_566 : vector<16xf32> to vector<1x16xf32>
        tpu.vector_store %arg10[%swap3A_569, %swap3A_570], %swap3A_573 {strides = array<i32>} : memref<256x64xf32, #tpu.memory_space<vmem>>, vector<1x16xf32>,
        %add3A_574 = arith.constant 7 : i32
        %add3A_575 = arith.addi %mul3A_117, %add3A_574 : i32
        %get3A_576 = arith.index_cast %add3A_575 : i32 to index
        %get3A_577 = arith.constant 32 : index
        %get3A_578 = tpu.vector_load %arg10[%get3A_576, %get3A_577] {strides = array<i32>} : memref<256x64xf32, #tpu.memory_space<vmem>>, vector<1x16xf32>,
        %get3A_579 = vector.shape_cast %get3A_578 : vector<1x16xf32> to vector<16xf32>
        %mul3A_580 = arith.mulf %get3A_579, %gather3A_545 : vector<16xf32>
        %add3A_581 = arith.constant 7 : i32
        %add3A_582 = arith.addi %mul3A_117, %add3A_581 : i32
        %swap3A_583 = arith.index_cast %add3A_582 : i32 to index
        %swap3A_584 = arith.constant 32 : index
        %swap3A_585 = tpu.vector_load %arg10[%swap3A_583, %swap3A_584] {strides = array<i32>} : memref<256x64xf32, #tpu.memory_space<vmem>>, vector<1x16xf32>,
        %swap3A_586 = vector.shape_cast %swap3A_585 : vector<1x16xf32> to vector<16xf32>
        %swap3A_587 = vector.shape_cast %mul3A_580 : vector<16xf32> to vector<1x16xf32>
        tpu.vector_store %arg10[%swap3A_583, %swap3A_584], %swap3A_587 {strides = array<i32>} : memref<256x64xf32, #tpu.memory_space<vmem>>, vector<1x16xf32>,
        %add3A_588 = arith.constant 7 : i32
        %add3A_589 = arith.addi %mul3A_117, %add3A_588 : i32
        %get3A_590 = arith.index_cast %add3A_589 : i32 to index
        %get3A_591 = arith.constant 48 : index
        %get3A_592 = tpu.vector_load %arg10[%get3A_590, %get3A_591] {strides = array<i32>} : memref<256x64xf32, #tpu.memory_space<vmem>>, vector<1x16xf32>,
        %get3A_593 = vector.shape_cast %get3A_592 : vector<1x16xf32> to vector<16xf32>
        %mul3A_594 = arith.mulf %get3A_593, %gather3A_545 : vector<16xf32>
        %add3A_595 = arith.constant 7 : i32
        %add3A_596 = arith.addi %mul3A_117, %add3A_595 : i32
        %swap3A_597 = arith.index_cast %add3A_596 : i32 to index
        %swap3A_598 = arith.constant 48 : index
        %swap3A_599 = tpu.vector_load %arg10[%swap3A_597, %swap3A_598] {strides = array<i32>} : memref<256x64xf32, #tpu.memory_space<vmem>>, vector<1x16xf32>,
        %swap3A_600 = vector.shape_cast %swap3A_599 : vector<1x16xf32> to vector<16xf32>
        %swap3A_601 = vector.shape_cast %mul3A_594 : vector<16xf32> to vector<1x16xf32>
        tpu.vector_store %arg10[%swap3A_597, %swap3A_598], %swap3A_601 {strides = array<i32>} : memref<256x64xf32, #tpu.memory_space<vmem>>, vector<1x16xf32>,
        %broadcast_in_dim3A_602 = arith.constant 8 : i32
        %broadcast_in_dim3A_603 = vector.broadcast %broadcast_in_dim3A_602 : i32 to vector<16x1xi32>
        %gather3A_604 = vector.shape_cast %broadcast_in_dim3A_603 : vector<16x1xi32> to vector<16xi32>
        %gather3A_605 = tpu.dynamic_gather %get3A_124[%gather3A_604] in [0] : vector<16xf32>, vector<16xi32> -> vector<16xf32>
        %add3A_606 = arith.constant 8 : i32
        %add3A_607 = arith.addi %mul3A_117, %add3A_606 : i32
        %get3A_608 = arith.index_cast %add3A_607 : i32 to index
        %get3A_609 = arith.constant 0 : index
        %get3A_610 = tpu.vector_load %arg10[%get3A_608, %get3A_609] {strides = array<i32>} : memref<256x64xf32, #tpu.memory_space<vmem>>, vector<1x16xf32>,
        %get3A_611 = vector.shape_cast %get3A_610 : vector<1x16xf32> to vector<16xf32>
        %mul3A_612 = arith.mulf %get3A_611, %gather3A_605 : vector<16xf32>
        %add3A_613 = arith.constant 8 : i32
        %add3A_614 = arith.addi %mul3A_117, %add3A_613 : i32
        %swap3A_615 = arith.index_cast %add3A_614 : i32 to index
        %swap3A_616 = arith.constant 0 : index
        %swap3A_617 = tpu.vector_load %arg10[%swap3A_615, %swap3A_616] {strides = array<i32>} : memref<256x64xf32, #tpu.memory_space<vmem>>, vector<1x16xf32>,
        %swap3A_618 = vector.shape_cast %swap3A_617 : vector<1x16xf32> to vector<16xf32>
        %swap3A_619 = vector.shape_cast %mul3A_612 : vector<16xf32> to vector<1x16xf32>
        tpu.vector_store %arg10[%swap3A_615, %swap3A_616], %swap3A_619 {strides = array<i32>} : memref<256x64xf32, #tpu.memory_space<vmem>>, vector<1x16xf32>,
        %add3A_620 = arith.constant 8 : i32
        %add3A_621 = arith.addi %mul3A_117, %add3A_620 : i32
        %get3A_622 = arith.index_cast %add3A_621 : i32 to index
        %get3A_623 = arith.constant 16 : index
        %get3A_624 = tpu.vector_load %arg10[%get3A_622, %get3A_623] {strides = array<i32>} : memref<256x64xf32, #tpu.memory_space<vmem>>, vector<1x16xf32>,
        %get3A_625 = vector.shape_cast %get3A_624 : vector<1x16xf32> to vector<16xf32>
        %mul3A_626 = arith.mulf %get3A_625, %gather3A_605 : vector<16xf32>
        %add3A_627 = arith.constant 8 : i32
        %add3A_628 = arith.addi %mul3A_117, %add3A_627 : i32
        %swap3A_629 = arith.index_cast %add3A_628 : i32 to index
        %swap3A_630 = arith.constant 16 : index
        %swap3A_631 = tpu.vector_load %arg10[%swap3A_629, %swap3A_630] {strides = array<i32>} : memref<256x64xf32, #tpu.memory_space<vmem>>, vector<1x16xf32>,
        %swap3A_632 = vector.shape_cast %swap3A_631 : vector<1x16xf32> to vector<16xf32>
        %swap3A_633 = vector.shape_cast %mul3A_626 : vector<16xf32> to vector<1x16xf32>
        tpu.vector_store %arg10[%swap3A_629, %swap3A_630], %swap3A_633 {strides = array<i32>} : memref<256x64xf32, #tpu.memory_space<vmem>>, vector<1x16xf32>,
        %add3A_634 = arith.constant 8 : i32
        %add3A_635 = arith.addi %mul3A_117, %add3A_634 : i32
        %get3A_636 = arith.index_cast %add3A_635 : i32 to index
        %get3A_637 = arith.constant 32 : index
        %get3A_638 = tpu.vector_load %arg10[%get3A_636, %get3A_637] {strides = array<i32>} : memref<256x64xf32, #tpu.memory_space<vmem>>, vector<1x16xf32>,
        %get3A_639 = vector.shape_cast %get3A_638 : vector<1x16xf32> to vector<16xf32>
        %mul3A_640 = arith.mulf %get3A_639, %gather3A_605 : vector<16xf32>
        %add3A_641 = arith.constant 8 : i32
        %add3A_642 = arith.addi %mul3A_117, %add3A_641 : i32
        %swap3A_643 = arith.index_cast %add3A_642 : i32 to index
        %swap3A_644 = arith.constant 32 : index
        %swap3A_645 = tpu.vector_load %arg10[%swap3A_643, %swap3A_644] {strides = array<i32>} : memref<256x64xf32, #tpu.memory_space<vmem>>, vector<1x16xf32>,
        %swap3A_646 = vector.shape_cast %swap3A_645 : vector<1x16xf32> to vector<16xf32>
        %swap3A_647 = vector.shape_cast %mul3A_640 : vector<16xf32> to vector<1x16xf32>
        tpu.vector_store %arg10[%swap3A_643, %swap3A_644], %swap3A_647 {strides = array<i32>} : memref<256x64xf32, #tpu.memory_space<vmem>>, vector<1x16xf32>,
        %add3A_648 = arith.constant 8 : i32
        %add3A_649 = arith.addi %mul3A_117, %add3A_648 : i32
        %get3A_650 = arith.index_cast %add3A_649 : i32 to index
        %get3A_651 = arith.constant 48 : index
        %get3A_652 = tpu.vector_load %arg10[%get3A_650, %get3A_651] {strides = array<i32>} : memref<256x64xf32, #tpu.memory_space<vmem>>, vector<1x16xf32>,
        %get3A_653 = vector.shape_cast %get3A_652 : vector<1x16xf32> to vector<16xf32>
        %mul3A_654 = arith.mulf %get3A_653, %gather3A_605 : vector<16xf32>
        %add3A_655 = arith.constant 8 : i32
        %add3A_656 = arith.addi %mul3A_117, %add3A_655 : i32
        %swap3A_657 = arith.index_cast %add3A_656 : i32 to index
        %swap3A_658 = arith.constant 48 : index
        %swap3A_659 = tpu.vector_load %arg10[%swap3A_657, %swap3A_658] {strides = array<i32>} : memref<256x64xf32, #tpu.memory_space<vmem>>, vector<1x16xf32>,
        %swap3A_660 = vector.shape_cast %swap3A_659 : vector<1x16xf32> to vector<16xf32>
        %swap3A_661 = vector.shape_cast %mul3A_654 : vector<16xf32> to vector<1x16xf32>
        tpu.vector_store %arg10[%swap3A_657, %swap3A_658], %swap3A_661 {strides = array<i32>} : memref<256x64xf32, #tpu.memory_space<vmem>>, vector<1x16xf32>,
        %broadcast_in_dim3A_662 = arith.constant 9 : i32
        %broadcast_in_dim3A_663 = vector.broadcast %broadcast_in_dim3A_662 : i32 to vector<16x1xi32>
        %gather3A_664 = vector.shape_cast %broadcast_in_dim3A_663 : vector<16x1xi32> to vector<16xi32>
        %gather3A_665 = tpu.dynamic_gather %get3A_124[%gather3A_664] in [0] : vector<16xf32>, vector<16xi32> -> vector<16xf32>
        %add3A_666 = arith.constant 9 : i32
        %add3A_667 = arith.addi %mul3A_117, %add3A_666 : i32
        %get3A_668 = arith.index_cast %add3A_667 : i32 to index
        %get3A_669 = arith.constant 0 : index
        %get3A_670 = tpu.vector_load %arg10[%get3A_668, %get3A_669] {strides = array<i32>} : memref<256x64xf32, #tpu.memory_space<vmem>>, vector<1x16xf32>,
        %get3A_671 = vector.shape_cast %get3A_670 : vector<1x16xf32> to vector<16xf32>
        %mul3A_672 = arith.mulf %get3A_671, %gather3A_665 : vector<16xf32>
        %add3A_673 = arith.constant 9 : i32
        %add3A_674 = arith.addi %mul3A_117, %add3A_673 : i32
        %swap3A_675 = arith.index_cast %add3A_674 : i32 to index
        %swap3A_676 = arith.constant 0 : index
        %swap3A_677 = tpu.vector_load %arg10[%swap3A_675, %swap3A_676] {strides = array<i32>} : memref<256x64xf32, #tpu.memory_space<vmem>>, vector<1x16xf32>,
        %swap3A_678 = vector.shape_cast %swap3A_677 : vector<1x16xf32> to vector<16xf32>
        %swap3A_679 = vector.shape_cast %mul3A_672 : vector<16xf32> to vector<1x16xf32>
        tpu.vector_store %arg10[%swap3A_675, %swap3A_676], %swap3A_679 {strides = array<i32>} : memref<256x64xf32, #tpu.memory_space<vmem>>, vector<1x16xf32>,
        %add3A_680 = arith.constant 9 : i32
        %add3A_681 = arith.addi %mul3A_117, %add3A_680 : i32
        %get3A_682 = arith.index_cast %add3A_681 : i32 to index
        %get3A_683 = arith.constant 16 : index
        %get3A_684 = tpu.vector_load %arg10[%get3A_682, %get3A_683] {strides = array<i32>} : memref<256x64xf32, #tpu.memory_space<vmem>>, vector<1x16xf32>,
        %get3A_685 = vector.shape_cast %get3A_684 : vector<1x16xf32> to vector<16xf32>
        %mul3A_686 = arith.mulf %get3A_685, %gather3A_665 : vector<16xf32>
        %add3A_687 = arith.constant 9 : i32
        %add3A_688 = arith.addi %mul3A_117, %add3A_687 : i32
        %swap3A_689 = arith.index_cast %add3A_688 : i32 to index
        %swap3A_690 = arith.constant 16 : index
        %swap3A_691 = tpu.vector_load %arg10[%swap3A_689, %swap3A_690] {strides = array<i32>} : memref<256x64xf32, #tpu.memory_space<vmem>>, vector<1x16xf32>,
        %swap3A_692 = vector.shape_cast %swap3A_691 : vector<1x16xf32> to vector<16xf32>
        %swap3A_693 = vector.shape_cast %mul3A_686 : vector<16xf32> to vector<1x16xf32>
        tpu.vector_store %arg10[%swap3A_689, %swap3A_690], %swap3A_693 {strides = array<i32>} : memref<256x64xf32, #tpu.memory_space<vmem>>, vector<1x16xf32>,
        %add3A_694 = arith.constant 9 : i32
        %add3A_695 = arith.addi %mul3A_117, %add3A_694 : i32
        %get3A_696 = arith.index_cast %add3A_695 : i32 to index
        %get3A_697 = arith.constant 32 : index
        %get3A_698 = tpu.vector_load %arg10[%get3A_696, %get3A_697] {strides = array<i32>} : memref<256x64xf32, #tpu.memory_space<vmem>>, vector<1x16xf32>,
        %get3A_699 = vector.shape_cast %get3A_698 : vector<1x16xf32> to vector<16xf32>
        %mul3A_700 = arith.mulf %get3A_699, %gather3A_665 : vector<16xf32>
        %add3A_701 = arith.constant 9 : i32
        %add3A_702 = arith.addi %mul3A_117, %add3A_701 : i32
        %swap3A_703 = arith.index_cast %add3A_702 : i32 to index
        %swap3A_704 = arith.constant 32 : index
        %swap3A_705 = tpu.vector_load %arg10[%swap3A_703, %swap3A_704] {strides = array<i32>} : memref<256x64xf32, #tpu.memory_space<vmem>>, vector<1x16xf32>,
        %swap3A_706 = vector.shape_cast %swap3A_705 : vector<1x16xf32> to vector<16xf32>
        %swap3A_707 = vector.shape_cast %mul3A_700 : vector<16xf32> to vector<1x16xf32>
        tpu.vector_store %arg10[%swap3A_703, %swap3A_704], %swap3A_707 {strides = array<i32>} : memref<256x64xf32, #tpu.memory_space<vmem>>, vector<1x16xf32>,
        %add3A_708 = arith.constant 9 : i32
        %add3A_709 = arith.addi %mul3A_117, %add3A_708 : i32
        %get3A_710 = arith.index_cast %add3A_709 : i32 to index
        %get3A_711 = arith.constant 48 : index
        %get3A_712 = tpu.vector_load %arg10[%get3A_710, %get3A_711] {strides = array<i32>} : memref<256x64xf32, #tpu.memory_space<vmem>>, vector<1x16xf32>,
        %get3A_713 = vector.shape_cast %get3A_712 : vector<1x16xf32> to vector<16xf32>
        %mul3A_714 = arith.mulf %get3A_713, %gather3A_665 : vector<16xf32>
        %add3A_715 = arith.constant 9 : i32
        %add3A_716 = arith.addi %mul3A_117, %add3A_715 : i32
        %swap3A_717 = arith.index_cast %add3A_716 : i32 to index
        %swap3A_718 = arith.constant 48 : index
        %swap3A_719 = tpu.vector_load %arg10[%swap3A_717, %swap3A_718] {strides = array<i32>} : memref<256x64xf32, #tpu.memory_space<vmem>>, vector<1x16xf32>,
        %swap3A_720 = vector.shape_cast %swap3A_719 : vector<1x16xf32> to vector<16xf32>
        %swap3A_721 = vector.shape_cast %mul3A_714 : vector<16xf32> to vector<1x16xf32>
        tpu.vector_store %arg10[%swap3A_717, %swap3A_718], %swap3A_721 {strides = array<i32>} : memref<256x64xf32, #tpu.memory_space<vmem>>, vector<1x16xf32>,
        %broadcast_in_dim3A_722 = arith.constant 10 : i32
        %broadcast_in_dim3A_723 = vector.broadcast %broadcast_in_dim3A_722 : i32 to vector<16x1xi32>
        %gather3A_724 = vector.shape_cast %broadcast_in_dim3A_723 : vector<16x1xi32> to vector<16xi32>
        %gather3A_725 = tpu.dynamic_gather %get3A_124[%gather3A_724] in [0] : vector<16xf32>, vector<16xi32> -> vector<16xf32>
        %add3A_726 = arith.constant 10 : i32
        %add3A_727 = arith.addi %mul3A_117, %add3A_726 : i32
        %get3A_728 = arith.index_cast %add3A_727 : i32 to index
        %get3A_729 = arith.constant 0 : index
        %get3A_730 = tpu.vector_load %arg10[%get3A_728, %get3A_729] {strides = array<i32>} : memref<256x64xf32, #tpu.memory_space<vmem>>, vector<1x16xf32>,
        %get3A_731 = vector.shape_cast %get3A_730 : vector<1x16xf32> to vector<16xf32>
        %mul3A_732 = arith.mulf %get3A_731, %gather3A_725 : vector<16xf32>
        %add3A_733 = arith.constant 10 : i32
        %add3A_734 = arith.addi %mul3A_117, %add3A_733 : i32
        %swap3A_735 = arith.index_cast %add3A_734 : i32 to index
        %swap3A_736 = arith.constant 0 : index
        %swap3A_737 = tpu.vector_load %arg10[%swap3A_735, %swap3A_736] {strides = array<i32>} : memref<256x64xf32, #tpu.memory_space<vmem>>, vector<1x16xf32>,
        %swap3A_738 = vector.shape_cast %swap3A_737 : vector<1x16xf32> to vector<16xf32>
        %swap3A_739 = vector.shape_cast %mul3A_732 : vector<16xf32> to vector<1x16xf32>
        tpu.vector_store %arg10[%swap3A_735, %swap3A_736], %swap3A_739 {strides = array<i32>} : memref<256x64xf32, #tpu.memory_space<vmem>>, vector<1x16xf32>,
        %add3A_740 = arith.constant 10 : i32
        %add3A_741 = arith.addi %mul3A_117, %add3A_740 : i32
        %get3A_742 = arith.index_cast %add3A_741 : i32 to index
        %get3A_743 = arith.constant 16 : index
        %get3A_744 = tpu.vector_load %arg10[%get3A_742, %get3A_743] {strides = array<i32>} : memref<256x64xf32, #tpu.memory_space<vmem>>, vector<1x16xf32>,
        %get3A_745 = vector.shape_cast %get3A_744 : vector<1x16xf32> to vector<16xf32>
        %mul3A_746 = arith.mulf %get3A_745, %gather3A_725 : vector<16xf32>
        %add3A_747 = arith.constant 10 : i32
        %add3A_748 = arith.addi %mul3A_117, %add3A_747 : i32
        %swap3A_749 = arith.index_cast %add3A_748 : i32 to index
        %swap3A_750 = arith.constant 16 : index
        %swap3A_751 = tpu.vector_load %arg10[%swap3A_749, %swap3A_750] {strides = array<i32>} : memref<256x64xf32, #tpu.memory_space<vmem>>, vector<1x16xf32>,
        %swap3A_752 = vector.shape_cast %swap3A_751 : vector<1x16xf32> to vector<16xf32>
        %swap3A_753 = vector.shape_cast %mul3A_746 : vector<16xf32> to vector<1x16xf32>
        tpu.vector_store %arg10[%swap3A_749, %swap3A_750], %swap3A_753 {strides = array<i32>} : memref<256x64xf32, #tpu.memory_space<vmem>>, vector<1x16xf32>,
        %add3A_754 = arith.constant 10 : i32
        %add3A_755 = arith.addi %mul3A_117, %add3A_754 : i32
        %get3A_756 = arith.index_cast %add3A_755 : i32 to index
        %get3A_757 = arith.constant 32 : index
        %get3A_758 = tpu.vector_load %arg10[%get3A_756, %get3A_757] {strides = array<i32>} : memref<256x64xf32, #tpu.memory_space<vmem>>, vector<1x16xf32>,
        %get3A_759 = vector.shape_cast %get3A_758 : vector<1x16xf32> to vector<16xf32>
        %mul3A_760 = arith.mulf %get3A_759, %gather3A_725 : vector<16xf32>
        %add3A_761 = arith.constant 10 : i32
        %add3A_762 = arith.addi %mul3A_117, %add3A_761 : i32
        %swap3A_763 = arith.index_cast %add3A_762 : i32 to index
        %swap3A_764 = arith.constant 32 : index
        %swap3A_765 = tpu.vector_load %arg10[%swap3A_763, %swap3A_764] {strides = array<i32>} : memref<256x64xf32, #tpu.memory_space<vmem>>, vector<1x16xf32>,
        %swap3A_766 = vector.shape_cast %swap3A_765 : vector<1x16xf32> to vector<16xf32>
        %swap3A_767 = vector.shape_cast %mul3A_760 : vector<16xf32> to vector<1x16xf32>
        tpu.vector_store %arg10[%swap3A_763, %swap3A_764], %swap3A_767 {strides = array<i32>} : memref<256x64xf32, #tpu.memory_space<vmem>>, vector<1x16xf32>,
        %add3A_768 = arith.constant 10 : i32
        %add3A_769 = arith.addi %mul3A_117, %add3A_768 : i32
        %get3A_770 = arith.index_cast %add3A_769 : i32 to index
        %get3A_771 = arith.constant 48 : index
        %get3A_772 = tpu.vector_load %arg10[%get3A_770, %get3A_771] {strides = array<i32>} : memref<256x64xf32, #tpu.memory_space<vmem>>, vector<1x16xf32>,
        %get3A_773 = vector.shape_cast %get3A_772 : vector<1x16xf32> to vector<16xf32>
        %mul3A_774 = arith.mulf %get3A_773, %gather3A_725 : vector<16xf32>
        %add3A_775 = arith.constant 10 : i32
        %add3A_776 = arith.addi %mul3A_117, %add3A_775 : i32
        %swap3A_777 = arith.index_cast %add3A_776 : i32 to index
        %swap3A_778 = arith.constant 48 : index
        %swap3A_779 = tpu.vector_load %arg10[%swap3A_777, %swap3A_778] {strides = array<i32>} : memref<256x64xf32, #tpu.memory_space<vmem>>, vector<1x16xf32>,
        %swap3A_780 = vector.shape_cast %swap3A_779 : vector<1x16xf32> to vector<16xf32>
        %swap3A_781 = vector.shape_cast %mul3A_774 : vector<16xf32> to vector<1x16xf32>
        tpu.vector_store %arg10[%swap3A_777, %swap3A_778], %swap3A_781 {strides = array<i32>} : memref<256x64xf32, #tpu.memory_space<vmem>>, vector<1x16xf32>,
        %broadcast_in_dim3A_782 = arith.constant 11 : i32
        %broadcast_in_dim3A_783 = vector.broadcast %broadcast_in_dim3A_782 : i32 to vector<16x1xi32>
        %gather3A_784 = vector.shape_cast %broadcast_in_dim3A_783 : vector<16x1xi32> to vector<16xi32>
        %gather3A_785 = tpu.dynamic_gather %get3A_124[%gather3A_784] in [0] : vector<16xf32>, vector<16xi32> -> vector<16xf32>
        %add3A_786 = arith.constant 11 : i32
        %add3A_787 = arith.addi %mul3A_117, %add3A_786 : i32
        %get3A_788 = arith.index_cast %add3A_787 : i32 to index
        %get3A_789 = arith.constant 0 : index
        %get3A_790 = tpu.vector_load %arg10[%get3A_788, %get3A_789] {strides = array<i32>} : memref<256x64xf32, #tpu.memory_space<vmem>>, vector<1x16xf32>,
        %get3A_791 = vector.shape_cast %get3A_790 : vector<1x16xf32> to vector<16xf32>
        %mul3A_792 = arith.mulf %get3A_791, %gather3A_785 : vector<16xf32>
        %add3A_793 = arith.constant 11 : i32
        %add3A_794 = arith.addi %mul3A_117, %add3A_793 : i32
        %swap3A_795 = arith.index_cast %add3A_794 : i32 to index
        %swap3A_796 = arith.constant 0 : index
        %swap3A_797 = tpu.vector_load %arg10[%swap3A_795, %swap3A_796] {strides = array<i32>} : memref<256x64xf32, #tpu.memory_space<vmem>>, vector<1x16xf32>,
        %swap3A_798 = vector.shape_cast %swap3A_797 : vector<1x16xf32> to vector<16xf32>
        %swap3A_799 = vector.shape_cast %mul3A_792 : vector<16xf32> to vector<1x16xf32>
        tpu.vector_store %arg10[%swap3A_795, %swap3A_796], %swap3A_799 {strides = array<i32>} : memref<256x64xf32, #tpu.memory_space<vmem>>, vector<1x16xf32>,
        %add3A_800 = arith.constant 11 : i32
        %add3A_801 = arith.addi %mul3A_117, %add3A_800 : i32
        %get3A_802 = arith.index_cast %add3A_801 : i32 to index
        %get3A_803 = arith.constant 16 : index
        %get3A_804 = tpu.vector_load %arg10[%get3A_802, %get3A_803] {strides = array<i32>} : memref<256x64xf32, #tpu.memory_space<vmem>>, vector<1x16xf32>,
        %get3A_805 = vector.shape_cast %get3A_804 : vector<1x16xf32> to vector<16xf32>
        %mul3A_806 = arith.mulf %get3A_805, %gather3A_785 : vector<16xf32>
        %add3A_807 = arith.constant 11 : i32
        %add3A_808 = arith.addi %mul3A_117, %add3A_807 : i32
        %swap3A_809 = arith.index_cast %add3A_808 : i32 to index
        %swap3A_810 = arith.constant 16 : index
        %swap3A_811 = tpu.vector_load %arg10[%swap3A_809, %swap3A_810] {strides = array<i32>} : memref<256x64xf32, #tpu.memory_space<vmem>>, vector<1x16xf32>,
        %swap3A_812 = vector.shape_cast %swap3A_811 : vector<1x16xf32> to vector<16xf32>
        %swap3A_813 = vector.shape_cast %mul3A_806 : vector<16xf32> to vector<1x16xf32>
        tpu.vector_store %arg10[%swap3A_809, %swap3A_810], %swap3A_813 {strides = array<i32>} : memref<256x64xf32, #tpu.memory_space<vmem>>, vector<1x16xf32>,
        %add3A_814 = arith.constant 11 : i32
        %add3A_815 = arith.addi %mul3A_117, %add3A_814 : i32
        %get3A_816 = arith.index_cast %add3A_815 : i32 to index
        %get3A_817 = arith.constant 32 : index
        %get3A_818 = tpu.vector_load %arg10[%get3A_816, %get3A_817] {strides = array<i32>} : memref<256x64xf32, #tpu.memory_space<vmem>>, vector<1x16xf32>,
        %get3A_819 = vector.shape_cast %get3A_818 : vector<1x16xf32> to vector<16xf32>
        %mul3A_820 = arith.mulf %get3A_819, %gather3A_785 : vector<16xf32>
        %add3A_821 = arith.constant 11 : i32
        %add3A_822 = arith.addi %mul3A_117, %add3A_821 : i32
        %swap3A_823 = arith.index_cast %add3A_822 : i32 to index
        %swap3A_824 = arith.constant 32 : index
        %swap3A_825 = tpu.vector_load %arg10[%swap3A_823, %swap3A_824] {strides = array<i32>} : memref<256x64xf32, #tpu.memory_space<vmem>>, vector<1x16xf32>,
        %swap3A_826 = vector.shape_cast %swap3A_825 : vector<1x16xf32> to vector<16xf32>
        %swap3A_827 = vector.shape_cast %mul3A_820 : vector<16xf32> to vector<1x16xf32>
        tpu.vector_store %arg10[%swap3A_823, %swap3A_824], %swap3A_827 {strides = array<i32>} : memref<256x64xf32, #tpu.memory_space<vmem>>, vector<1x16xf32>,
        %add3A_828 = arith.constant 11 : i32
        %add3A_829 = arith.addi %mul3A_117, %add3A_828 : i32
        %get3A_830 = arith.index_cast %add3A_829 : i32 to index
        %get3A_831 = arith.constant 48 : index
        %get3A_832 = tpu.vector_load %arg10[%get3A_830, %get3A_831] {strides = array<i32>} : memref<256x64xf32, #tpu.memory_space<vmem>>, vector<1x16xf32>,
        %get3A_833 = vector.shape_cast %get3A_832 : vector<1x16xf32> to vector<16xf32>
        %mul3A_834 = arith.mulf %get3A_833, %gather3A_785 : vector<16xf32>
        %add3A_835 = arith.constant 11 : i32
        %add3A_836 = arith.addi %mul3A_117, %add3A_835 : i32
        %swap3A_837 = arith.index_cast %add3A_836 : i32 to index
        %swap3A_838 = arith.constant 48 : index
        %swap3A_839 = tpu.vector_load %arg10[%swap3A_837, %swap3A_838] {strides = array<i32>} : memref<256x64xf32, #tpu.memory_space<vmem>>, vector<1x16xf32>,
        %swap3A_840 = vector.shape_cast %swap3A_839 : vector<1x16xf32> to vector<16xf32>
        %swap3A_841 = vector.shape_cast %mul3A_834 : vector<16xf32> to vector<1x16xf32>
        tpu.vector_store %arg10[%swap3A_837, %swap3A_838], %swap3A_841 {strides = array<i32>} : memref<256x64xf32, #tpu.memory_space<vmem>>, vector<1x16xf32>,
        %broadcast_in_dim3A_842 = arith.constant 12 : i32
        %broadcast_in_dim3A_843 = vector.broadcast %broadcast_in_dim3A_842 : i32 to vector<16x1xi32>
        %gather3A_844 = vector.shape_cast %broadcast_in_dim3A_843 : vector<16x1xi32> to vector<16xi32>
        %gather3A_845 = tpu.dynamic_gather %get3A_124[%gather3A_844] in [0] : vector<16xf32>, vector<16xi32> -> vector<16xf32>
        %add3A_846 = arith.constant 12 : i32
        %add3A_847 = arith.addi %mul3A_117, %add3A_846 : i32
        %get3A_848 = arith.index_cast %add3A_847 : i32 to index
        %get3A_849 = arith.constant 0 : index
        %get3A_850 = tpu.vector_load %arg10[%get3A_848, %get3A_849] {strides = array<i32>} : memref<256x64xf32, #tpu.memory_space<vmem>>, vector<1x16xf32>,
        %get3A_851 = vector.shape_cast %get3A_850 : vector<1x16xf32> to vector<16xf32>
        %mul3A_852 = arith.mulf %get3A_851, %gather3A_845 : vector<16xf32>
        %add3A_853 = arith.constant 12 : i32
        %add3A_854 = arith.addi %mul3A_117, %add3A_853 : i32
        %swap3A_855 = arith.index_cast %add3A_854 : i32 to index
        %swap3A_856 = arith.constant 0 : index
        %swap3A_857 = tpu.vector_load %arg10[%swap3A_855, %swap3A_856] {strides = array<i32>} : memref<256x64xf32, #tpu.memory_space<vmem>>, vector<1x16xf32>,
        %swap3A_858 = vector.shape_cast %swap3A_857 : vector<1x16xf32> to vector<16xf32>
        %swap3A_859 = vector.shape_cast %mul3A_852 : vector<16xf32> to vector<1x16xf32>
        tpu.vector_store %arg10[%swap3A_855, %swap3A_856], %swap3A_859 {strides = array<i32>} : memref<256x64xf32, #tpu.memory_space<vmem>>, vector<1x16xf32>,
        %add3A_860 = arith.constant 12 : i32
        %add3A_861 = arith.addi %mul3A_117, %add3A_860 : i32
        %get3A_862 = arith.index_cast %add3A_861 : i32 to index
        %get3A_863 = arith.constant 16 : index
        %get3A_864 = tpu.vector_load %arg10[%get3A_862, %get3A_863] {strides = array<i32>} : memref<256x64xf32, #tpu.memory_space<vmem>>, vector<1x16xf32>,
        %get3A_865 = vector.shape_cast %get3A_864 : vector<1x16xf32> to vector<16xf32>
        %mul3A_866 = arith.mulf %get3A_865, %gather3A_845 : vector<16xf32>
        %add3A_867 = arith.constant 12 : i32
        %add3A_868 = arith.addi %mul3A_117, %add3A_867 : i32
        %swap3A_869 = arith.index_cast %add3A_868 : i32 to index
        %swap3A_870 = arith.constant 16 : index
        %swap3A_871 = tpu.vector_load %arg10[%swap3A_869, %swap3A_870] {strides = array<i32>} : memref<256x64xf32, #tpu.memory_space<vmem>>, vector<1x16xf32>,
        %swap3A_872 = vector.shape_cast %swap3A_871 : vector<1x16xf32> to vector<16xf32>
        %swap3A_873 = vector.shape_cast %mul3A_866 : vector<16xf32> to vector<1x16xf32>
        tpu.vector_store %arg10[%swap3A_869, %swap3A_870], %swap3A_873 {strides = array<i32>} : memref<256x64xf32, #tpu.memory_space<vmem>>, vector<1x16xf32>,
        %add3A_874 = arith.constant 12 : i32
        %add3A_875 = arith.addi %mul3A_117, %add3A_874 : i32
        %get3A_876 = arith.index_cast %add3A_875 : i32 to index
        %get3A_877 = arith.constant 32 : index
        %get3A_878 = tpu.vector_load %arg10[%get3A_876, %get3A_877] {strides = array<i32>} : memref<256x64xf32, #tpu.memory_space<vmem>>, vector<1x16xf32>,
        %get3A_879 = vector.shape_cast %get3A_878 : vector<1x16xf32> to vector<16xf32>
        %mul3A_880 = arith.mulf %get3A_879, %gather3A_845 : vector<16xf32>
        %add3A_881 = arith.constant 12 : i32
        %add3A_882 = arith.addi %mul3A_117, %add3A_881 : i32
        %swap3A_883 = arith.index_cast %add3A_882 : i32 to index
        %swap3A_884 = arith.constant 32 : index
        %swap3A_885 = tpu.vector_load %arg10[%swap3A_883, %swap3A_884] {strides = array<i32>} : memref<256x64xf32, #tpu.memory_space<vmem>>, vector<1x16xf32>,
        %swap3A_886 = vector.shape_cast %swap3A_885 : vector<1x16xf32> to vector<16xf32>
        %swap3A_887 = vector.shape_cast %mul3A_880 : vector<16xf32> to vector<1x16xf32>
        tpu.vector_store %arg10[%swap3A_883, %swap3A_884], %swap3A_887 {strides = array<i32>} : memref<256x64xf32, #tpu.memory_space<vmem>>, vector<1x16xf32>,
        %add3A_888 = arith.constant 12 : i32
        %add3A_889 = arith.addi %mul3A_117, %add3A_888 : i32
        %get3A_890 = arith.index_cast %add3A_889 : i32 to index
        %get3A_891 = arith.constant 48 : index
        %get3A_892 = tpu.vector_load %arg10[%get3A_890, %get3A_891] {strides = array<i32>} : memref<256x64xf32, #tpu.memory_space<vmem>>, vector<1x16xf32>,
        %get3A_893 = vector.shape_cast %get3A_892 : vector<1x16xf32> to vector<16xf32>
        %mul3A_894 = arith.mulf %get3A_893, %gather3A_845 : vector<16xf32>
        %add3A_895 = arith.constant 12 : i32
        %add3A_896 = arith.addi %mul3A_117, %add3A_895 : i32
        %swap3A_897 = arith.index_cast %add3A_896 : i32 to index
        %swap3A_898 = arith.constant 48 : index
        %swap3A_899 = tpu.vector_load %arg10[%swap3A_897, %swap3A_898] {strides = array<i32>} : memref<256x64xf32, #tpu.memory_space<vmem>>, vector<1x16xf32>,
        %swap3A_900 = vector.shape_cast %swap3A_899 : vector<1x16xf32> to vector<16xf32>
        %swap3A_901 = vector.shape_cast %mul3A_894 : vector<16xf32> to vector<1x16xf32>
        tpu.vector_store %arg10[%swap3A_897, %swap3A_898], %swap3A_901 {strides = array<i32>} : memref<256x64xf32, #tpu.memory_space<vmem>>, vector<1x16xf32>,
        %broadcast_in_dim3A_902 = arith.constant 13 : i32
        %broadcast_in_dim3A_903 = vector.broadcast %broadcast_in_dim3A_902 : i32 to vector<16x1xi32>
        %gather3A_904 = vector.shape_cast %broadcast_in_dim3A_903 : vector<16x1xi32> to vector<16xi32>
        %gather3A_905 = tpu.dynamic_gather %get3A_124[%gather3A_904] in [0] : vector<16xf32>, vector<16xi32> -> vector<16xf32>
        %add3A_906 = arith.constant 13 : i32
        %add3A_907 = arith.addi %mul3A_117, %add3A_906 : i32
        %get3A_908 = arith.index_cast %add3A_907 : i32 to index
        %get3A_909 = arith.constant 0 : index
        %get3A_910 = tpu.vector_load %arg10[%get3A_908, %get3A_909] {strides = array<i32>} : memref<256x64xf32, #tpu.memory_space<vmem>>, vector<1x16xf32>,
        %get3A_911 = vector.shape_cast %get3A_910 : vector<1x16xf32> to vector<16xf32>
        %mul3A_912 = arith.mulf %get3A_911, %gather3A_905 : vector<16xf32>
        %add3A_913 = arith.constant 13 : i32
        %add3A_914 = arith.addi %mul3A_117, %add3A_913 : i32
        %swap3A_915 = arith.index_cast %add3A_914 : i32 to index
        %swap3A_916 = arith.constant 0 : index
        %swap3A_917 = tpu.vector_load %arg10[%swap3A_915, %swap3A_916] {strides = array<i32>} : memref<256x64xf32, #tpu.memory_space<vmem>>, vector<1x16xf32>,
        %swap3A_918 = vector.shape_cast %swap3A_917 : vector<1x16xf32> to vector<16xf32>
        %swap3A_919 = vector.shape_cast %mul3A_912 : vector<16xf32> to vector<1x16xf32>
        tpu.vector_store %arg10[%swap3A_915, %swap3A_916], %swap3A_919 {strides = array<i32>} : memref<256x64xf32, #tpu.memory_space<vmem>>, vector<1x16xf32>,
        %add3A_920 = arith.constant 13 : i32
        %add3A_921 = arith.addi %mul3A_117, %add3A_920 : i32
        %get3A_922 = arith.index_cast %add3A_921 : i32 to index
        %get3A_923 = arith.constant 16 : index
        %get3A_924 = tpu.vector_load %arg10[%get3A_922, %get3A_923] {strides = array<i32>} : memref<256x64xf32, #tpu.memory_space<vmem>>, vector<1x16xf32>,
        %get3A_925 = vector.shape_cast %get3A_924 : vector<1x16xf32> to vector<16xf32>
        %mul3A_926 = arith.mulf %get3A_925, %gather3A_905 : vector<16xf32>
        %add3A_927 = arith.constant 13 : i32
        %add3A_928 = arith.addi %mul3A_117, %add3A_927 : i32
        %swap3A_929 = arith.index_cast %add3A_928 : i32 to index
        %swap3A_930 = arith.constant 16 : index
        %swap3A_931 = tpu.vector_load %arg10[%swap3A_929, %swap3A_930] {strides = array<i32>} : memref<256x64xf32, #tpu.memory_space<vmem>>, vector<1x16xf32>,
        %swap3A_932 = vector.shape_cast %swap3A_931 : vector<1x16xf32> to vector<16xf32>
        %swap3A_933 = vector.shape_cast %mul3A_926 : vector<16xf32> to vector<1x16xf32>
        tpu.vector_store %arg10[%swap3A_929, %swap3A_930], %swap3A_933 {strides = array<i32>} : memref<256x64xf32, #tpu.memory_space<vmem>>, vector<1x16xf32>,
        %add3A_934 = arith.constant 13 : i32
        %add3A_935 = arith.addi %mul3A_117, %add3A_934 : i32
        %get3A_936 = arith.index_cast %add3A_935 : i32 to index
        %get3A_937 = arith.constant 32 : index
        %get3A_938 = tpu.vector_load %arg10[%get3A_936, %get3A_937] {strides = array<i32>} : memref<256x64xf32, #tpu.memory_space<vmem>>, vector<1x16xf32>,
        %get3A_939 = vector.shape_cast %get3A_938 : vector<1x16xf32> to vector<16xf32>
        %mul3A_940 = arith.mulf %get3A_939, %gather3A_905 : vector<16xf32>
        %add3A_941 = arith.constant 13 : i32
        %add3A_942 = arith.addi %mul3A_117, %add3A_941 : i32
        %swap3A_943 = arith.index_cast %add3A_942 : i32 to index
        %swap3A_944 = arith.constant 32 : index
        %swap3A_945 = tpu.vector_load %arg10[%swap3A_943, %swap3A_944] {strides = array<i32>} : memref<256x64xf32, #tpu.memory_space<vmem>>, vector<1x16xf32>,
        %swap3A_946 = vector.shape_cast %swap3A_945 : vector<1x16xf32> to vector<16xf32>
        %swap3A_947 = vector.shape_cast %mul3A_940 : vector<16xf32> to vector<1x16xf32>
        tpu.vector_store %arg10[%swap3A_943, %swap3A_944], %swap3A_947 {strides = array<i32>} : memref<256x64xf32, #tpu.memory_space<vmem>>, vector<1x16xf32>,
        %add3A_948 = arith.constant 13 : i32
        %add3A_949 = arith.addi %mul3A_117, %add3A_948 : i32
        %get3A_950 = arith.index_cast %add3A_949 : i32 to index
        %get3A_951 = arith.constant 48 : index
        %get3A_952 = tpu.vector_load %arg10[%get3A_950, %get3A_951] {strides = array<i32>} : memref<256x64xf32, #tpu.memory_space<vmem>>, vector<1x16xf32>,
        %get3A_953 = vector.shape_cast %get3A_952 : vector<1x16xf32> to vector<16xf32>
        %mul3A_954 = arith.mulf %get3A_953, %gather3A_905 : vector<16xf32>
        %add3A_955 = arith.constant 13 : i32
        %add3A_956 = arith.addi %mul3A_117, %add3A_955 : i32
        %swap3A_957 = arith.index_cast %add3A_956 : i32 to index
        %swap3A_958 = arith.constant 48 : index
        %swap3A_959 = tpu.vector_load %arg10[%swap3A_957, %swap3A_958] {strides = array<i32>} : memref<256x64xf32, #tpu.memory_space<vmem>>, vector<1x16xf32>,
        %swap3A_960 = vector.shape_cast %swap3A_959 : vector<1x16xf32> to vector<16xf32>
        %swap3A_961 = vector.shape_cast %mul3A_954 : vector<16xf32> to vector<1x16xf32>
        tpu.vector_store %arg10[%swap3A_957, %swap3A_958], %swap3A_961 {strides = array<i32>} : memref<256x64xf32, #tpu.memory_space<vmem>>, vector<1x16xf32>,
        %broadcast_in_dim3A_962 = arith.constant 14 : i32
        %broadcast_in_dim3A_963 = vector.broadcast %broadcast_in_dim3A_962 : i32 to vector<16x1xi32>
        %gather3A_964 = vector.shape_cast %broadcast_in_dim3A_963 : vector<16x1xi32> to vector<16xi32>
        %gather3A_965 = tpu.dynamic_gather %get3A_124[%gather3A_964] in [0] : vector<16xf32>, vector<16xi32> -> vector<16xf32>
        %add3A_966 = arith.constant 14 : i32
        %add3A_967 = arith.addi %mul3A_117, %add3A_966 : i32
        %get3A_968 = arith.index_cast %add3A_967 : i32 to index
        %get3A_969 = arith.constant 0 : index
        %get3A_970 = tpu.vector_load %arg10[%get3A_968, %get3A_969] {strides = array<i32>} : memref<256x64xf32, #tpu.memory_space<vmem>>, vector<1x16xf32>,
        %get3A_971 = vector.shape_cast %get3A_970 : vector<1x16xf32> to vector<16xf32>
        %mul3A_972 = arith.mulf %get3A_971, %gather3A_965 : vector<16xf32>
        %add3A_973 = arith.constant 14 : i32
        %add3A_974 = arith.addi %mul3A_117, %add3A_973 : i32
        %swap3A_975 = arith.index_cast %add3A_974 : i32 to index
        %swap3A_976 = arith.constant 0 : index
        %swap3A_977 = tpu.vector_load %arg10[%swap3A_975, %swap3A_976] {strides = array<i32>} : memref<256x64xf32, #tpu.memory_space<vmem>>, vector<1x16xf32>,
        %swap3A_978 = vector.shape_cast %swap3A_977 : vector<1x16xf32> to vector<16xf32>
        %swap3A_979 = vector.shape_cast %mul3A_972 : vector<16xf32> to vector<1x16xf32>
        tpu.vector_store %arg10[%swap3A_975, %swap3A_976], %swap3A_979 {strides = array<i32>} : memref<256x64xf32, #tpu.memory_space<vmem>>, vector<1x16xf32>,
        %add3A_980 = arith.constant 14 : i32
        %add3A_981 = arith.addi %mul3A_117, %add3A_980 : i32
        %get3A_982 = arith.index_cast %add3A_981 : i32 to index
        %get3A_983 = arith.constant 16 : index
        %get3A_984 = tpu.vector_load %arg10[%get3A_982, %get3A_983] {strides = array<i32>} : memref<256x64xf32, #tpu.memory_space<vmem>>, vector<1x16xf32>,
        %get3A_985 = vector.shape_cast %get3A_984 : vector<1x16xf32> to vector<16xf32>
        %mul3A_986 = arith.mulf %get3A_985, %gather3A_965 : vector<16xf32>
        %add3A_987 = arith.constant 14 : i32
        %add3A_988 = arith.addi %mul3A_117, %add3A_987 : i32
        %swap3A_989 = arith.index_cast %add3A_988 : i32 to index
        %swap3A_990 = arith.constant 16 : index
        %swap3A_991 = tpu.vector_load %arg10[%swap3A_989, %swap3A_990] {strides = array<i32>} : memref<256x64xf32, #tpu.memory_space<vmem>>, vector<1x16xf32>,
        %swap3A_992 = vector.shape_cast %swap3A_991 : vector<1x16xf32> to vector<16xf32>
        %swap3A_993 = vector.shape_cast %mul3A_986 : vector<16xf32> to vector<1x16xf32>
        tpu.vector_store %arg10[%swap3A_989, %swap3A_990], %swap3A_993 {strides = array<i32>} : memref<256x64xf32, #tpu.memory_space<vmem>>, vector<1x16xf32>,
        %add3A_994 = arith.constant 14 : i32
        %add3A_995 = arith.addi %mul3A_117, %add3A_994 : i32
        %get3A_996 = arith.index_cast %add3A_995 : i32 to index
        %get3A_997 = arith.constant 32 : index
        %get3A_998 = tpu.vector_load %arg10[%get3A_996, %get3A_997] {strides = array<i32>} : memref<256x64xf32, #tpu.memory_space<vmem>>, vector<1x16xf32>,
        %get3A_999 = vector.shape_cast %get3A_998 : vector<1x16xf32> to vector<16xf32>
        %mul3A_1000 = arith.mulf %get3A_999, %gather3A_965 : vector<16xf32>
        %add3A_1001 = arith.constant 14 : i32
        %add3A_1002 = arith.addi %mul3A_117, %add3A_1001 : i32
        %swap3A_1003 = arith.index_cast %add3A_1002 : i32 to index
        %swap3A_1004 = arith.constant 32 : index
        %swap3A_1005 = tpu.vector_load %arg10[%swap3A_1003, %swap3A_1004] {strides = array<i32>} : memref<256x64xf32, #tpu.memory_space<vmem>>, vector<1x16xf32>,
        %swap3A_1006 = vector.shape_cast %swap3A_1005 : vector<1x16xf32> to vector<16xf32>
        %swap3A_1007 = vector.shape_cast %mul3A_1000 : vector<16xf32> to vector<1x16xf32>
        tpu.vector_store %arg10[%swap3A_1003, %swap3A_1004], %swap3A_1007 {strides = array<i32>} : memref<256x64xf32, #tpu.memory_space<vmem>>, vector<1x16xf32>,
        %add3A_1008 = arith.constant 14 : i32
        %add3A_1009 = arith.addi %mul3A_117, %add3A_1008 : i32
        %get3A_1010 = arith.index_cast %add3A_1009 : i32 to index
        %get3A_1011 = arith.constant 48 : index
        %get3A_1012 = tpu.vector_load %arg10[%get3A_1010, %get3A_1011] {strides = array<i32>} : memref<256x64xf32, #tpu.memory_space<vmem>>, vector<1x16xf32>,
        %get3A_1013 = vector.shape_cast %get3A_1012 : vector<1x16xf32> to vector<16xf32>
        %mul3A_1014 = arith.mulf %get3A_1013, %gather3A_965 : vector<16xf32>
        %add3A_1015 = arith.constant 14 : i32
        %add3A_1016 = arith.addi %mul3A_117, %add3A_1015 : i32
        %swap3A_1017 = arith.index_cast %add3A_1016 : i32 to index
        %swap3A_1018 = arith.constant 48 : index
        %swap3A_1019 = tpu.vector_load %arg10[%swap3A_1017, %swap3A_1018] {strides = array<i32>} : memref<256x64xf32, #tpu.memory_space<vmem>>, vector<1x16xf32>,
        %swap3A_1020 = vector.shape_cast %swap3A_1019 : vector<1x16xf32> to vector<16xf32>
        %swap3A_1021 = vector.shape_cast %mul3A_1014 : vector<16xf32> to vector<1x16xf32>
        tpu.vector_store %arg10[%swap3A_1017, %swap3A_1018], %swap3A_1021 {strides = array<i32>} : memref<256x64xf32, #tpu.memory_space<vmem>>, vector<1x16xf32>,
        %broadcast_in_dim3A_1022 = arith.constant 15 : i32
        %broadcast_in_dim3A_1023 = vector.broadcast %broadcast_in_dim3A_1022 : i32 to vector<16x1xi32>
        %gather3A_1024 = vector.shape_cast %broadcast_in_dim3A_1023 : vector<16x1xi32> to vector<16xi32>
        %gather3A_1025 = tpu.dynamic_gather %get3A_124[%gather3A_1024] in [0] : vector<16xf32>, vector<16xi32> -> vector<16xf32>
        %add3A_1026 = arith.constant 15 : i32
        %add3A_1027 = arith.addi %mul3A_117, %add3A_1026 : i32
        %get3A_1028 = arith.index_cast %add3A_1027 : i32 to index
        %get3A_1029 = arith.constant 0 : index
        %get3A_1030 = tpu.vector_load %arg10[%get3A_1028, %get3A_1029] {strides = array<i32>} : memref<256x64xf32, #tpu.memory_space<vmem>>, vector<1x16xf32>,
        %get3A_1031 = vector.shape_cast %get3A_1030 : vector<1x16xf32> to vector<16xf32>
        %mul3A_1032 = arith.mulf %get3A_1031, %gather3A_1025 : vector<16xf32>
        %add3A_1033 = arith.constant 15 : i32
        %add3A_1034 = arith.addi %mul3A_117, %add3A_1033 : i32
        %swap3A_1035 = arith.index_cast %add3A_1034 : i32 to index
        %swap3A_1036 = arith.constant 0 : index
        %swap3A_1037 = tpu.vector_load %arg10[%swap3A_1035, %swap3A_1036] {strides = array<i32>} : memref<256x64xf32, #tpu.memory_space<vmem>>, vector<1x16xf32>,
        %swap3A_1038 = vector.shape_cast %swap3A_1037 : vector<1x16xf32> to vector<16xf32>
        %swap3A_1039 = vector.shape_cast %mul3A_1032 : vector<16xf32> to vector<1x16xf32>
        tpu.vector_store %arg10[%swap3A_1035, %swap3A_1036], %swap3A_1039 {strides = array<i32>} : memref<256x64xf32, #tpu.memory_space<vmem>>, vector<1x16xf32>,
        %add3A_1040 = arith.constant 15 : i32
        %add3A_1041 = arith.addi %mul3A_117, %add3A_1040 : i32
        %get3A_1042 = arith.index_cast %add3A_1041 : i32 to index
        %get3A_1043 = arith.constant 16 : index
        %get3A_1044 = tpu.vector_load %arg10[%get3A_1042, %get3A_1043] {strides = array<i32>} : memref<256x64xf32, #tpu.memory_space<vmem>>, vector<1x16xf32>,
        %get3A_1045 = vector.shape_cast %get3A_1044 : vector<1x16xf32> to vector<16xf32>
        %mul3A_1046 = arith.mulf %get3A_1045, %gather3A_1025 : vector<16xf32>
        %add3A_1047 = arith.constant 15 : i32
        %add3A_1048 = arith.addi %mul3A_117, %add3A_1047 : i32
        %swap3A_1049 = arith.index_cast %add3A_1048 : i32 to index
        %swap3A_1050 = arith.constant 16 : index
        %swap3A_1051 = tpu.vector_load %arg10[%swap3A_1049, %swap3A_1050] {strides = array<i32>} : memref<256x64xf32, #tpu.memory_space<vmem>>, vector<1x16xf32>,
        %swap3A_1052 = vector.shape_cast %swap3A_1051 : vector<1x16xf32> to vector<16xf32>
        %swap3A_1053 = vector.shape_cast %mul3A_1046 : vector<16xf32> to vector<1x16xf32>
        tpu.vector_store %arg10[%swap3A_1049, %swap3A_1050], %swap3A_1053 {strides = array<i32>} : memref<256x64xf32, #tpu.memory_space<vmem>>, vector<1x16xf32>,
        %add3A_1054 = arith.constant 15 : i32
        %add3A_1055 = arith.addi %mul3A_117, %add3A_1054 : i32
        %get3A_1056 = arith.index_cast %add3A_1055 : i32 to index
        %get3A_1057 = arith.constant 32 : index
        %get3A_1058 = tpu.vector_load %arg10[%get3A_1056, %get3A_1057] {strides = array<i32>} : memref<256x64xf32, #tpu.memory_space<vmem>>, vector<1x16xf32>,
        %get3A_1059 = vector.shape_cast %get3A_1058 : vector<1x16xf32> to vector<16xf32>
        %mul3A_1060 = arith.mulf %get3A_1059, %gather3A_1025 : vector<16xf32>
        %add3A_1061 = arith.constant 15 : i32
        %add3A_1062 = arith.addi %mul3A_117, %add3A_1061 : i32
        %swap3A_1063 = arith.index_cast %add3A_1062 : i32 to index
        %swap3A_1064 = arith.constant 32 : index
        %swap3A_1065 = tpu.vector_load %arg10[%swap3A_1063, %swap3A_1064] {strides = array<i32>} : memref<256x64xf32, #tpu.memory_space<vmem>>, vector<1x16xf32>,
        %swap3A_1066 = vector.shape_cast %swap3A_1065 : vector<1x16xf32> to vector<16xf32>
        %swap3A_1067 = vector.shape_cast %mul3A_1060 : vector<16xf32> to vector<1x16xf32>
        tpu.vector_store %arg10[%swap3A_1063, %swap3A_1064], %swap3A_1067 {strides = array<i32>} : memref<256x64xf32, #tpu.memory_space<vmem>>, vector<1x16xf32>,
        %add3A_1068 = arith.constant 15 : i32
        %add3A_1069 = arith.addi %mul3A_117, %add3A_1068 : i32
        %get3A_1070 = arith.index_cast %add3A_1069 : i32 to index
        %get3A_1071 = arith.constant 48 : index
        %get3A_1072 = tpu.vector_load %arg10[%get3A_1070, %get3A_1071] {strides = array<i32>} : memref<256x64xf32, #tpu.memory_space<vmem>>, vector<1x16xf32>,
        %get3A_1073 = vector.shape_cast %get3A_1072 : vector<1x16xf32> to vector<16xf32>
        %mul3A_1074 = arith.mulf %get3A_1073, %gather3A_1025 : vector<16xf32>
        %add3A_1075 = arith.constant 15 : i32
        %add3A_1076 = arith.addi %mul3A_117, %add3A_1075 : i32
        %swap3A_1077 = arith.index_cast %add3A_1076 : i32 to index
        %swap3A_1078 = arith.constant 48 : index
        %swap3A_1079 = tpu.vector_load %arg10[%swap3A_1077, %swap3A_1078] {strides = array<i32>} : memref<256x64xf32, #tpu.memory_space<vmem>>, vector<1x16xf32>,
        %swap3A_1080 = vector.shape_cast %swap3A_1079 : vector<1x16xf32> to vector<16xf32>
        %swap3A_1081 = vector.shape_cast %mul3A_1074 : vector<16xf32> to vector<1x16xf32>
        tpu.vector_store %arg10[%swap3A_1077, %swap3A_1078], %swap3A_1081 {strides = array<i32>} : memref<256x64xf32, #tpu.memory_space<vmem>>, vector<1x16xf32>,
        %scan3A_1082 = arith.constant 0 : i32
        scf.yield %scan3A_1082 : i32
      }
      %scan3A_75 = arith.constant 16 : i32
      %mul3A_76 = arith.constant 256 : i32
      %mul3A_77 = arith.muli %mul3A_76, %mul3A_53 : i32
      %dma_start3A_78 = tpu.memref_slice %arg8[%mul3A_77] : memref<9216xi32, #tpu.memory_space<vmem>> -> memref<256xi32, #tpu.memory_space<vmem>>
      %dma_start3A_79 = arith.constant 0 : i32
      %dma_start3A_80 = arith.constant 0 : i32
      %dma_start3A_81 = tpu.memref_slice %arg12[%dma_start3A_79, %dma_start3A_80] : memref<16384x64xf32, #tpu.memory_space<vmem_shared>> -> memref<16384x64xf32, #tpu.memory_space<vmem_shared>>
      tpu.enqueue_indirect_dma source(%arg10 : memref<256x64xf32, #tpu.memory_space<vmem>>) target(%dma_start3A_81 : memref<16384x64xf32, #tpu.memory_space<vmem_shared>>) offsets(%dma_start3A_78 : memref<256xi32, #tpu.memory_space<vmem>>) semaphore(%arg15 : memref<!tpu.dma_semaphore, #tpu.memory_space<semaphore_mem>>) {add = true}
      %dma_wait3A_82 = arith.constant 0 : i32
      %dma_wait3A_83 = tpu.memref_slice %arg7[%dma_wait3A_82] : memref<9216xi32, #tpu.memory_space<vmem>> -> memref<256xi32, #tpu.memory_space<vmem>>
      %dma_wait3A_84 = arith.constant 0 : i32
      %dma_wait3A_85 = arith.constant 0 : i32
      %dma_wait3A_86 = tpu.memref_slice %arg2[%dma_wait3A_84, %dma_wait3A_85] : memref<16384x64xf32, #tpu.memory_space<hbm>> -> memref<16384x64xf32, #tpu.memory_space<hbm>>
      tpu.wait_indirect_dma semaphore(%arg14 : memref<!tpu.dma_semaphore, #tpu.memory_space<semaphore_mem>>) src(%dma_wait3A_86 : memref<16384x64xf32, #tpu.memory_space<hbm>>) dst(%arg11 : memref<256x64xf32, #tpu.memory_space<vmem>>)
      %dma_wait3A_87 = arith.constant 0 : i32
      %dma_wait3A_88 = tpu.memref_slice %arg8[%dma_wait3A_87] : memref<9216xi32, #tpu.memory_space<vmem>> -> memref<256xi32, #tpu.memory_space<vmem>>
      %dma_wait3A_89 = arith.constant 0 : i32
      %dma_wait3A_90 = arith.constant 0 : i32
      %dma_wait3A_91 = tpu.memref_slice %arg12[%dma_wait3A_89, %dma_wait3A_90] : memref<16384x64xf32, #tpu.memory_space<vmem_shared>> -> memref<16384x64xf32, #tpu.memory_space<vmem_shared>>
      tpu.wait_indirect_dma semaphore(%arg15 : memref<!tpu.dma_semaphore, #tpu.memory_space<semaphore_mem>>) src(%arg10 : memref<256x64xf32, #tpu.memory_space<vmem>>) dst(%dma_wait3A_91 : memref<16384x64xf32, #tpu.memory_space<vmem_shared>>)
      %lt3A = arith.constant 17 : i32
      %lt3A_92 = arith.cmpi slt, %scan3A_50, %lt3A : i32
      %convert_element_type3A_93 = arith.extui %lt3A_92 : i1 to i32
      %cond3A_94 = arith.constant 0 : i32
      %cond3A_95 = arith.cmpi ne, %convert_element_type3A_93, %cond3A_94 : i32
      scf.if %cond3A_95 {
        %add3A_114 = arith.constant 2 : i32
        %add3A_115 = arith.addi %mul3A_53, %add3A_114 : i32
        %mul3A_116 = arith.constant 256 : i32
        %mul3A_117 = arith.muli %mul3A_116, %add3A_115 : i32
        %dma_start3A_118 = tpu.memref_slice %arg7[%mul3A_117] : memref<9216xi32, #tpu.memory_space<vmem>> -> memref<256xi32, #tpu.memory_space<vmem>>
        %dma_start3A_119 = arith.constant 0 : i32
        %dma_start3A_120 = arith.constant 0 : i32
        %dma_start3A_121 = tpu.memref_slice %arg2[%dma_start3A_119, %dma_start3A_120] : memref<16384x64xf32, #tpu.memory_space<hbm>> -> memref<16384x64xf32, #tpu.memory_space<hbm>>
        tpu.enqueue_indirect_dma source(%dma_start3A_121 : memref<16384x64xf32, #tpu.memory_space<hbm>>) target(%arg10 : memref<256x64xf32, #tpu.memory_space<vmem>>) offsets(%dma_start3A_118 : memref<256xi32, #tpu.memory_space<vmem>>) semaphore(%arg13 : memref<!tpu.dma_semaphore, #tpu.memory_space<semaphore_mem>>)
      } else {
      }
      %add3A_96 = arith.constant 1 : i32
      %add3A_97 = arith.addi %mul3A_53, %add3A_96 : i32
      %scan3A_98 = arith.constant 0 : i32
      %scan3A_99 = arith.constant 0 : i32
      %scan3A_100 = arith.constant 16 : i32
      %scan3A_101 = arith.addi %scan3A_99, %scan3A_100 : i32
      %scan3A_102 = arith.constant 1 : i32
      %scan3A_103 = scf.for %scan3A_114 = %scan3A_99 to %scan3A_101 step %scan3A_102 iter_args(%scan3A_115 = %scan3A_98) -> (i32)  : i32 {
        %mul3A_116 = arith.constant 16 : i32
        %mul3A_117 = arith.muli %scan3A_114, %mul3A_116 : i32
        %mul3A_118 = arith.constant 2 : i32
        %mul3A_119 = arith.muli %add3A_97, %mul3A_118 : i32
        %mul3A_120 = arith.constant 128 : i32
        %mul3A_121 = arith.muli %mul3A_119, %mul3A_120 : i32
        %add3A_122 = arith.addi %mul3A_121, %mul3A_117 : i32
        %get3A = arith.index_cast %add3A_122 : i32 to index
        %get3A_123 = tpu.vector_load %arg9[%get3A] {strides = array<i32>} : memref<9216xf32, #tpu.memory_space<vmem>>, vector<16xf32>,
        %get3A_124 = vector.shape_cast %get3A_123 : vector<16xf32> to vector<16xf32>
        %broadcast_in_dim3A = arith.constant 0 : i32
        %broadcast_in_dim3A_125 = vector.broadcast %broadcast_in_dim3A : i32 to vector<16x1xi32>
        %gather3A = vector.shape_cast %broadcast_in_dim3A_125 : vector<16x1xi32> to vector<16xi32>
        %gather3A_126 = tpu.dynamic_gather %get3A_124[%gather3A] in [0] : vector<16xf32>, vector<16xi32> -> vector<16xf32>
        %add3A_127 = arith.constant 0 : i32
        %add3A_128 = arith.addi %mul3A_117, %add3A_127 : i32
        %get3A_129 = arith.index_cast %add3A_128 : i32 to index
        %get3A_130 = arith.constant 0 : index
        %get3A_131 = tpu.vector_load %arg11[%get3A_129, %get3A_130] {strides = array<i32>} : memref<256x64xf32, #tpu.memory_space<vmem>>, vector<1x16xf32>,
        %get3A_132 = vector.shape_cast %get3A_131 : vector<1x16xf32> to vector<16xf32>
        %mul3A_133 = arith.mulf %get3A_132, %gather3A_126 : vector<16xf32>
        %add3A_134 = arith.constant 0 : i32
        %add3A_135 = arith.addi %mul3A_117, %add3A_134 : i32
        %swap3A = arith.index_cast %add3A_135 : i32 to index
        %swap3A_136 = arith.constant 0 : index
        %swap3A_137 = tpu.vector_load %arg11[%swap3A, %swap3A_136] {strides = array<i32>} : memref<256x64xf32, #tpu.memory_space<vmem>>, vector<1x16xf32>,
        %swap3A_138 = vector.shape_cast %swap3A_137 : vector<1x16xf32> to vector<16xf32>
        %swap3A_139 = vector.shape_cast %mul3A_133 : vector<16xf32> to vector<1x16xf32>
        tpu.vector_store %arg11[%swap3A, %swap3A_136], %swap3A_139 {strides = array<i32>} : memref<256x64xf32, #tpu.memory_space<vmem>>, vector<1x16xf32>,
        %add3A_140 = arith.constant 0 : i32
        %add3A_141 = arith.addi %mul3A_117, %add3A_140 : i32
        %get3A_142 = arith.index_cast %add3A_141 : i32 to index
        %get3A_143 = arith.constant 16 : index
        %get3A_144 = tpu.vector_load %arg11[%get3A_142, %get3A_143] {strides = array<i32>} : memref<256x64xf32, #tpu.memory_space<vmem>>, vector<1x16xf32>,
        %get3A_145 = vector.shape_cast %get3A_144 : vector<1x16xf32> to vector<16xf32>
        %mul3A_146 = arith.mulf %get3A_145, %gather3A_126 : vector<16xf32>
        %add3A_147 = arith.constant 0 : i32
        %add3A_148 = arith.addi %mul3A_117, %add3A_147 : i32
        %swap3A_149 = arith.index_cast %add3A_148 : i32 to index
        %swap3A_150 = arith.constant 16 : index
        %swap3A_151 = tpu.vector_load %arg11[%swap3A_149, %swap3A_150] {strides = array<i32>} : memref<256x64xf32, #tpu.memory_space<vmem>>, vector<1x16xf32>,
        %swap3A_152 = vector.shape_cast %swap3A_151 : vector<1x16xf32> to vector<16xf32>
        %swap3A_153 = vector.shape_cast %mul3A_146 : vector<16xf32> to vector<1x16xf32>
        tpu.vector_store %arg11[%swap3A_149, %swap3A_150], %swap3A_153 {strides = array<i32>} : memref<256x64xf32, #tpu.memory_space<vmem>>, vector<1x16xf32>,
        %add3A_154 = arith.constant 0 : i32
        %add3A_155 = arith.addi %mul3A_117, %add3A_154 : i32
        %get3A_156 = arith.index_cast %add3A_155 : i32 to index
        %get3A_157 = arith.constant 32 : index
        %get3A_158 = tpu.vector_load %arg11[%get3A_156, %get3A_157] {strides = array<i32>} : memref<256x64xf32, #tpu.memory_space<vmem>>, vector<1x16xf32>,
        %get3A_159 = vector.shape_cast %get3A_158 : vector<1x16xf32> to vector<16xf32>
        %mul3A_160 = arith.mulf %get3A_159, %gather3A_126 : vector<16xf32>
        %add3A_161 = arith.constant 0 : i32
        %add3A_162 = arith.addi %mul3A_117, %add3A_161 : i32
        %swap3A_163 = arith.index_cast %add3A_162 : i32 to index
        %swap3A_164 = arith.constant 32 : index
        %swap3A_165 = tpu.vector_load %arg11[%swap3A_163, %swap3A_164] {strides = array<i32>} : memref<256x64xf32, #tpu.memory_space<vmem>>, vector<1x16xf32>,
        %swap3A_166 = vector.shape_cast %swap3A_165 : vector<1x16xf32> to vector<16xf32>
        %swap3A_167 = vector.shape_cast %mul3A_160 : vector<16xf32> to vector<1x16xf32>
        tpu.vector_store %arg11[%swap3A_163, %swap3A_164], %swap3A_167 {strides = array<i32>} : memref<256x64xf32, #tpu.memory_space<vmem>>, vector<1x16xf32>,
        %add3A_168 = arith.constant 0 : i32
        %add3A_169 = arith.addi %mul3A_117, %add3A_168 : i32
        %get3A_170 = arith.index_cast %add3A_169 : i32 to index
        %get3A_171 = arith.constant 48 : index
        %get3A_172 = tpu.vector_load %arg11[%get3A_170, %get3A_171] {strides = array<i32>} : memref<256x64xf32, #tpu.memory_space<vmem>>, vector<1x16xf32>,
        %get3A_173 = vector.shape_cast %get3A_172 : vector<1x16xf32> to vector<16xf32>
        %mul3A_174 = arith.mulf %get3A_173, %gather3A_126 : vector<16xf32>
        %add3A_175 = arith.constant 0 : i32
        %add3A_176 = arith.addi %mul3A_117, %add3A_175 : i32
        %swap3A_177 = arith.index_cast %add3A_176 : i32 to index
        %swap3A_178 = arith.constant 48 : index
        %swap3A_179 = tpu.vector_load %arg11[%swap3A_177, %swap3A_178] {strides = array<i32>} : memref<256x64xf32, #tpu.memory_space<vmem>>, vector<1x16xf32>,
        %swap3A_180 = vector.shape_cast %swap3A_179 : vector<1x16xf32> to vector<16xf32>
        %swap3A_181 = vector.shape_cast %mul3A_174 : vector<16xf32> to vector<1x16xf32>
        tpu.vector_store %arg11[%swap3A_177, %swap3A_178], %swap3A_181 {strides = array<i32>} : memref<256x64xf32, #tpu.memory_space<vmem>>, vector<1x16xf32>,
        %broadcast_in_dim3A_182 = arith.constant 1 : i32
        %broadcast_in_dim3A_183 = vector.broadcast %broadcast_in_dim3A_182 : i32 to vector<16x1xi32>
        %gather3A_184 = vector.shape_cast %broadcast_in_dim3A_183 : vector<16x1xi32> to vector<16xi32>
        %gather3A_185 = tpu.dynamic_gather %get3A_124[%gather3A_184] in [0] : vector<16xf32>, vector<16xi32> -> vector<16xf32>
        %add3A_186 = arith.constant 1 : i32
        %add3A_187 = arith.addi %mul3A_117, %add3A_186 : i32
        %get3A_188 = arith.index_cast %add3A_187 : i32 to index
        %get3A_189 = arith.constant 0 : index
        %get3A_190 = tpu.vector_load %arg11[%get3A_188, %get3A_189] {strides = array<i32>} : memref<256x64xf32, #tpu.memory_space<vmem>>, vector<1x16xf32>,
        %get3A_191 = vector.shape_cast %get3A_190 : vector<1x16xf32> to vector<16xf32>
        %mul3A_192 = arith.mulf %get3A_191, %gather3A_185 : vector<16xf32>
        %add3A_193 = arith.constant 1 : i32
        %add3A_194 = arith.addi %mul3A_117, %add3A_193 : i32
        %swap3A_195 = arith.index_cast %add3A_194 : i32 to index
        %swap3A_196 = arith.constant 0 : index
        %swap3A_197 = tpu.vector_load %arg11[%swap3A_195, %swap3A_196] {strides = array<i32>} : memref<256x64xf32, #tpu.memory_space<vmem>>, vector<1x16xf32>,
        %swap3A_198 = vector.shape_cast %swap3A_197 : vector<1x16xf32> to vector<16xf32>
        %swap3A_199 = vector.shape_cast %mul3A_192 : vector<16xf32> to vector<1x16xf32>
        tpu.vector_store %arg11[%swap3A_195, %swap3A_196], %swap3A_199 {strides = array<i32>} : memref<256x64xf32, #tpu.memory_space<vmem>>, vector<1x16xf32>,
        %add3A_200 = arith.constant 1 : i32
        %add3A_201 = arith.addi %mul3A_117, %add3A_200 : i32
        %get3A_202 = arith.index_cast %add3A_201 : i32 to index
        %get3A_203 = arith.constant 16 : index
        %get3A_204 = tpu.vector_load %arg11[%get3A_202, %get3A_203] {strides = array<i32>} : memref<256x64xf32, #tpu.memory_space<vmem>>, vector<1x16xf32>,
        %get3A_205 = vector.shape_cast %get3A_204 : vector<1x16xf32> to vector<16xf32>
        %mul3A_206 = arith.mulf %get3A_205, %gather3A_185 : vector<16xf32>
        %add3A_207 = arith.constant 1 : i32
        %add3A_208 = arith.addi %mul3A_117, %add3A_207 : i32
        %swap3A_209 = arith.index_cast %add3A_208 : i32 to index
        %swap3A_210 = arith.constant 16 : index
        %swap3A_211 = tpu.vector_load %arg11[%swap3A_209, %swap3A_210] {strides = array<i32>} : memref<256x64xf32, #tpu.memory_space<vmem>>, vector<1x16xf32>,
        %swap3A_212 = vector.shape_cast %swap3A_211 : vector<1x16xf32> to vector<16xf32>
        %swap3A_213 = vector.shape_cast %mul3A_206 : vector<16xf32> to vector<1x16xf32>
        tpu.vector_store %arg11[%swap3A_209, %swap3A_210], %swap3A_213 {strides = array<i32>} : memref<256x64xf32, #tpu.memory_space<vmem>>, vector<1x16xf32>,
        %add3A_214 = arith.constant 1 : i32
        %add3A_215 = arith.addi %mul3A_117, %add3A_214 : i32
        %get3A_216 = arith.index_cast %add3A_215 : i32 to index
        %get3A_217 = arith.constant 32 : index
        %get3A_218 = tpu.vector_load %arg11[%get3A_216, %get3A_217] {strides = array<i32>} : memref<256x64xf32, #tpu.memory_space<vmem>>, vector<1x16xf32>,
        %get3A_219 = vector.shape_cast %get3A_218 : vector<1x16xf32> to vector<16xf32>
        %mul3A_220 = arith.mulf %get3A_219, %gather3A_185 : vector<16xf32>
        %add3A_221 = arith.constant 1 : i32
        %add3A_222 = arith.addi %mul3A_117, %add3A_221 : i32
        %swap3A_223 = arith.index_cast %add3A_222 : i32 to index
        %swap3A_224 = arith.constant 32 : index
        %swap3A_225 = tpu.vector_load %arg11[%swap3A_223, %swap3A_224] {strides = array<i32>} : memref<256x64xf32, #tpu.memory_space<vmem>>, vector<1x16xf32>,
        %swap3A_226 = vector.shape_cast %swap3A_225 : vector<1x16xf32> to vector<16xf32>
        %swap3A_227 = vector.shape_cast %mul3A_220 : vector<16xf32> to vector<1x16xf32>
        tpu.vector_store %arg11[%swap3A_223, %swap3A_224], %swap3A_227 {strides = array<i32>} : memref<256x64xf32, #tpu.memory_space<vmem>>, vector<1x16xf32>,
        %add3A_228 = arith.constant 1 : i32
        %add3A_229 = arith.addi %mul3A_117, %add3A_228 : i32
        %get3A_230 = arith.index_cast %add3A_229 : i32 to index
        %get3A_231 = arith.constant 48 : index
        %get3A_232 = tpu.vector_load %arg11[%get3A_230, %get3A_231] {strides = array<i32>} : memref<256x64xf32, #tpu.memory_space<vmem>>, vector<1x16xf32>,
        %get3A_233 = vector.shape_cast %get3A_232 : vector<1x16xf32> to vector<16xf32>
        %mul3A_234 = arith.mulf %get3A_233, %gather3A_185 : vector<16xf32>
        %add3A_235 = arith.constant 1 : i32
        %add3A_236 = arith.addi %mul3A_117, %add3A_235 : i32
        %swap3A_237 = arith.index_cast %add3A_236 : i32 to index
        %swap3A_238 = arith.constant 48 : index
        %swap3A_239 = tpu.vector_load %arg11[%swap3A_237, %swap3A_238] {strides = array<i32>} : memref<256x64xf32, #tpu.memory_space<vmem>>, vector<1x16xf32>,
        %swap3A_240 = vector.shape_cast %swap3A_239 : vector<1x16xf32> to vector<16xf32>
        %swap3A_241 = vector.shape_cast %mul3A_234 : vector<16xf32> to vector<1x16xf32>
        tpu.vector_store %arg11[%swap3A_237, %swap3A_238], %swap3A_241 {strides = array<i32>} : memref<256x64xf32, #tpu.memory_space<vmem>>, vector<1x16xf32>,
        %broadcast_in_dim3A_242 = arith.constant 2 : i32
        %broadcast_in_dim3A_243 = vector.broadcast %broadcast_in_dim3A_242 : i32 to vector<16x1xi32>
        %gather3A_244 = vector.shape_cast %broadcast_in_dim3A_243 : vector<16x1xi32> to vector<16xi32>
        %gather3A_245 = tpu.dynamic_gather %get3A_124[%gather3A_244] in [0] : vector<16xf32>, vector<16xi32> -> vector<16xf32>
        %add3A_246 = arith.constant 2 : i32
        %add3A_247 = arith.addi %mul3A_117, %add3A_246 : i32
        %get3A_248 = arith.index_cast %add3A_247 : i32 to index
        %get3A_249 = arith.constant 0 : index
        %get3A_250 = tpu.vector_load %arg11[%get3A_248, %get3A_249] {strides = array<i32>} : memref<256x64xf32, #tpu.memory_space<vmem>>, vector<1x16xf32>,
        %get3A_251 = vector.shape_cast %get3A_250 : vector<1x16xf32> to vector<16xf32>
        %mul3A_252 = arith.mulf %get3A_251, %gather3A_245 : vector<16xf32>
        %add3A_253 = arith.constant 2 : i32
        %add3A_254 = arith.addi %mul3A_117, %add3A_253 : i32
        %swap3A_255 = arith.index_cast %add3A_254 : i32 to index
        %swap3A_256 = arith.constant 0 : index
        %swap3A_257 = tpu.vector_load %arg11[%swap3A_255, %swap3A_256] {strides = array<i32>} : memref<256x64xf32, #tpu.memory_space<vmem>>, vector<1x16xf32>,
        %swap3A_258 = vector.shape_cast %swap3A_257 : vector<1x16xf32> to vector<16xf32>
        %swap3A_259 = vector.shape_cast %mul3A_252 : vector<16xf32> to vector<1x16xf32>
        tpu.vector_store %arg11[%swap3A_255, %swap3A_256], %swap3A_259 {strides = array<i32>} : memref<256x64xf32, #tpu.memory_space<vmem>>, vector<1x16xf32>,
        %add3A_260 = arith.constant 2 : i32
        %add3A_261 = arith.addi %mul3A_117, %add3A_260 : i32
        %get3A_262 = arith.index_cast %add3A_261 : i32 to index
        %get3A_263 = arith.constant 16 : index
        %get3A_264 = tpu.vector_load %arg11[%get3A_262, %get3A_263] {strides = array<i32>} : memref<256x64xf32, #tpu.memory_space<vmem>>, vector<1x16xf32>,
        %get3A_265 = vector.shape_cast %get3A_264 : vector<1x16xf32> to vector<16xf32>
        %mul3A_266 = arith.mulf %get3A_265, %gather3A_245 : vector<16xf32>
        %add3A_267 = arith.constant 2 : i32
        %add3A_268 = arith.addi %mul3A_117, %add3A_267 : i32
        %swap3A_269 = arith.index_cast %add3A_268 : i32 to index
        %swap3A_270 = arith.constant 16 : index
        %swap3A_271 = tpu.vector_load %arg11[%swap3A_269, %swap3A_270] {strides = array<i32>} : memref<256x64xf32, #tpu.memory_space<vmem>>, vector<1x16xf32>,
        %swap3A_272 = vector.shape_cast %swap3A_271 : vector<1x16xf32> to vector<16xf32>
        %swap3A_273 = vector.shape_cast %mul3A_266 : vector<16xf32> to vector<1x16xf32>
        tpu.vector_store %arg11[%swap3A_269, %swap3A_270], %swap3A_273 {strides = array<i32>} : memref<256x64xf32, #tpu.memory_space<vmem>>, vector<1x16xf32>,
        %add3A_274 = arith.constant 2 : i32
        %add3A_275 = arith.addi %mul3A_117, %add3A_274 : i32
        %get3A_276 = arith.index_cast %add3A_275 : i32 to index
        %get3A_277 = arith.constant 32 : index
        %get3A_278 = tpu.vector_load %arg11[%get3A_276, %get3A_277] {strides = array<i32>} : memref<256x64xf32, #tpu.memory_space<vmem>>, vector<1x16xf32>,
        %get3A_279 = vector.shape_cast %get3A_278 : vector<1x16xf32> to vector<16xf32>
        %mul3A_280 = arith.mulf %get3A_279, %gather3A_245 : vector<16xf32>
        %add3A_281 = arith.constant 2 : i32
        %add3A_282 = arith.addi %mul3A_117, %add3A_281 : i32
        %swap3A_283 = arith.index_cast %add3A_282 : i32 to index
        %swap3A_284 = arith.constant 32 : index
        %swap3A_285 = tpu.vector_load %arg11[%swap3A_283, %swap3A_284] {strides = array<i32>} : memref<256x64xf32, #tpu.memory_space<vmem>>, vector<1x16xf32>,
        %swap3A_286 = vector.shape_cast %swap3A_285 : vector<1x16xf32> to vector<16xf32>
        %swap3A_287 = vector.shape_cast %mul3A_280 : vector<16xf32> to vector<1x16xf32>
        tpu.vector_store %arg11[%swap3A_283, %swap3A_284], %swap3A_287 {strides = array<i32>} : memref<256x64xf32, #tpu.memory_space<vmem>>, vector<1x16xf32>,
        %add3A_288 = arith.constant 2 : i32
        %add3A_289 = arith.addi %mul3A_117, %add3A_288 : i32
        %get3A_290 = arith.index_cast %add3A_289 : i32 to index
        %get3A_291 = arith.constant 48 : index
        %get3A_292 = tpu.vector_load %arg11[%get3A_290, %get3A_291] {strides = array<i32>} : memref<256x64xf32, #tpu.memory_space<vmem>>, vector<1x16xf32>,
        %get3A_293 = vector.shape_cast %get3A_292 : vector<1x16xf32> to vector<16xf32>
        %mul3A_294 = arith.mulf %get3A_293, %gather3A_245 : vector<16xf32>
        %add3A_295 = arith.constant 2 : i32
        %add3A_296 = arith.addi %mul3A_117, %add3A_295 : i32
        %swap3A_297 = arith.index_cast %add3A_296 : i32 to index
        %swap3A_298 = arith.constant 48 : index
        %swap3A_299 = tpu.vector_load %arg11[%swap3A_297, %swap3A_298] {strides = array<i32>} : memref<256x64xf32, #tpu.memory_space<vmem>>, vector<1x16xf32>,
        %swap3A_300 = vector.shape_cast %swap3A_299 : vector<1x16xf32> to vector<16xf32>
        %swap3A_301 = vector.shape_cast %mul3A_294 : vector<16xf32> to vector<1x16xf32>
        tpu.vector_store %arg11[%swap3A_297, %swap3A_298], %swap3A_301 {strides = array<i32>} : memref<256x64xf32, #tpu.memory_space<vmem>>, vector<1x16xf32>,
        %broadcast_in_dim3A_302 = arith.constant 3 : i32
        %broadcast_in_dim3A_303 = vector.broadcast %broadcast_in_dim3A_302 : i32 to vector<16x1xi32>
        %gather3A_304 = vector.shape_cast %broadcast_in_dim3A_303 : vector<16x1xi32> to vector<16xi32>
        %gather3A_305 = tpu.dynamic_gather %get3A_124[%gather3A_304] in [0] : vector<16xf32>, vector<16xi32> -> vector<16xf32>
        %add3A_306 = arith.constant 3 : i32
        %add3A_307 = arith.addi %mul3A_117, %add3A_306 : i32
        %get3A_308 = arith.index_cast %add3A_307 : i32 to index
        %get3A_309 = arith.constant 0 : index
        %get3A_310 = tpu.vector_load %arg11[%get3A_308, %get3A_309] {strides = array<i32>} : memref<256x64xf32, #tpu.memory_space<vmem>>, vector<1x16xf32>,
        %get3A_311 = vector.shape_cast %get3A_310 : vector<1x16xf32> to vector<16xf32>
        %mul3A_312 = arith.mulf %get3A_311, %gather3A_305 : vector<16xf32>
        %add3A_313 = arith.constant 3 : i32
        %add3A_314 = arith.addi %mul3A_117, %add3A_313 : i32
        %swap3A_315 = arith.index_cast %add3A_314 : i32 to index
        %swap3A_316 = arith.constant 0 : index
        %swap3A_317 = tpu.vector_load %arg11[%swap3A_315, %swap3A_316] {strides = array<i32>} : memref<256x64xf32, #tpu.memory_space<vmem>>, vector<1x16xf32>,
        %swap3A_318 = vector.shape_cast %swap3A_317 : vector<1x16xf32> to vector<16xf32>
        %swap3A_319 = vector.shape_cast %mul3A_312 : vector<16xf32> to vector<1x16xf32>
        tpu.vector_store %arg11[%swap3A_315, %swap3A_316], %swap3A_319 {strides = array<i32>} : memref<256x64xf32, #tpu.memory_space<vmem>>, vector<1x16xf32>,
        %add3A_320 = arith.constant 3 : i32
        %add3A_321 = arith.addi %mul3A_117, %add3A_320 : i32
        %get3A_322 = arith.index_cast %add3A_321 : i32 to index
        %get3A_323 = arith.constant 16 : index
        %get3A_324 = tpu.vector_load %arg11[%get3A_322, %get3A_323] {strides = array<i32>} : memref<256x64xf32, #tpu.memory_space<vmem>>, vector<1x16xf32>,
        %get3A_325 = vector.shape_cast %get3A_324 : vector<1x16xf32> to vector<16xf32>
        %mul3A_326 = arith.mulf %get3A_325, %gather3A_305 : vector<16xf32>
        %add3A_327 = arith.constant 3 : i32
        %add3A_328 = arith.addi %mul3A_117, %add3A_327 : i32
        %swap3A_329 = arith.index_cast %add3A_328 : i32 to index
        %swap3A_330 = arith.constant 16 : index
        %swap3A_331 = tpu.vector_load %arg11[%swap3A_329, %swap3A_330] {strides = array<i32>} : memref<256x64xf32, #tpu.memory_space<vmem>>, vector<1x16xf32>,
        %swap3A_332 = vector.shape_cast %swap3A_331 : vector<1x16xf32> to vector<16xf32>
        %swap3A_333 = vector.shape_cast %mul3A_326 : vector<16xf32> to vector<1x16xf32>
        tpu.vector_store %arg11[%swap3A_329, %swap3A_330], %swap3A_333 {strides = array<i32>} : memref<256x64xf32, #tpu.memory_space<vmem>>, vector<1x16xf32>,
        %add3A_334 = arith.constant 3 : i32
        %add3A_335 = arith.addi %mul3A_117, %add3A_334 : i32
        %get3A_336 = arith.index_cast %add3A_335 : i32 to index
        %get3A_337 = arith.constant 32 : index
        %get3A_338 = tpu.vector_load %arg11[%get3A_336, %get3A_337] {strides = array<i32>} : memref<256x64xf32, #tpu.memory_space<vmem>>, vector<1x16xf32>,
        %get3A_339 = vector.shape_cast %get3A_338 : vector<1x16xf32> to vector<16xf32>
        %mul3A_340 = arith.mulf %get3A_339, %gather3A_305 : vector<16xf32>
        %add3A_341 = arith.constant 3 : i32
        %add3A_342 = arith.addi %mul3A_117, %add3A_341 : i32
        %swap3A_343 = arith.index_cast %add3A_342 : i32 to index
        %swap3A_344 = arith.constant 32 : index
        %swap3A_345 = tpu.vector_load %arg11[%swap3A_343, %swap3A_344] {strides = array<i32>} : memref<256x64xf32, #tpu.memory_space<vmem>>, vector<1x16xf32>,
        %swap3A_346 = vector.shape_cast %swap3A_345 : vector<1x16xf32> to vector<16xf32>
        %swap3A_347 = vector.shape_cast %mul3A_340 : vector<16xf32> to vector<1x16xf32>
        tpu.vector_store %arg11[%swap3A_343, %swap3A_344], %swap3A_347 {strides = array<i32>} : memref<256x64xf32, #tpu.memory_space<vmem>>, vector<1x16xf32>,
        %add3A_348 = arith.constant 3 : i32
        %add3A_349 = arith.addi %mul3A_117, %add3A_348 : i32
        %get3A_350 = arith.index_cast %add3A_349 : i32 to index
        %get3A_351 = arith.constant 48 : index
        %get3A_352 = tpu.vector_load %arg11[%get3A_350, %get3A_351] {strides = array<i32>} : memref<256x64xf32, #tpu.memory_space<vmem>>, vector<1x16xf32>,
        %get3A_353 = vector.shape_cast %get3A_352 : vector<1x16xf32> to vector<16xf32>
        %mul3A_354 = arith.mulf %get3A_353, %gather3A_305 : vector<16xf32>
        %add3A_355 = arith.constant 3 : i32
        %add3A_356 = arith.addi %mul3A_117, %add3A_355 : i32
        %swap3A_357 = arith.index_cast %add3A_356 : i32 to index
        %swap3A_358 = arith.constant 48 : index
        %swap3A_359 = tpu.vector_load %arg11[%swap3A_357, %swap3A_358] {strides = array<i32>} : memref<256x64xf32, #tpu.memory_space<vmem>>, vector<1x16xf32>,
        %swap3A_360 = vector.shape_cast %swap3A_359 : vector<1x16xf32> to vector<16xf32>
        %swap3A_361 = vector.shape_cast %mul3A_354 : vector<16xf32> to vector<1x16xf32>
        tpu.vector_store %arg11[%swap3A_357, %swap3A_358], %swap3A_361 {strides = array<i32>} : memref<256x64xf32, #tpu.memory_space<vmem>>, vector<1x16xf32>,
        %broadcast_in_dim3A_362 = arith.constant 4 : i32
        %broadcast_in_dim3A_363 = vector.broadcast %broadcast_in_dim3A_362 : i32 to vector<16x1xi32>
        %gather3A_364 = vector.shape_cast %broadcast_in_dim3A_363 : vector<16x1xi32> to vector<16xi32>
        %gather3A_365 = tpu.dynamic_gather %get3A_124[%gather3A_364] in [0] : vector<16xf32>, vector<16xi32> -> vector<16xf32>
        %add3A_366 = arith.constant 4 : i32
        %add3A_367 = arith.addi %mul3A_117, %add3A_366 : i32
        %get3A_368 = arith.index_cast %add3A_367 : i32 to index
        %get3A_369 = arith.constant 0 : index
        %get3A_370 = tpu.vector_load %arg11[%get3A_368, %get3A_369] {strides = array<i32>} : memref<256x64xf32, #tpu.memory_space<vmem>>, vector<1x16xf32>,
        %get3A_371 = vector.shape_cast %get3A_370 : vector<1x16xf32> to vector<16xf32>
        %mul3A_372 = arith.mulf %get3A_371, %gather3A_365 : vector<16xf32>
        %add3A_373 = arith.constant 4 : i32
        %add3A_374 = arith.addi %mul3A_117, %add3A_373 : i32
        %swap3A_375 = arith.index_cast %add3A_374 : i32 to index
        %swap3A_376 = arith.constant 0 : index
        %swap3A_377 = tpu.vector_load %arg11[%swap3A_375, %swap3A_376] {strides = array<i32>} : memref<256x64xf32, #tpu.memory_space<vmem>>, vector<1x16xf32>,
        %swap3A_378 = vector.shape_cast %swap3A_377 : vector<1x16xf32> to vector<16xf32>
        %swap3A_379 = vector.shape_cast %mul3A_372 : vector<16xf32> to vector<1x16xf32>
        tpu.vector_store %arg11[%swap3A_375, %swap3A_376], %swap3A_379 {strides = array<i32>} : memref<256x64xf32, #tpu.memory_space<vmem>>, vector<1x16xf32>,
        %add3A_380 = arith.constant 4 : i32
        %add3A_381 = arith.addi %mul3A_117, %add3A_380 : i32
        %get3A_382 = arith.index_cast %add3A_381 : i32 to index
        %get3A_383 = arith.constant 16 : index
        %get3A_384 = tpu.vector_load %arg11[%get3A_382, %get3A_383] {strides = array<i32>} : memref<256x64xf32, #tpu.memory_space<vmem>>, vector<1x16xf32>,
        %get3A_385 = vector.shape_cast %get3A_384 : vector<1x16xf32> to vector<16xf32>
        %mul3A_386 = arith.mulf %get3A_385, %gather3A_365 : vector<16xf32>
        %add3A_387 = arith.constant 4 : i32
        %add3A_388 = arith.addi %mul3A_117, %add3A_387 : i32
        %swap3A_389 = arith.index_cast %add3A_388 : i32 to index
        %swap3A_390 = arith.constant 16 : index
        %swap3A_391 = tpu.vector_load %arg11[%swap3A_389, %swap3A_390] {strides = array<i32>} : memref<256x64xf32, #tpu.memory_space<vmem>>, vector<1x16xf32>,
        %swap3A_392 = vector.shape_cast %swap3A_391 : vector<1x16xf32> to vector<16xf32>
        %swap3A_393 = vector.shape_cast %mul3A_386 : vector<16xf32> to vector<1x16xf32>
        tpu.vector_store %arg11[%swap3A_389, %swap3A_390], %swap3A_393 {strides = array<i32>} : memref<256x64xf32, #tpu.memory_space<vmem>>, vector<1x16xf32>,
        %add3A_394 = arith.constant 4 : i32
        %add3A_395 = arith.addi %mul3A_117, %add3A_394 : i32
        %get3A_396 = arith.index_cast %add3A_395 : i32 to index
        %get3A_397 = arith.constant 32 : index
        %get3A_398 = tpu.vector_load %arg11[%get3A_396, %get3A_397] {strides = array<i32>} : memref<256x64xf32, #tpu.memory_space<vmem>>, vector<1x16xf32>,
        %get3A_399 = vector.shape_cast %get3A_398 : vector<1x16xf32> to vector<16xf32>
        %mul3A_400 = arith.mulf %get3A_399, %gather3A_365 : vector<16xf32>
        %add3A_401 = arith.constant 4 : i32
        %add3A_402 = arith.addi %mul3A_117, %add3A_401 : i32
        %swap3A_403 = arith.index_cast %add3A_402 : i32 to index
        %swap3A_404 = arith.constant 32 : index
        %swap3A_405 = tpu.vector_load %arg11[%swap3A_403, %swap3A_404] {strides = array<i32>} : memref<256x64xf32, #tpu.memory_space<vmem>>, vector<1x16xf32>,
        %swap3A_406 = vector.shape_cast %swap3A_405 : vector<1x16xf32> to vector<16xf32>
        %swap3A_407 = vector.shape_cast %mul3A_400 : vector<16xf32> to vector<1x16xf32>
        tpu.vector_store %arg11[%swap3A_403, %swap3A_404], %swap3A_407 {strides = array<i32>} : memref<256x64xf32, #tpu.memory_space<vmem>>, vector<1x16xf32>,
        %add3A_408 = arith.constant 4 : i32
        %add3A_409 = arith.addi %mul3A_117, %add3A_408 : i32
        %get3A_410 = arith.index_cast %add3A_409 : i32 to index
        %get3A_411 = arith.constant 48 : index
        %get3A_412 = tpu.vector_load %arg11[%get3A_410, %get3A_411] {strides = array<i32>} : memref<256x64xf32, #tpu.memory_space<vmem>>, vector<1x16xf32>,
        %get3A_413 = vector.shape_cast %get3A_412 : vector<1x16xf32> to vector<16xf32>
        %mul3A_414 = arith.mulf %get3A_413, %gather3A_365 : vector<16xf32>
        %add3A_415 = arith.constant 4 : i32
        %add3A_416 = arith.addi %mul3A_117, %add3A_415 : i32
        %swap3A_417 = arith.index_cast %add3A_416 : i32 to index
        %swap3A_418 = arith.constant 48 : index
        %swap3A_419 = tpu.vector_load %arg11[%swap3A_417, %swap3A_418] {strides = array<i32>} : memref<256x64xf32, #tpu.memory_space<vmem>>, vector<1x16xf32>,
        %swap3A_420 = vector.shape_cast %swap3A_419 : vector<1x16xf32> to vector<16xf32>
        %swap3A_421 = vector.shape_cast %mul3A_414 : vector<16xf32> to vector<1x16xf32>
        tpu.vector_store %arg11[%swap3A_417, %swap3A_418], %swap3A_421 {strides = array<i32>} : memref<256x64xf32, #tpu.memory_space<vmem>>, vector<1x16xf32>,
        %broadcast_in_dim3A_422 = arith.constant 5 : i32
        %broadcast_in_dim3A_423 = vector.broadcast %broadcast_in_dim3A_422 : i32 to vector<16x1xi32>
        %gather3A_424 = vector.shape_cast %broadcast_in_dim3A_423 : vector<16x1xi32> to vector<16xi32>
        %gather3A_425 = tpu.dynamic_gather %get3A_124[%gather3A_424] in [0] : vector<16xf32>, vector<16xi32> -> vector<16xf32>
        %add3A_426 = arith.constant 5 : i32
        %add3A_427 = arith.addi %mul3A_117, %add3A_426 : i32
        %get3A_428 = arith.index_cast %add3A_427 : i32 to index
        %get3A_429 = arith.constant 0 : index
        %get3A_430 = tpu.vector_load %arg11[%get3A_428, %get3A_429] {strides = array<i32>} : memref<256x64xf32, #tpu.memory_space<vmem>>, vector<1x16xf32>,
        %get3A_431 = vector.shape_cast %get3A_430 : vector<1x16xf32> to vector<16xf32>
        %mul3A_432 = arith.mulf %get3A_431, %gather3A_425 : vector<16xf32>
        %add3A_433 = arith.constant 5 : i32
        %add3A_434 = arith.addi %mul3A_117, %add3A_433 : i32
        %swap3A_435 = arith.index_cast %add3A_434 : i32 to index
        %swap3A_436 = arith.constant 0 : index
        %swap3A_437 = tpu.vector_load %arg11[%swap3A_435, %swap3A_436] {strides = array<i32>} : memref<256x64xf32, #tpu.memory_space<vmem>>, vector<1x16xf32>,
        %swap3A_438 = vector.shape_cast %swap3A_437 : vector<1x16xf32> to vector<16xf32>
        %swap3A_439 = vector.shape_cast %mul3A_432 : vector<16xf32> to vector<1x16xf32>
        tpu.vector_store %arg11[%swap3A_435, %swap3A_436], %swap3A_439 {strides = array<i32>} : memref<256x64xf32, #tpu.memory_space<vmem>>, vector<1x16xf32>,
        %add3A_440 = arith.constant 5 : i32
        %add3A_441 = arith.addi %mul3A_117, %add3A_440 : i32
        %get3A_442 = arith.index_cast %add3A_441 : i32 to index
        %get3A_443 = arith.constant 16 : index
        %get3A_444 = tpu.vector_load %arg11[%get3A_442, %get3A_443] {strides = array<i32>} : memref<256x64xf32, #tpu.memory_space<vmem>>, vector<1x16xf32>,
        %get3A_445 = vector.shape_cast %get3A_444 : vector<1x16xf32> to vector<16xf32>
        %mul3A_446 = arith.mulf %get3A_445, %gather3A_425 : vector<16xf32>
        %add3A_447 = arith.constant 5 : i32
        %add3A_448 = arith.addi %mul3A_117, %add3A_447 : i32
        %swap3A_449 = arith.index_cast %add3A_448 : i32 to index
        %swap3A_450 = arith.constant 16 : index
        %swap3A_451 = tpu.vector_load %arg11[%swap3A_449, %swap3A_450] {strides = array<i32>} : memref<256x64xf32, #tpu.memory_space<vmem>>, vector<1x16xf32>,
        %swap3A_452 = vector.shape_cast %swap3A_451 : vector<1x16xf32> to vector<16xf32>
        %swap3A_453 = vector.shape_cast %mul3A_446 : vector<16xf32> to vector<1x16xf32>
        tpu.vector_store %arg11[%swap3A_449, %swap3A_450], %swap3A_453 {strides = array<i32>} : memref<256x64xf32, #tpu.memory_space<vmem>>, vector<1x16xf32>,
        %add3A_454 = arith.constant 5 : i32
        %add3A_455 = arith.addi %mul3A_117, %add3A_454 : i32
        %get3A_456 = arith.index_cast %add3A_455 : i32 to index
        %get3A_457 = arith.constant 32 : index
        %get3A_458 = tpu.vector_load %arg11[%get3A_456, %get3A_457] {strides = array<i32>} : memref<256x64xf32, #tpu.memory_space<vmem>>, vector<1x16xf32>,
        %get3A_459 = vector.shape_cast %get3A_458 : vector<1x16xf32> to vector<16xf32>
        %mul3A_460 = arith.mulf %get3A_459, %gather3A_425 : vector<16xf32>
        %add3A_461 = arith.constant 5 : i32
        %add3A_462 = arith.addi %mul3A_117, %add3A_461 : i32
        %swap3A_463 = arith.index_cast %add3A_462 : i32 to index
        %swap3A_464 = arith.constant 32 : index
        %swap3A_465 = tpu.vector_load %arg11[%swap3A_463, %swap3A_464] {strides = array<i32>} : memref<256x64xf32, #tpu.memory_space<vmem>>, vector<1x16xf32>,
        %swap3A_466 = vector.shape_cast %swap3A_465 : vector<1x16xf32> to vector<16xf32>
        %swap3A_467 = vector.shape_cast %mul3A_460 : vector<16xf32> to vector<1x16xf32>
        tpu.vector_store %arg11[%swap3A_463, %swap3A_464], %swap3A_467 {strides = array<i32>} : memref<256x64xf32, #tpu.memory_space<vmem>>, vector<1x16xf32>,
        %add3A_468 = arith.constant 5 : i32
        %add3A_469 = arith.addi %mul3A_117, %add3A_468 : i32
        %get3A_470 = arith.index_cast %add3A_469 : i32 to index
        %get3A_471 = arith.constant 48 : index
        %get3A_472 = tpu.vector_load %arg11[%get3A_470, %get3A_471] {strides = array<i32>} : memref<256x64xf32, #tpu.memory_space<vmem>>, vector<1x16xf32>,
        %get3A_473 = vector.shape_cast %get3A_472 : vector<1x16xf32> to vector<16xf32>
        %mul3A_474 = arith.mulf %get3A_473, %gather3A_425 : vector<16xf32>
        %add3A_475 = arith.constant 5 : i32
        %add3A_476 = arith.addi %mul3A_117, %add3A_475 : i32
        %swap3A_477 = arith.index_cast %add3A_476 : i32 to index
        %swap3A_478 = arith.constant 48 : index
        %swap3A_479 = tpu.vector_load %arg11[%swap3A_477, %swap3A_478] {strides = array<i32>} : memref<256x64xf32, #tpu.memory_space<vmem>>, vector<1x16xf32>,
        %swap3A_480 = vector.shape_cast %swap3A_479 : vector<1x16xf32> to vector<16xf32>
        %swap3A_481 = vector.shape_cast %mul3A_474 : vector<16xf32> to vector<1x16xf32>
        tpu.vector_store %arg11[%swap3A_477, %swap3A_478], %swap3A_481 {strides = array<i32>} : memref<256x64xf32, #tpu.memory_space<vmem>>, vector<1x16xf32>,
        %broadcast_in_dim3A_482 = arith.constant 6 : i32
        %broadcast_in_dim3A_483 = vector.broadcast %broadcast_in_dim3A_482 : i32 to vector<16x1xi32>
        %gather3A_484 = vector.shape_cast %broadcast_in_dim3A_483 : vector<16x1xi32> to vector<16xi32>
        %gather3A_485 = tpu.dynamic_gather %get3A_124[%gather3A_484] in [0] : vector<16xf32>, vector<16xi32> -> vector<16xf32>
        %add3A_486 = arith.constant 6 : i32
        %add3A_487 = arith.addi %mul3A_117, %add3A_486 : i32
        %get3A_488 = arith.index_cast %add3A_487 : i32 to index
        %get3A_489 = arith.constant 0 : index
        %get3A_490 = tpu.vector_load %arg11[%get3A_488, %get3A_489] {strides = array<i32>} : memref<256x64xf32, #tpu.memory_space<vmem>>, vector<1x16xf32>,
        %get3A_491 = vector.shape_cast %get3A_490 : vector<1x16xf32> to vector<16xf32>
        %mul3A_492 = arith.mulf %get3A_491, %gather3A_485 : vector<16xf32>
        %add3A_493 = arith.constant 6 : i32
        %add3A_494 = arith.addi %mul3A_117, %add3A_493 : i32
        %swap3A_495 = arith.index_cast %add3A_494 : i32 to index
        %swap3A_496 = arith.constant 0 : index
        %swap3A_497 = tpu.vector_load %arg11[%swap3A_495, %swap3A_496] {strides = array<i32>} : memref<256x64xf32, #tpu.memory_space<vmem>>, vector<1x16xf32>,
        %swap3A_498 = vector.shape_cast %swap3A_497 : vector<1x16xf32> to vector<16xf32>
        %swap3A_499 = vector.shape_cast %mul3A_492 : vector<16xf32> to vector<1x16xf32>
        tpu.vector_store %arg11[%swap3A_495, %swap3A_496], %swap3A_499 {strides = array<i32>} : memref<256x64xf32, #tpu.memory_space<vmem>>, vector<1x16xf32>,
        %add3A_500 = arith.constant 6 : i32
        %add3A_501 = arith.addi %mul3A_117, %add3A_500 : i32
        %get3A_502 = arith.index_cast %add3A_501 : i32 to index
        %get3A_503 = arith.constant 16 : index
        %get3A_504 = tpu.vector_load %arg11[%get3A_502, %get3A_503] {strides = array<i32>} : memref<256x64xf32, #tpu.memory_space<vmem>>, vector<1x16xf32>,
        %get3A_505 = vector.shape_cast %get3A_504 : vector<1x16xf32> to vector<16xf32>
        %mul3A_506 = arith.mulf %get3A_505, %gather3A_485 : vector<16xf32>
        %add3A_507 = arith.constant 6 : i32
        %add3A_508 = arith.addi %mul3A_117, %add3A_507 : i32
        %swap3A_509 = arith.index_cast %add3A_508 : i32 to index
        %swap3A_510 = arith.constant 16 : index
        %swap3A_511 = tpu.vector_load %arg11[%swap3A_509, %swap3A_510] {strides = array<i32>} : memref<256x64xf32, #tpu.memory_space<vmem>>, vector<1x16xf32>,
        %swap3A_512 = vector.shape_cast %swap3A_511 : vector<1x16xf32> to vector<16xf32>
        %swap3A_513 = vector.shape_cast %mul3A_506 : vector<16xf32> to vector<1x16xf32>
        tpu.vector_store %arg11[%swap3A_509, %swap3A_510], %swap3A_513 {strides = array<i32>} : memref<256x64xf32, #tpu.memory_space<vmem>>, vector<1x16xf32>,
        %add3A_514 = arith.constant 6 : i32
        %add3A_515 = arith.addi %mul3A_117, %add3A_514 : i32
        %get3A_516 = arith.index_cast %add3A_515 : i32 to index
        %get3A_517 = arith.constant 32 : index
        %get3A_518 = tpu.vector_load %arg11[%get3A_516, %get3A_517] {strides = array<i32>} : memref<256x64xf32, #tpu.memory_space<vmem>>, vector<1x16xf32>,
        %get3A_519 = vector.shape_cast %get3A_518 : vector<1x16xf32> to vector<16xf32>
        %mul3A_520 = arith.mulf %get3A_519, %gather3A_485 : vector<16xf32>
        %add3A_521 = arith.constant 6 : i32
        %add3A_522 = arith.addi %mul3A_117, %add3A_521 : i32
        %swap3A_523 = arith.index_cast %add3A_522 : i32 to index
        %swap3A_524 = arith.constant 32 : index
        %swap3A_525 = tpu.vector_load %arg11[%swap3A_523, %swap3A_524] {strides = array<i32>} : memref<256x64xf32, #tpu.memory_space<vmem>>, vector<1x16xf32>,
        %swap3A_526 = vector.shape_cast %swap3A_525 : vector<1x16xf32> to vector<16xf32>
        %swap3A_527 = vector.shape_cast %mul3A_520 : vector<16xf32> to vector<1x16xf32>
        tpu.vector_store %arg11[%swap3A_523, %swap3A_524], %swap3A_527 {strides = array<i32>} : memref<256x64xf32, #tpu.memory_space<vmem>>, vector<1x16xf32>,
        %add3A_528 = arith.constant 6 : i32
        %add3A_529 = arith.addi %mul3A_117, %add3A_528 : i32
        %get3A_530 = arith.index_cast %add3A_529 : i32 to index
        %get3A_531 = arith.constant 48 : index
        %get3A_532 = tpu.vector_load %arg11[%get3A_530, %get3A_531] {strides = array<i32>} : memref<256x64xf32, #tpu.memory_space<vmem>>, vector<1x16xf32>,
        %get3A_533 = vector.shape_cast %get3A_532 : vector<1x16xf32> to vector<16xf32>
        %mul3A_534 = arith.mulf %get3A_533, %gather3A_485 : vector<16xf32>
        %add3A_535 = arith.constant 6 : i32
        %add3A_536 = arith.addi %mul3A_117, %add3A_535 : i32
        %swap3A_537 = arith.index_cast %add3A_536 : i32 to index
        %swap3A_538 = arith.constant 48 : index
        %swap3A_539 = tpu.vector_load %arg11[%swap3A_537, %swap3A_538] {strides = array<i32>} : memref<256x64xf32, #tpu.memory_space<vmem>>, vector<1x16xf32>,
        %swap3A_540 = vector.shape_cast %swap3A_539 : vector<1x16xf32> to vector<16xf32>
        %swap3A_541 = vector.shape_cast %mul3A_534 : vector<16xf32> to vector<1x16xf32>
        tpu.vector_store %arg11[%swap3A_537, %swap3A_538], %swap3A_541 {strides = array<i32>} : memref<256x64xf32, #tpu.memory_space<vmem>>, vector<1x16xf32>,
        %broadcast_in_dim3A_542 = arith.constant 7 : i32
        %broadcast_in_dim3A_543 = vector.broadcast %broadcast_in_dim3A_542 : i32 to vector<16x1xi32>
        %gather3A_544 = vector.shape_cast %broadcast_in_dim3A_543 : vector<16x1xi32> to vector<16xi32>
        %gather3A_545 = tpu.dynamic_gather %get3A_124[%gather3A_544] in [0] : vector<16xf32>, vector<16xi32> -> vector<16xf32>
        %add3A_546 = arith.constant 7 : i32
        %add3A_547 = arith.addi %mul3A_117, %add3A_546 : i32
        %get3A_548 = arith.index_cast %add3A_547 : i32 to index
        %get3A_549 = arith.constant 0 : index
        %get3A_550 = tpu.vector_load %arg11[%get3A_548, %get3A_549] {strides = array<i32>} : memref<256x64xf32, #tpu.memory_space<vmem>>, vector<1x16xf32>,
        %get3A_551 = vector.shape_cast %get3A_550 : vector<1x16xf32> to vector<16xf32>
        %mul3A_552 = arith.mulf %get3A_551, %gather3A_545 : vector<16xf32>
        %add3A_553 = arith.constant 7 : i32
        %add3A_554 = arith.addi %mul3A_117, %add3A_553 : i32
        %swap3A_555 = arith.index_cast %add3A_554 : i32 to index
        %swap3A_556 = arith.constant 0 : index
        %swap3A_557 = tpu.vector_load %arg11[%swap3A_555, %swap3A_556] {strides = array<i32>} : memref<256x64xf32, #tpu.memory_space<vmem>>, vector<1x16xf32>,
        %swap3A_558 = vector.shape_cast %swap3A_557 : vector<1x16xf32> to vector<16xf32>
        %swap3A_559 = vector.shape_cast %mul3A_552 : vector<16xf32> to vector<1x16xf32>
        tpu.vector_store %arg11[%swap3A_555, %swap3A_556], %swap3A_559 {strides = array<i32>} : memref<256x64xf32, #tpu.memory_space<vmem>>, vector<1x16xf32>,
        %add3A_560 = arith.constant 7 : i32
        %add3A_561 = arith.addi %mul3A_117, %add3A_560 : i32
        %get3A_562 = arith.index_cast %add3A_561 : i32 to index
        %get3A_563 = arith.constant 16 : index
        %get3A_564 = tpu.vector_load %arg11[%get3A_562, %get3A_563] {strides = array<i32>} : memref<256x64xf32, #tpu.memory_space<vmem>>, vector<1x16xf32>,
        %get3A_565 = vector.shape_cast %get3A_564 : vector<1x16xf32> to vector<16xf32>
        %mul3A_566 = arith.mulf %get3A_565, %gather3A_545 : vector<16xf32>
        %add3A_567 = arith.constant 7 : i32
        %add3A_568 = arith.addi %mul3A_117, %add3A_567 : i32
        %swap3A_569 = arith.index_cast %add3A_568 : i32 to index
        %swap3A_570 = arith.constant 16 : index
        %swap3A_571 = tpu.vector_load %arg11[%swap3A_569, %swap3A_570] {strides = array<i32>} : memref<256x64xf32, #tpu.memory_space<vmem>>, vector<1x16xf32>,
        %swap3A_572 = vector.shape_cast %swap3A_571 : vector<1x16xf32> to vector<16xf32>
        %swap3A_573 = vector.shape_cast %mul3A_566 : vector<16xf32> to vector<1x16xf32>
        tpu.vector_store %arg11[%swap3A_569, %swap3A_570], %swap3A_573 {strides = array<i32>} : memref<256x64xf32, #tpu.memory_space<vmem>>, vector<1x16xf32>,
        %add3A_574 = arith.constant 7 : i32
        %add3A_575 = arith.addi %mul3A_117, %add3A_574 : i32
        %get3A_576 = arith.index_cast %add3A_575 : i32 to index
        %get3A_577 = arith.constant 32 : index
        %get3A_578 = tpu.vector_load %arg11[%get3A_576, %get3A_577] {strides = array<i32>} : memref<256x64xf32, #tpu.memory_space<vmem>>, vector<1x16xf32>,
        %get3A_579 = vector.shape_cast %get3A_578 : vector<1x16xf32> to vector<16xf32>
        %mul3A_580 = arith.mulf %get3A_579, %gather3A_545 : vector<16xf32>
        %add3A_581 = arith.constant 7 : i32
        %add3A_582 = arith.addi %mul3A_117, %add3A_581 : i32
        %swap3A_583 = arith.index_cast %add3A_582 : i32 to index
        %swap3A_584 = arith.constant 32 : index
        %swap3A_585 = tpu.vector_load %arg11[%swap3A_583, %swap3A_584] {strides = array<i32>} : memref<256x64xf32, #tpu.memory_space<vmem>>, vector<1x16xf32>,
        %swap3A_586 = vector.shape_cast %swap3A_585 : vector<1x16xf32> to vector<16xf32>
        %swap3A_587 = vector.shape_cast %mul3A_580 : vector<16xf32> to vector<1x16xf32>
        tpu.vector_store %arg11[%swap3A_583, %swap3A_584], %swap3A_587 {strides = array<i32>} : memref<256x64xf32, #tpu.memory_space<vmem>>, vector<1x16xf32>,
        %add3A_588 = arith.constant 7 : i32
        %add3A_589 = arith.addi %mul3A_117, %add3A_588 : i32
        %get3A_590 = arith.index_cast %add3A_589 : i32 to index
        %get3A_591 = arith.constant 48 : index
        %get3A_592 = tpu.vector_load %arg11[%get3A_590, %get3A_591] {strides = array<i32>} : memref<256x64xf32, #tpu.memory_space<vmem>>, vector<1x16xf32>,
        %get3A_593 = vector.shape_cast %get3A_592 : vector<1x16xf32> to vector<16xf32>
        %mul3A_594 = arith.mulf %get3A_593, %gather3A_545 : vector<16xf32>
        %add3A_595 = arith.constant 7 : i32
        %add3A_596 = arith.addi %mul3A_117, %add3A_595 : i32
        %swap3A_597 = arith.index_cast %add3A_596 : i32 to index
        %swap3A_598 = arith.constant 48 : index
        %swap3A_599 = tpu.vector_load %arg11[%swap3A_597, %swap3A_598] {strides = array<i32>} : memref<256x64xf32, #tpu.memory_space<vmem>>, vector<1x16xf32>,
        %swap3A_600 = vector.shape_cast %swap3A_599 : vector<1x16xf32> to vector<16xf32>
        %swap3A_601 = vector.shape_cast %mul3A_594 : vector<16xf32> to vector<1x16xf32>
        tpu.vector_store %arg11[%swap3A_597, %swap3A_598], %swap3A_601 {strides = array<i32>} : memref<256x64xf32, #tpu.memory_space<vmem>>, vector<1x16xf32>,
        %broadcast_in_dim3A_602 = arith.constant 8 : i32
        %broadcast_in_dim3A_603 = vector.broadcast %broadcast_in_dim3A_602 : i32 to vector<16x1xi32>
        %gather3A_604 = vector.shape_cast %broadcast_in_dim3A_603 : vector<16x1xi32> to vector<16xi32>
        %gather3A_605 = tpu.dynamic_gather %get3A_124[%gather3A_604] in [0] : vector<16xf32>, vector<16xi32> -> vector<16xf32>
        %add3A_606 = arith.constant 8 : i32
        %add3A_607 = arith.addi %mul3A_117, %add3A_606 : i32
        %get3A_608 = arith.index_cast %add3A_607 : i32 to index
        %get3A_609 = arith.constant 0 : index
        %get3A_610 = tpu.vector_load %arg11[%get3A_608, %get3A_609] {strides = array<i32>} : memref<256x64xf32, #tpu.memory_space<vmem>>, vector<1x16xf32>,
        %get3A_611 = vector.shape_cast %get3A_610 : vector<1x16xf32> to vector<16xf32>
        %mul3A_612 = arith.mulf %get3A_611, %gather3A_605 : vector<16xf32>
        %add3A_613 = arith.constant 8 : i32
        %add3A_614 = arith.addi %mul3A_117, %add3A_613 : i32
        %swap3A_615 = arith.index_cast %add3A_614 : i32 to index
        %swap3A_616 = arith.constant 0 : index
        %swap3A_617 = tpu.vector_load %arg11[%swap3A_615, %swap3A_616] {strides = array<i32>} : memref<256x64xf32, #tpu.memory_space<vmem>>, vector<1x16xf32>,
        %swap3A_618 = vector.shape_cast %swap3A_617 : vector<1x16xf32> to vector<16xf32>
        %swap3A_619 = vector.shape_cast %mul3A_612 : vector<16xf32> to vector<1x16xf32>
        tpu.vector_store %arg11[%swap3A_615, %swap3A_616], %swap3A_619 {strides = array<i32>} : memref<256x64xf32, #tpu.memory_space<vmem>>, vector<1x16xf32>,
        %add3A_620 = arith.constant 8 : i32
        %add3A_621 = arith.addi %mul3A_117, %add3A_620 : i32
        %get3A_622 = arith.index_cast %add3A_621 : i32 to index
        %get3A_623 = arith.constant 16 : index
        %get3A_624 = tpu.vector_load %arg11[%get3A_622, %get3A_623] {strides = array<i32>} : memref<256x64xf32, #tpu.memory_space<vmem>>, vector<1x16xf32>,
        %get3A_625 = vector.shape_cast %get3A_624 : vector<1x16xf32> to vector<16xf32>
        %mul3A_626 = arith.mulf %get3A_625, %gather3A_605 : vector<16xf32>
        %add3A_627 = arith.constant 8 : i32
        %add3A_628 = arith.addi %mul3A_117, %add3A_627 : i32
        %swap3A_629 = arith.index_cast %add3A_628 : i32 to index
        %swap3A_630 = arith.constant 16 : index
        %swap3A_631 = tpu.vector_load %arg11[%swap3A_629, %swap3A_630] {strides = array<i32>} : memref<256x64xf32, #tpu.memory_space<vmem>>, vector<1x16xf32>,
        %swap3A_632 = vector.shape_cast %swap3A_631 : vector<1x16xf32> to vector<16xf32>
        %swap3A_633 = vector.shape_cast %mul3A_626 : vector<16xf32> to vector<1x16xf32>
        tpu.vector_store %arg11[%swap3A_629, %swap3A_630], %swap3A_633 {strides = array<i32>} : memref<256x64xf32, #tpu.memory_space<vmem>>, vector<1x16xf32>,
        %add3A_634 = arith.constant 8 : i32
        %add3A_635 = arith.addi %mul3A_117, %add3A_634 : i32
        %get3A_636 = arith.index_cast %add3A_635 : i32 to index
        %get3A_637 = arith.constant 32 : index
        %get3A_638 = tpu.vector_load %arg11[%get3A_636, %get3A_637] {strides = array<i32>} : memref<256x64xf32, #tpu.memory_space<vmem>>, vector<1x16xf32>,
        %get3A_639 = vector.shape_cast %get3A_638 : vector<1x16xf32> to vector<16xf32>
        %mul3A_640 = arith.mulf %get3A_639, %gather3A_605 : vector<16xf32>
        %add3A_641 = arith.constant 8 : i32
        %add3A_642 = arith.addi %mul3A_117, %add3A_641 : i32
        %swap3A_643 = arith.index_cast %add3A_642 : i32 to index
        %swap3A_644 = arith.constant 32 : index
        %swap3A_645 = tpu.vector_load %arg11[%swap3A_643, %swap3A_644] {strides = array<i32>} : memref<256x64xf32, #tpu.memory_space<vmem>>, vector<1x16xf32>,
        %swap3A_646 = vector.shape_cast %swap3A_645 : vector<1x16xf32> to vector<16xf32>
        %swap3A_647 = vector.shape_cast %mul3A_640 : vector<16xf32> to vector<1x16xf32>
        tpu.vector_store %arg11[%swap3A_643, %swap3A_644], %swap3A_647 {strides = array<i32>} : memref<256x64xf32, #tpu.memory_space<vmem>>, vector<1x16xf32>,
        %add3A_648 = arith.constant 8 : i32
        %add3A_649 = arith.addi %mul3A_117, %add3A_648 : i32
        %get3A_650 = arith.index_cast %add3A_649 : i32 to index
        %get3A_651 = arith.constant 48 : index
        %get3A_652 = tpu.vector_load %arg11[%get3A_650, %get3A_651] {strides = array<i32>} : memref<256x64xf32, #tpu.memory_space<vmem>>, vector<1x16xf32>,
        %get3A_653 = vector.shape_cast %get3A_652 : vector<1x16xf32> to vector<16xf32>
        %mul3A_654 = arith.mulf %get3A_653, %gather3A_605 : vector<16xf32>
        %add3A_655 = arith.constant 8 : i32
        %add3A_656 = arith.addi %mul3A_117, %add3A_655 : i32
        %swap3A_657 = arith.index_cast %add3A_656 : i32 to index
        %swap3A_658 = arith.constant 48 : index
        %swap3A_659 = tpu.vector_load %arg11[%swap3A_657, %swap3A_658] {strides = array<i32>} : memref<256x64xf32, #tpu.memory_space<vmem>>, vector<1x16xf32>,
        %swap3A_660 = vector.shape_cast %swap3A_659 : vector<1x16xf32> to vector<16xf32>
        %swap3A_661 = vector.shape_cast %mul3A_654 : vector<16xf32> to vector<1x16xf32>
        tpu.vector_store %arg11[%swap3A_657, %swap3A_658], %swap3A_661 {strides = array<i32>} : memref<256x64xf32, #tpu.memory_space<vmem>>, vector<1x16xf32>,
        %broadcast_in_dim3A_662 = arith.constant 9 : i32
        %broadcast_in_dim3A_663 = vector.broadcast %broadcast_in_dim3A_662 : i32 to vector<16x1xi32>
        %gather3A_664 = vector.shape_cast %broadcast_in_dim3A_663 : vector<16x1xi32> to vector<16xi32>
        %gather3A_665 = tpu.dynamic_gather %get3A_124[%gather3A_664] in [0] : vector<16xf32>, vector<16xi32> -> vector<16xf32>
        %add3A_666 = arith.constant 9 : i32
        %add3A_667 = arith.addi %mul3A_117, %add3A_666 : i32
        %get3A_668 = arith.index_cast %add3A_667 : i32 to index
        %get3A_669 = arith.constant 0 : index
        %get3A_670 = tpu.vector_load %arg11[%get3A_668, %get3A_669] {strides = array<i32>} : memref<256x64xf32, #tpu.memory_space<vmem>>, vector<1x16xf32>,
        %get3A_671 = vector.shape_cast %get3A_670 : vector<1x16xf32> to vector<16xf32>
        %mul3A_672 = arith.mulf %get3A_671, %gather3A_665 : vector<16xf32>
        %add3A_673 = arith.constant 9 : i32
        %add3A_674 = arith.addi %mul3A_117, %add3A_673 : i32
        %swap3A_675 = arith.index_cast %add3A_674 : i32 to index
        %swap3A_676 = arith.constant 0 : index
        %swap3A_677 = tpu.vector_load %arg11[%swap3A_675, %swap3A_676] {strides = array<i32>} : memref<256x64xf32, #tpu.memory_space<vmem>>, vector<1x16xf32>,
        %swap3A_678 = vector.shape_cast %swap3A_677 : vector<1x16xf32> to vector<16xf32>
        %swap3A_679 = vector.shape_cast %mul3A_672 : vector<16xf32> to vector<1x16xf32>
        tpu.vector_store %arg11[%swap3A_675, %swap3A_676], %swap3A_679 {strides = array<i32>} : memref<256x64xf32, #tpu.memory_space<vmem>>, vector<1x16xf32>,
        %add3A_680 = arith.constant 9 : i32
        %add3A_681 = arith.addi %mul3A_117, %add3A_680 : i32
        %get3A_682 = arith.index_cast %add3A_681 : i32 to index
        %get3A_683 = arith.constant 16 : index
        %get3A_684 = tpu.vector_load %arg11[%get3A_682, %get3A_683] {strides = array<i32>} : memref<256x64xf32, #tpu.memory_space<vmem>>, vector<1x16xf32>,
        %get3A_685 = vector.shape_cast %get3A_684 : vector<1x16xf32> to vector<16xf32>
        %mul3A_686 = arith.mulf %get3A_685, %gather3A_665 : vector<16xf32>
        %add3A_687 = arith.constant 9 : i32
        %add3A_688 = arith.addi %mul3A_117, %add3A_687 : i32
        %swap3A_689 = arith.index_cast %add3A_688 : i32 to index
        %swap3A_690 = arith.constant 16 : index
        %swap3A_691 = tpu.vector_load %arg11[%swap3A_689, %swap3A_690] {strides = array<i32>} : memref<256x64xf32, #tpu.memory_space<vmem>>, vector<1x16xf32>,
        %swap3A_692 = vector.shape_cast %swap3A_691 : vector<1x16xf32> to vector<16xf32>
        %swap3A_693 = vector.shape_cast %mul3A_686 : vector<16xf32> to vector<1x16xf32>
        tpu.vector_store %arg11[%swap3A_689, %swap3A_690], %swap3A_693 {strides = array<i32>} : memref<256x64xf32, #tpu.memory_space<vmem>>, vector<1x16xf32>,
        %add3A_694 = arith.constant 9 : i32
        %add3A_695 = arith.addi %mul3A_117, %add3A_694 : i32
        %get3A_696 = arith.index_cast %add3A_695 : i32 to index
        %get3A_697 = arith.constant 32 : index
        %get3A_698 = tpu.vector_load %arg11[%get3A_696, %get3A_697] {strides = array<i32>} : memref<256x64xf32, #tpu.memory_space<vmem>>, vector<1x16xf32>,
        %get3A_699 = vector.shape_cast %get3A_698 : vector<1x16xf32> to vector<16xf32>
        %mul3A_700 = arith.mulf %get3A_699, %gather3A_665 : vector<16xf32>
        %add3A_701 = arith.constant 9 : i32
        %add3A_702 = arith.addi %mul3A_117, %add3A_701 : i32
        %swap3A_703 = arith.index_cast %add3A_702 : i32 to index
        %swap3A_704 = arith.constant 32 : index
        %swap3A_705 = tpu.vector_load %arg11[%swap3A_703, %swap3A_704] {strides = array<i32>} : memref<256x64xf32, #tpu.memory_space<vmem>>, vector<1x16xf32>,
        %swap3A_706 = vector.shape_cast %swap3A_705 : vector<1x16xf32> to vector<16xf32>
        %swap3A_707 = vector.shape_cast %mul3A_700 : vector<16xf32> to vector<1x16xf32>
        tpu.vector_store %arg11[%swap3A_703, %swap3A_704], %swap3A_707 {strides = array<i32>} : memref<256x64xf32, #tpu.memory_space<vmem>>, vector<1x16xf32>,
        %add3A_708 = arith.constant 9 : i32
        %add3A_709 = arith.addi %mul3A_117, %add3A_708 : i32
        %get3A_710 = arith.index_cast %add3A_709 : i32 to index
        %get3A_711 = arith.constant 48 : index
        %get3A_712 = tpu.vector_load %arg11[%get3A_710, %get3A_711] {strides = array<i32>} : memref<256x64xf32, #tpu.memory_space<vmem>>, vector<1x16xf32>,
        %get3A_713 = vector.shape_cast %get3A_712 : vector<1x16xf32> to vector<16xf32>
        %mul3A_714 = arith.mulf %get3A_713, %gather3A_665 : vector<16xf32>
        %add3A_715 = arith.constant 9 : i32
        %add3A_716 = arith.addi %mul3A_117, %add3A_715 : i32
        %swap3A_717 = arith.index_cast %add3A_716 : i32 to index
        %swap3A_718 = arith.constant 48 : index
        %swap3A_719 = tpu.vector_load %arg11[%swap3A_717, %swap3A_718] {strides = array<i32>} : memref<256x64xf32, #tpu.memory_space<vmem>>, vector<1x16xf32>,
        %swap3A_720 = vector.shape_cast %swap3A_719 : vector<1x16xf32> to vector<16xf32>
        %swap3A_721 = vector.shape_cast %mul3A_714 : vector<16xf32> to vector<1x16xf32>
        tpu.vector_store %arg11[%swap3A_717, %swap3A_718], %swap3A_721 {strides = array<i32>} : memref<256x64xf32, #tpu.memory_space<vmem>>, vector<1x16xf32>,
        %broadcast_in_dim3A_722 = arith.constant 10 : i32
        %broadcast_in_dim3A_723 = vector.broadcast %broadcast_in_dim3A_722 : i32 to vector<16x1xi32>
        %gather3A_724 = vector.shape_cast %broadcast_in_dim3A_723 : vector<16x1xi32> to vector<16xi32>
        %gather3A_725 = tpu.dynamic_gather %get3A_124[%gather3A_724] in [0] : vector<16xf32>, vector<16xi32> -> vector<16xf32>
        %add3A_726 = arith.constant 10 : i32
        %add3A_727 = arith.addi %mul3A_117, %add3A_726 : i32
        %get3A_728 = arith.index_cast %add3A_727 : i32 to index
        %get3A_729 = arith.constant 0 : index
        %get3A_730 = tpu.vector_load %arg11[%get3A_728, %get3A_729] {strides = array<i32>} : memref<256x64xf32, #tpu.memory_space<vmem>>, vector<1x16xf32>,
        %get3A_731 = vector.shape_cast %get3A_730 : vector<1x16xf32> to vector<16xf32>
        %mul3A_732 = arith.mulf %get3A_731, %gather3A_725 : vector<16xf32>
        %add3A_733 = arith.constant 10 : i32
        %add3A_734 = arith.addi %mul3A_117, %add3A_733 : i32
        %swap3A_735 = arith.index_cast %add3A_734 : i32 to index
        %swap3A_736 = arith.constant 0 : index
        %swap3A_737 = tpu.vector_load %arg11[%swap3A_735, %swap3A_736] {strides = array<i32>} : memref<256x64xf32, #tpu.memory_space<vmem>>, vector<1x16xf32>,
        %swap3A_738 = vector.shape_cast %swap3A_737 : vector<1x16xf32> to vector<16xf32>
        %swap3A_739 = vector.shape_cast %mul3A_732 : vector<16xf32> to vector<1x16xf32>
        tpu.vector_store %arg11[%swap3A_735, %swap3A_736], %swap3A_739 {strides = array<i32>} : memref<256x64xf32, #tpu.memory_space<vmem>>, vector<1x16xf32>,
        %add3A_740 = arith.constant 10 : i32
        %add3A_741 = arith.addi %mul3A_117, %add3A_740 : i32
        %get3A_742 = arith.index_cast %add3A_741 : i32 to index
        %get3A_743 = arith.constant 16 : index
        %get3A_744 = tpu.vector_load %arg11[%get3A_742, %get3A_743] {strides = array<i32>} : memref<256x64xf32, #tpu.memory_space<vmem>>, vector<1x16xf32>,
        %get3A_745 = vector.shape_cast %get3A_744 : vector<1x16xf32> to vector<16xf32>
        %mul3A_746 = arith.mulf %get3A_745, %gather3A_725 : vector<16xf32>
        %add3A_747 = arith.constant 10 : i32
        %add3A_748 = arith.addi %mul3A_117, %add3A_747 : i32
        %swap3A_749 = arith.index_cast %add3A_748 : i32 to index
        %swap3A_750 = arith.constant 16 : index
        %swap3A_751 = tpu.vector_load %arg11[%swap3A_749, %swap3A_750] {strides = array<i32>} : memref<256x64xf32, #tpu.memory_space<vmem>>, vector<1x16xf32>,
        %swap3A_752 = vector.shape_cast %swap3A_751 : vector<1x16xf32> to vector<16xf32>
        %swap3A_753 = vector.shape_cast %mul3A_746 : vector<16xf32> to vector<1x16xf32>
        tpu.vector_store %arg11[%swap3A_749, %swap3A_750], %swap3A_753 {strides = array<i32>} : memref<256x64xf32, #tpu.memory_space<vmem>>, vector<1x16xf32>,
        %add3A_754 = arith.constant 10 : i32
        %add3A_755 = arith.addi %mul3A_117, %add3A_754 : i32
        %get3A_756 = arith.index_cast %add3A_755 : i32 to index
        %get3A_757 = arith.constant 32 : index
        %get3A_758 = tpu.vector_load %arg11[%get3A_756, %get3A_757] {strides = array<i32>} : memref<256x64xf32, #tpu.memory_space<vmem>>, vector<1x16xf32>,
        %get3A_759 = vector.shape_cast %get3A_758 : vector<1x16xf32> to vector<16xf32>
        %mul3A_760 = arith.mulf %get3A_759, %gather3A_725 : vector<16xf32>
        %add3A_761 = arith.constant 10 : i32
        %add3A_762 = arith.addi %mul3A_117, %add3A_761 : i32
        %swap3A_763 = arith.index_cast %add3A_762 : i32 to index
        %swap3A_764 = arith.constant 32 : index
        %swap3A_765 = tpu.vector_load %arg11[%swap3A_763, %swap3A_764] {strides = array<i32>} : memref<256x64xf32, #tpu.memory_space<vmem>>, vector<1x16xf32>,
        %swap3A_766 = vector.shape_cast %swap3A_765 : vector<1x16xf32> to vector<16xf32>
        %swap3A_767 = vector.shape_cast %mul3A_760 : vector<16xf32> to vector<1x16xf32>
        tpu.vector_store %arg11[%swap3A_763, %swap3A_764], %swap3A_767 {strides = array<i32>} : memref<256x64xf32, #tpu.memory_space<vmem>>, vector<1x16xf32>,
        %add3A_768 = arith.constant 10 : i32
        %add3A_769 = arith.addi %mul3A_117, %add3A_768 : i32
        %get3A_770 = arith.index_cast %add3A_769 : i32 to index
        %get3A_771 = arith.constant 48 : index
        %get3A_772 = tpu.vector_load %arg11[%get3A_770, %get3A_771] {strides = array<i32>} : memref<256x64xf32, #tpu.memory_space<vmem>>, vector<1x16xf32>,
        %get3A_773 = vector.shape_cast %get3A_772 : vector<1x16xf32> to vector<16xf32>
        %mul3A_774 = arith.mulf %get3A_773, %gather3A_725 : vector<16xf32>
        %add3A_775 = arith.constant 10 : i32
        %add3A_776 = arith.addi %mul3A_117, %add3A_775 : i32
        %swap3A_777 = arith.index_cast %add3A_776 : i32 to index
        %swap3A_778 = arith.constant 48 : index
        %swap3A_779 = tpu.vector_load %arg11[%swap3A_777, %swap3A_778] {strides = array<i32>} : memref<256x64xf32, #tpu.memory_space<vmem>>, vector<1x16xf32>,
        %swap3A_780 = vector.shape_cast %swap3A_779 : vector<1x16xf32> to vector<16xf32>
        %swap3A_781 = vector.shape_cast %mul3A_774 : vector<16xf32> to vector<1x16xf32>
        tpu.vector_store %arg11[%swap3A_777, %swap3A_778], %swap3A_781 {strides = array<i32>} : memref<256x64xf32, #tpu.memory_space<vmem>>, vector<1x16xf32>,
        %broadcast_in_dim3A_782 = arith.constant 11 : i32
        %broadcast_in_dim3A_783 = vector.broadcast %broadcast_in_dim3A_782 : i32 to vector<16x1xi32>
        %gather3A_784 = vector.shape_cast %broadcast_in_dim3A_783 : vector<16x1xi32> to vector<16xi32>
        %gather3A_785 = tpu.dynamic_gather %get3A_124[%gather3A_784] in [0] : vector<16xf32>, vector<16xi32> -> vector<16xf32>
        %add3A_786 = arith.constant 11 : i32
        %add3A_787 = arith.addi %mul3A_117, %add3A_786 : i32
        %get3A_788 = arith.index_cast %add3A_787 : i32 to index
        %get3A_789 = arith.constant 0 : index
        %get3A_790 = tpu.vector_load %arg11[%get3A_788, %get3A_789] {strides = array<i32>} : memref<256x64xf32, #tpu.memory_space<vmem>>, vector<1x16xf32>,
        %get3A_791 = vector.shape_cast %get3A_790 : vector<1x16xf32> to vector<16xf32>
        %mul3A_792 = arith.mulf %get3A_791, %gather3A_785 : vector<16xf32>
        %add3A_793 = arith.constant 11 : i32
        %add3A_794 = arith.addi %mul3A_117, %add3A_793 : i32
        %swap3A_795 = arith.index_cast %add3A_794 : i32 to index
        %swap3A_796 = arith.constant 0 : index
        %swap3A_797 = tpu.vector_load %arg11[%swap3A_795, %swap3A_796] {strides = array<i32>} : memref<256x64xf32, #tpu.memory_space<vmem>>, vector<1x16xf32>,
        %swap3A_798 = vector.shape_cast %swap3A_797 : vector<1x16xf32> to vector<16xf32>
        %swap3A_799 = vector.shape_cast %mul3A_792 : vector<16xf32> to vector<1x16xf32>
        tpu.vector_store %arg11[%swap3A_795, %swap3A_796], %swap3A_799 {strides = array<i32>} : memref<256x64xf32, #tpu.memory_space<vmem>>, vector<1x16xf32>,
        %add3A_800 = arith.constant 11 : i32
        %add3A_801 = arith.addi %mul3A_117, %add3A_800 : i32
        %get3A_802 = arith.index_cast %add3A_801 : i32 to index
        %get3A_803 = arith.constant 16 : index
        %get3A_804 = tpu.vector_load %arg11[%get3A_802, %get3A_803] {strides = array<i32>} : memref<256x64xf32, #tpu.memory_space<vmem>>, vector<1x16xf32>,
        %get3A_805 = vector.shape_cast %get3A_804 : vector<1x16xf32> to vector<16xf32>
        %mul3A_806 = arith.mulf %get3A_805, %gather3A_785 : vector<16xf32>
        %add3A_807 = arith.constant 11 : i32
        %add3A_808 = arith.addi %mul3A_117, %add3A_807 : i32
        %swap3A_809 = arith.index_cast %add3A_808 : i32 to index
        %swap3A_810 = arith.constant 16 : index
        %swap3A_811 = tpu.vector_load %arg11[%swap3A_809, %swap3A_810] {strides = array<i32>} : memref<256x64xf32, #tpu.memory_space<vmem>>, vector<1x16xf32>,
        %swap3A_812 = vector.shape_cast %swap3A_811 : vector<1x16xf32> to vector<16xf32>
        %swap3A_813 = vector.shape_cast %mul3A_806 : vector<16xf32> to vector<1x16xf32>
        tpu.vector_store %arg11[%swap3A_809, %swap3A_810], %swap3A_813 {strides = array<i32>} : memref<256x64xf32, #tpu.memory_space<vmem>>, vector<1x16xf32>,
        %add3A_814 = arith.constant 11 : i32
        %add3A_815 = arith.addi %mul3A_117, %add3A_814 : i32
        %get3A_816 = arith.index_cast %add3A_815 : i32 to index
        %get3A_817 = arith.constant 32 : index
        %get3A_818 = tpu.vector_load %arg11[%get3A_816, %get3A_817] {strides = array<i32>} : memref<256x64xf32, #tpu.memory_space<vmem>>, vector<1x16xf32>,
        %get3A_819 = vector.shape_cast %get3A_818 : vector<1x16xf32> to vector<16xf32>
        %mul3A_820 = arith.mulf %get3A_819, %gather3A_785 : vector<16xf32>
        %add3A_821 = arith.constant 11 : i32
        %add3A_822 = arith.addi %mul3A_117, %add3A_821 : i32
        %swap3A_823 = arith.index_cast %add3A_822 : i32 to index
        %swap3A_824 = arith.constant 32 : index
        %swap3A_825 = tpu.vector_load %arg11[%swap3A_823, %swap3A_824] {strides = array<i32>} : memref<256x64xf32, #tpu.memory_space<vmem>>, vector<1x16xf32>,
        %swap3A_826 = vector.shape_cast %swap3A_825 : vector<1x16xf32> to vector<16xf32>
        %swap3A_827 = vector.shape_cast %mul3A_820 : vector<16xf32> to vector<1x16xf32>
        tpu.vector_store %arg11[%swap3A_823, %swap3A_824], %swap3A_827 {strides = array<i32>} : memref<256x64xf32, #tpu.memory_space<vmem>>, vector<1x16xf32>,
        %add3A_828 = arith.constant 11 : i32
        %add3A_829 = arith.addi %mul3A_117, %add3A_828 : i32
        %get3A_830 = arith.index_cast %add3A_829 : i32 to index
        %get3A_831 = arith.constant 48 : index
        %get3A_832 = tpu.vector_load %arg11[%get3A_830, %get3A_831] {strides = array<i32>} : memref<256x64xf32, #tpu.memory_space<vmem>>, vector<1x16xf32>,
        %get3A_833 = vector.shape_cast %get3A_832 : vector<1x16xf32> to vector<16xf32>
        %mul3A_834 = arith.mulf %get3A_833, %gather3A_785 : vector<16xf32>
        %add3A_835 = arith.constant 11 : i32
        %add3A_836 = arith.addi %mul3A_117, %add3A_835 : i32
        %swap3A_837 = arith.index_cast %add3A_836 : i32 to index
        %swap3A_838 = arith.constant 48 : index
        %swap3A_839 = tpu.vector_load %arg11[%swap3A_837, %swap3A_838] {strides = array<i32>} : memref<256x64xf32, #tpu.memory_space<vmem>>, vector<1x16xf32>,
        %swap3A_840 = vector.shape_cast %swap3A_839 : vector<1x16xf32> to vector<16xf32>
        %swap3A_841 = vector.shape_cast %mul3A_834 : vector<16xf32> to vector<1x16xf32>
        tpu.vector_store %arg11[%swap3A_837, %swap3A_838], %swap3A_841 {strides = array<i32>} : memref<256x64xf32, #tpu.memory_space<vmem>>, vector<1x16xf32>,
        %broadcast_in_dim3A_842 = arith.constant 12 : i32
        %broadcast_in_dim3A_843 = vector.broadcast %broadcast_in_dim3A_842 : i32 to vector<16x1xi32>
        %gather3A_844 = vector.shape_cast %broadcast_in_dim3A_843 : vector<16x1xi32> to vector<16xi32>
        %gather3A_845 = tpu.dynamic_gather %get3A_124[%gather3A_844] in [0] : vector<16xf32>, vector<16xi32> -> vector<16xf32>
        %add3A_846 = arith.constant 12 : i32
        %add3A_847 = arith.addi %mul3A_117, %add3A_846 : i32
        %get3A_848 = arith.index_cast %add3A_847 : i32 to index
        %get3A_849 = arith.constant 0 : index
        %get3A_850 = tpu.vector_load %arg11[%get3A_848, %get3A_849] {strides = array<i32>} : memref<256x64xf32, #tpu.memory_space<vmem>>, vector<1x16xf32>,
        %get3A_851 = vector.shape_cast %get3A_850 : vector<1x16xf32> to vector<16xf32>
        %mul3A_852 = arith.mulf %get3A_851, %gather3A_845 : vector<16xf32>
        %add3A_853 = arith.constant 12 : i32
        %add3A_854 = arith.addi %mul3A_117, %add3A_853 : i32
        %swap3A_855 = arith.index_cast %add3A_854 : i32 to index
        %swap3A_856 = arith.constant 0 : index
        %swap3A_857 = tpu.vector_load %arg11[%swap3A_855, %swap3A_856] {strides = array<i32>} : memref<256x64xf32, #tpu.memory_space<vmem>>, vector<1x16xf32>,
        %swap3A_858 = vector.shape_cast %swap3A_857 : vector<1x16xf32> to vector<16xf32>
        %swap3A_859 = vector.shape_cast %mul3A_852 : vector<16xf32> to vector<1x16xf32>
        tpu.vector_store %arg11[%swap3A_855, %swap3A_856], %swap3A_859 {strides = array<i32>} : memref<256x64xf32, #tpu.memory_space<vmem>>, vector<1x16xf32>,
        %add3A_860 = arith.constant 12 : i32
        %add3A_861 = arith.addi %mul3A_117, %add3A_860 : i32
        %get3A_862 = arith.index_cast %add3A_861 : i32 to index
        %get3A_863 = arith.constant 16 : index
        %get3A_864 = tpu.vector_load %arg11[%get3A_862, %get3A_863] {strides = array<i32>} : memref<256x64xf32, #tpu.memory_space<vmem>>, vector<1x16xf32>,
        %get3A_865 = vector.shape_cast %get3A_864 : vector<1x16xf32> to vector<16xf32>
        %mul3A_866 = arith.mulf %get3A_865, %gather3A_845 : vector<16xf32>
        %add3A_867 = arith.constant 12 : i32
        %add3A_868 = arith.addi %mul3A_117, %add3A_867 : i32
        %swap3A_869 = arith.index_cast %add3A_868 : i32 to index
        %swap3A_870 = arith.constant 16 : index
        %swap3A_871 = tpu.vector_load %arg11[%swap3A_869, %swap3A_870] {strides = array<i32>} : memref<256x64xf32, #tpu.memory_space<vmem>>, vector<1x16xf32>,
        %swap3A_872 = vector.shape_cast %swap3A_871 : vector<1x16xf32> to vector<16xf32>
        %swap3A_873 = vector.shape_cast %mul3A_866 : vector<16xf32> to vector<1x16xf32>
        tpu.vector_store %arg11[%swap3A_869, %swap3A_870], %swap3A_873 {strides = array<i32>} : memref<256x64xf32, #tpu.memory_space<vmem>>, vector<1x16xf32>,
        %add3A_874 = arith.constant 12 : i32
        %add3A_875 = arith.addi %mul3A_117, %add3A_874 : i32
        %get3A_876 = arith.index_cast %add3A_875 : i32 to index
        %get3A_877 = arith.constant 32 : index
        %get3A_878 = tpu.vector_load %arg11[%get3A_876, %get3A_877] {strides = array<i32>} : memref<256x64xf32, #tpu.memory_space<vmem>>, vector<1x16xf32>,
        %get3A_879 = vector.shape_cast %get3A_878 : vector<1x16xf32> to vector<16xf32>
        %mul3A_880 = arith.mulf %get3A_879, %gather3A_845 : vector<16xf32>
        %add3A_881 = arith.constant 12 : i32
        %add3A_882 = arith.addi %mul3A_117, %add3A_881 : i32
        %swap3A_883 = arith.index_cast %add3A_882 : i32 to index
        %swap3A_884 = arith.constant 32 : index
        %swap3A_885 = tpu.vector_load %arg11[%swap3A_883, %swap3A_884] {strides = array<i32>} : memref<256x64xf32, #tpu.memory_space<vmem>>, vector<1x16xf32>,
        %swap3A_886 = vector.shape_cast %swap3A_885 : vector<1x16xf32> to vector<16xf32>
        %swap3A_887 = vector.shape_cast %mul3A_880 : vector<16xf32> to vector<1x16xf32>
        tpu.vector_store %arg11[%swap3A_883, %swap3A_884], %swap3A_887 {strides = array<i32>} : memref<256x64xf32, #tpu.memory_space<vmem>>, vector<1x16xf32>,
        %add3A_888 = arith.constant 12 : i32
        %add3A_889 = arith.addi %mul3A_117, %add3A_888 : i32
        %get3A_890 = arith.index_cast %add3A_889 : i32 to index
        %get3A_891 = arith.constant 48 : index
        %get3A_892 = tpu.vector_load %arg11[%get3A_890, %get3A_891] {strides = array<i32>} : memref<256x64xf32, #tpu.memory_space<vmem>>, vector<1x16xf32>,
        %get3A_893 = vector.shape_cast %get3A_892 : vector<1x16xf32> to vector<16xf32>
        %mul3A_894 = arith.mulf %get3A_893, %gather3A_845 : vector<16xf32>
        %add3A_895 = arith.constant 12 : i32
        %add3A_896 = arith.addi %mul3A_117, %add3A_895 : i32
        %swap3A_897 = arith.index_cast %add3A_896 : i32 to index
        %swap3A_898 = arith.constant 48 : index
        %swap3A_899 = tpu.vector_load %arg11[%swap3A_897, %swap3A_898] {strides = array<i32>} : memref<256x64xf32, #tpu.memory_space<vmem>>, vector<1x16xf32>,
        %swap3A_900 = vector.shape_cast %swap3A_899 : vector<1x16xf32> to vector<16xf32>
        %swap3A_901 = vector.shape_cast %mul3A_894 : vector<16xf32> to vector<1x16xf32>
        tpu.vector_store %arg11[%swap3A_897, %swap3A_898], %swap3A_901 {strides = array<i32>} : memref<256x64xf32, #tpu.memory_space<vmem>>, vector<1x16xf32>,
        %broadcast_in_dim3A_902 = arith.constant 13 : i32
        %broadcast_in_dim3A_903 = vector.broadcast %broadcast_in_dim3A_902 : i32 to vector<16x1xi32>
        %gather3A_904 = vector.shape_cast %broadcast_in_dim3A_903 : vector<16x1xi32> to vector<16xi32>
        %gather3A_905 = tpu.dynamic_gather %get3A_124[%gather3A_904] in [0] : vector<16xf32>, vector<16xi32> -> vector<16xf32>
        %add3A_906 = arith.constant 13 : i32
        %add3A_907 = arith.addi %mul3A_117, %add3A_906 : i32
        %get3A_908 = arith.index_cast %add3A_907 : i32 to index
        %get3A_909 = arith.constant 0 : index
        %get3A_910 = tpu.vector_load %arg11[%get3A_908, %get3A_909] {strides = array<i32>} : memref<256x64xf32, #tpu.memory_space<vmem>>, vector<1x16xf32>,
        %get3A_911 = vector.shape_cast %get3A_910 : vector<1x16xf32> to vector<16xf32>
        %mul3A_912 = arith.mulf %get3A_911, %gather3A_905 : vector<16xf32>
        %add3A_913 = arith.constant 13 : i32
        %add3A_914 = arith.addi %mul3A_117, %add3A_913 : i32
        %swap3A_915 = arith.index_cast %add3A_914 : i32 to index
        %swap3A_916 = arith.constant 0 : index
        %swap3A_917 = tpu.vector_load %arg11[%swap3A_915, %swap3A_916] {strides = array<i32>} : memref<256x64xf32, #tpu.memory_space<vmem>>, vector<1x16xf32>,
        %swap3A_918 = vector.shape_cast %swap3A_917 : vector<1x16xf32> to vector<16xf32>
        %swap3A_919 = vector.shape_cast %mul3A_912 : vector<16xf32> to vector<1x16xf32>
        tpu.vector_store %arg11[%swap3A_915, %swap3A_916], %swap3A_919 {strides = array<i32>} : memref<256x64xf32, #tpu.memory_space<vmem>>, vector<1x16xf32>,
        %add3A_920 = arith.constant 13 : i32
        %add3A_921 = arith.addi %mul3A_117, %add3A_920 : i32
        %get3A_922 = arith.index_cast %add3A_921 : i32 to index
        %get3A_923 = arith.constant 16 : index
        %get3A_924 = tpu.vector_load %arg11[%get3A_922, %get3A_923] {strides = array<i32>} : memref<256x64xf32, #tpu.memory_space<vmem>>, vector<1x16xf32>,
        %get3A_925 = vector.shape_cast %get3A_924 : vector<1x16xf32> to vector<16xf32>
        %mul3A_926 = arith.mulf %get3A_925, %gather3A_905 : vector<16xf32>
        %add3A_927 = arith.constant 13 : i32
        %add3A_928 = arith.addi %mul3A_117, %add3A_927 : i32
        %swap3A_929 = arith.index_cast %add3A_928 : i32 to index
        %swap3A_930 = arith.constant 16 : index
        %swap3A_931 = tpu.vector_load %arg11[%swap3A_929, %swap3A_930] {strides = array<i32>} : memref<256x64xf32, #tpu.memory_space<vmem>>, vector<1x16xf32>,
        %swap3A_932 = vector.shape_cast %swap3A_931 : vector<1x16xf32> to vector<16xf32>
        %swap3A_933 = vector.shape_cast %mul3A_926 : vector<16xf32> to vector<1x16xf32>
        tpu.vector_store %arg11[%swap3A_929, %swap3A_930], %swap3A_933 {strides = array<i32>} : memref<256x64xf32, #tpu.memory_space<vmem>>, vector<1x16xf32>,
        %add3A_934 = arith.constant 13 : i32
        %add3A_935 = arith.addi %mul3A_117, %add3A_934 : i32
        %get3A_936 = arith.index_cast %add3A_935 : i32 to index
        %get3A_937 = arith.constant 32 : index
        %get3A_938 = tpu.vector_load %arg11[%get3A_936, %get3A_937] {strides = array<i32>} : memref<256x64xf32, #tpu.memory_space<vmem>>, vector<1x16xf32>,
        %get3A_939 = vector.shape_cast %get3A_938 : vector<1x16xf32> to vector<16xf32>
        %mul3A_940 = arith.mulf %get3A_939, %gather3A_905 : vector<16xf32>
        %add3A_941 = arith.constant 13 : i32
        %add3A_942 = arith.addi %mul3A_117, %add3A_941 : i32
        %swap3A_943 = arith.index_cast %add3A_942 : i32 to index
        %swap3A_944 = arith.constant 32 : index
        %swap3A_945 = tpu.vector_load %arg11[%swap3A_943, %swap3A_944] {strides = array<i32>} : memref<256x64xf32, #tpu.memory_space<vmem>>, vector<1x16xf32>,
        %swap3A_946 = vector.shape_cast %swap3A_945 : vector<1x16xf32> to vector<16xf32>
        %swap3A_947 = vector.shape_cast %mul3A_940 : vector<16xf32> to vector<1x16xf32>
        tpu.vector_store %arg11[%swap3A_943, %swap3A_944], %swap3A_947 {strides = array<i32>} : memref<256x64xf32, #tpu.memory_space<vmem>>, vector<1x16xf32>,
        %add3A_948 = arith.constant 13 : i32
        %add3A_949 = arith.addi %mul3A_117, %add3A_948 : i32
        %get3A_950 = arith.index_cast %add3A_949 : i32 to index
        %get3A_951 = arith.constant 48 : index
        %get3A_952 = tpu.vector_load %arg11[%get3A_950, %get3A_951] {strides = array<i32>} : memref<256x64xf32, #tpu.memory_space<vmem>>, vector<1x16xf32>,
        %get3A_953 = vector.shape_cast %get3A_952 : vector<1x16xf32> to vector<16xf32>
        %mul3A_954 = arith.mulf %get3A_953, %gather3A_905 : vector<16xf32>
        %add3A_955 = arith.constant 13 : i32
        %add3A_956 = arith.addi %mul3A_117, %add3A_955 : i32
        %swap3A_957 = arith.index_cast %add3A_956 : i32 to index
        %swap3A_958 = arith.constant 48 : index
        %swap3A_959 = tpu.vector_load %arg11[%swap3A_957, %swap3A_958] {strides = array<i32>} : memref<256x64xf32, #tpu.memory_space<vmem>>, vector<1x16xf32>,
        %swap3A_960 = vector.shape_cast %swap3A_959 : vector<1x16xf32> to vector<16xf32>
        %swap3A_961 = vector.shape_cast %mul3A_954 : vector<16xf32> to vector<1x16xf32>
        tpu.vector_store %arg11[%swap3A_957, %swap3A_958], %swap3A_961 {strides = array<i32>} : memref<256x64xf32, #tpu.memory_space<vmem>>, vector<1x16xf32>,
        %broadcast_in_dim3A_962 = arith.constant 14 : i32
        %broadcast_in_dim3A_963 = vector.broadcast %broadcast_in_dim3A_962 : i32 to vector<16x1xi32>
        %gather3A_964 = vector.shape_cast %broadcast_in_dim3A_963 : vector<16x1xi32> to vector<16xi32>
        %gather3A_965 = tpu.dynamic_gather %get3A_124[%gather3A_964] in [0] : vector<16xf32>, vector<16xi32> -> vector<16xf32>
        %add3A_966 = arith.constant 14 : i32
        %add3A_967 = arith.addi %mul3A_117, %add3A_966 : i32
        %get3A_968 = arith.index_cast %add3A_967 : i32 to index
        %get3A_969 = arith.constant 0 : index
        %get3A_970 = tpu.vector_load %arg11[%get3A_968, %get3A_969] {strides = array<i32>} : memref<256x64xf32, #tpu.memory_space<vmem>>, vector<1x16xf32>,
        %get3A_971 = vector.shape_cast %get3A_970 : vector<1x16xf32> to vector<16xf32>
        %mul3A_972 = arith.mulf %get3A_971, %gather3A_965 : vector<16xf32>
        %add3A_973 = arith.constant 14 : i32
        %add3A_974 = arith.addi %mul3A_117, %add3A_973 : i32
        %swap3A_975 = arith.index_cast %add3A_974 : i32 to index
        %swap3A_976 = arith.constant 0 : index
        %swap3A_977 = tpu.vector_load %arg11[%swap3A_975, %swap3A_976] {strides = array<i32>} : memref<256x64xf32, #tpu.memory_space<vmem>>, vector<1x16xf32>,
        %swap3A_978 = vector.shape_cast %swap3A_977 : vector<1x16xf32> to vector<16xf32>
        %swap3A_979 = vector.shape_cast %mul3A_972 : vector<16xf32> to vector<1x16xf32>
        tpu.vector_store %arg11[%swap3A_975, %swap3A_976], %swap3A_979 {strides = array<i32>} : memref<256x64xf32, #tpu.memory_space<vmem>>, vector<1x16xf32>,
        %add3A_980 = arith.constant 14 : i32
        %add3A_981 = arith.addi %mul3A_117, %add3A_980 : i32
        %get3A_982 = arith.index_cast %add3A_981 : i32 to index
        %get3A_983 = arith.constant 16 : index
        %get3A_984 = tpu.vector_load %arg11[%get3A_982, %get3A_983] {strides = array<i32>} : memref<256x64xf32, #tpu.memory_space<vmem>>, vector<1x16xf32>,
        %get3A_985 = vector.shape_cast %get3A_984 : vector<1x16xf32> to vector<16xf32>
        %mul3A_986 = arith.mulf %get3A_985, %gather3A_965 : vector<16xf32>
        %add3A_987 = arith.constant 14 : i32
        %add3A_988 = arith.addi %mul3A_117, %add3A_987 : i32
        %swap3A_989 = arith.index_cast %add3A_988 : i32 to index
        %swap3A_990 = arith.constant 16 : index
        %swap3A_991 = tpu.vector_load %arg11[%swap3A_989, %swap3A_990] {strides = array<i32>} : memref<256x64xf32, #tpu.memory_space<vmem>>, vector<1x16xf32>,
        %swap3A_992 = vector.shape_cast %swap3A_991 : vector<1x16xf32> to vector<16xf32>
        %swap3A_993 = vector.shape_cast %mul3A_986 : vector<16xf32> to vector<1x16xf32>
        tpu.vector_store %arg11[%swap3A_989, %swap3A_990], %swap3A_993 {strides = array<i32>} : memref<256x64xf32, #tpu.memory_space<vmem>>, vector<1x16xf32>,
        %add3A_994 = arith.constant 14 : i32
        %add3A_995 = arith.addi %mul3A_117, %add3A_994 : i32
        %get3A_996 = arith.index_cast %add3A_995 : i32 to index
        %get3A_997 = arith.constant 32 : index
        %get3A_998 = tpu.vector_load %arg11[%get3A_996, %get3A_997] {strides = array<i32>} : memref<256x64xf32, #tpu.memory_space<vmem>>, vector<1x16xf32>,
        %get3A_999 = vector.shape_cast %get3A_998 : vector<1x16xf32> to vector<16xf32>
        %mul3A_1000 = arith.mulf %get3A_999, %gather3A_965 : vector<16xf32>
        %add3A_1001 = arith.constant 14 : i32
        %add3A_1002 = arith.addi %mul3A_117, %add3A_1001 : i32
        %swap3A_1003 = arith.index_cast %add3A_1002 : i32 to index
        %swap3A_1004 = arith.constant 32 : index
        %swap3A_1005 = tpu.vector_load %arg11[%swap3A_1003, %swap3A_1004] {strides = array<i32>} : memref<256x64xf32, #tpu.memory_space<vmem>>, vector<1x16xf32>,
        %swap3A_1006 = vector.shape_cast %swap3A_1005 : vector<1x16xf32> to vector<16xf32>
        %swap3A_1007 = vector.shape_cast %mul3A_1000 : vector<16xf32> to vector<1x16xf32>
        tpu.vector_store %arg11[%swap3A_1003, %swap3A_1004], %swap3A_1007 {strides = array<i32>} : memref<256x64xf32, #tpu.memory_space<vmem>>, vector<1x16xf32>,
        %add3A_1008 = arith.constant 14 : i32
        %add3A_1009 = arith.addi %mul3A_117, %add3A_1008 : i32
        %get3A_1010 = arith.index_cast %add3A_1009 : i32 to index
        %get3A_1011 = arith.constant 48 : index
        %get3A_1012 = tpu.vector_load %arg11[%get3A_1010, %get3A_1011] {strides = array<i32>} : memref<256x64xf32, #tpu.memory_space<vmem>>, vector<1x16xf32>,
        %get3A_1013 = vector.shape_cast %get3A_1012 : vector<1x16xf32> to vector<16xf32>
        %mul3A_1014 = arith.mulf %get3A_1013, %gather3A_965 : vector<16xf32>
        %add3A_1015 = arith.constant 14 : i32
        %add3A_1016 = arith.addi %mul3A_117, %add3A_1015 : i32
        %swap3A_1017 = arith.index_cast %add3A_1016 : i32 to index
        %swap3A_1018 = arith.constant 48 : index
        %swap3A_1019 = tpu.vector_load %arg11[%swap3A_1017, %swap3A_1018] {strides = array<i32>} : memref<256x64xf32, #tpu.memory_space<vmem>>, vector<1x16xf32>,
        %swap3A_1020 = vector.shape_cast %swap3A_1019 : vector<1x16xf32> to vector<16xf32>
        %swap3A_1021 = vector.shape_cast %mul3A_1014 : vector<16xf32> to vector<1x16xf32>
        tpu.vector_store %arg11[%swap3A_1017, %swap3A_1018], %swap3A_1021 {strides = array<i32>} : memref<256x64xf32, #tpu.memory_space<vmem>>, vector<1x16xf32>,
        %broadcast_in_dim3A_1022 = arith.constant 15 : i32
        %broadcast_in_dim3A_1023 = vector.broadcast %broadcast_in_dim3A_1022 : i32 to vector<16x1xi32>
        %gather3A_1024 = vector.shape_cast %broadcast_in_dim3A_1023 : vector<16x1xi32> to vector<16xi32>
        %gather3A_1025 = tpu.dynamic_gather %get3A_124[%gather3A_1024] in [0] : vector<16xf32>, vector<16xi32> -> vector<16xf32>
        %add3A_1026 = arith.constant 15 : i32
        %add3A_1027 = arith.addi %mul3A_117, %add3A_1026 : i32
        %get3A_1028 = arith.index_cast %add3A_1027 : i32 to index
        %get3A_1029 = arith.constant 0 : index
        %get3A_1030 = tpu.vector_load %arg11[%get3A_1028, %get3A_1029] {strides = array<i32>} : memref<256x64xf32, #tpu.memory_space<vmem>>, vector<1x16xf32>,
        %get3A_1031 = vector.shape_cast %get3A_1030 : vector<1x16xf32> to vector<16xf32>
        %mul3A_1032 = arith.mulf %get3A_1031, %gather3A_1025 : vector<16xf32>
        %add3A_1033 = arith.constant 15 : i32
        %add3A_1034 = arith.addi %mul3A_117, %add3A_1033 : i32
        %swap3A_1035 = arith.index_cast %add3A_1034 : i32 to index
        %swap3A_1036 = arith.constant 0 : index
        %swap3A_1037 = tpu.vector_load %arg11[%swap3A_1035, %swap3A_1036] {strides = array<i32>} : memref<256x64xf32, #tpu.memory_space<vmem>>, vector<1x16xf32>,
        %swap3A_1038 = vector.shape_cast %swap3A_1037 : vector<1x16xf32> to vector<16xf32>
        %swap3A_1039 = vector.shape_cast %mul3A_1032 : vector<16xf32> to vector<1x16xf32>
        tpu.vector_store %arg11[%swap3A_1035, %swap3A_1036], %swap3A_1039 {strides = array<i32>} : memref<256x64xf32, #tpu.memory_space<vmem>>, vector<1x16xf32>,
        %add3A_1040 = arith.constant 15 : i32
        %add3A_1041 = arith.addi %mul3A_117, %add3A_1040 : i32
        %get3A_1042 = arith.index_cast %add3A_1041 : i32 to index
        %get3A_1043 = arith.constant 16 : index
        %get3A_1044 = tpu.vector_load %arg11[%get3A_1042, %get3A_1043] {strides = array<i32>} : memref<256x64xf32, #tpu.memory_space<vmem>>, vector<1x16xf32>,
        %get3A_1045 = vector.shape_cast %get3A_1044 : vector<1x16xf32> to vector<16xf32>
        %mul3A_1046 = arith.mulf %get3A_1045, %gather3A_1025 : vector<16xf32>
        %add3A_1047 = arith.constant 15 : i32
        %add3A_1048 = arith.addi %mul3A_117, %add3A_1047 : i32
        %swap3A_1049 = arith.index_cast %add3A_1048 : i32 to index
        %swap3A_1050 = arith.constant 16 : index
        %swap3A_1051 = tpu.vector_load %arg11[%swap3A_1049, %swap3A_1050] {strides = array<i32>} : memref<256x64xf32, #tpu.memory_space<vmem>>, vector<1x16xf32>,
        %swap3A_1052 = vector.shape_cast %swap3A_1051 : vector<1x16xf32> to vector<16xf32>
        %swap3A_1053 = vector.shape_cast %mul3A_1046 : vector<16xf32> to vector<1x16xf32>
        tpu.vector_store %arg11[%swap3A_1049, %swap3A_1050], %swap3A_1053 {strides = array<i32>} : memref<256x64xf32, #tpu.memory_space<vmem>>, vector<1x16xf32>,
        %add3A_1054 = arith.constant 15 : i32
        %add3A_1055 = arith.addi %mul3A_117, %add3A_1054 : i32
        %get3A_1056 = arith.index_cast %add3A_1055 : i32 to index
        %get3A_1057 = arith.constant 32 : index
        %get3A_1058 = tpu.vector_load %arg11[%get3A_1056, %get3A_1057] {strides = array<i32>} : memref<256x64xf32, #tpu.memory_space<vmem>>, vector<1x16xf32>,
        %get3A_1059 = vector.shape_cast %get3A_1058 : vector<1x16xf32> to vector<16xf32>
        %mul3A_1060 = arith.mulf %get3A_1059, %gather3A_1025 : vector<16xf32>
        %add3A_1061 = arith.constant 15 : i32
        %add3A_1062 = arith.addi %mul3A_117, %add3A_1061 : i32
        %swap3A_1063 = arith.index_cast %add3A_1062 : i32 to index
        %swap3A_1064 = arith.constant 32 : index
        %swap3A_1065 = tpu.vector_load %arg11[%swap3A_1063, %swap3A_1064] {strides = array<i32>} : memref<256x64xf32, #tpu.memory_space<vmem>>, vector<1x16xf32>,
        %swap3A_1066 = vector.shape_cast %swap3A_1065 : vector<1x16xf32> to vector<16xf32>
        %swap3A_1067 = vector.shape_cast %mul3A_1060 : vector<16xf32> to vector<1x16xf32>
        tpu.vector_store %arg11[%swap3A_1063, %swap3A_1064], %swap3A_1067 {strides = array<i32>} : memref<256x64xf32, #tpu.memory_space<vmem>>, vector<1x16xf32>,
        %add3A_1068 = arith.constant 15 : i32
        %add3A_1069 = arith.addi %mul3A_117, %add3A_1068 : i32
        %get3A_1070 = arith.index_cast %add3A_1069 : i32 to index
        %get3A_1071 = arith.constant 48 : index
        %get3A_1072 = tpu.vector_load %arg11[%get3A_1070, %get3A_1071] {strides = array<i32>} : memref<256x64xf32, #tpu.memory_space<vmem>>, vector<1x16xf32>,
        %get3A_1073 = vector.shape_cast %get3A_1072 : vector<1x16xf32> to vector<16xf32>
        %mul3A_1074 = arith.mulf %get3A_1073, %gather3A_1025 : vector<16xf32>
        %add3A_1075 = arith.constant 15 : i32
        %add3A_1076 = arith.addi %mul3A_117, %add3A_1075 : i32
        %swap3A_1077 = arith.index_cast %add3A_1076 : i32 to index
        %swap3A_1078 = arith.constant 48 : index
        %swap3A_1079 = tpu.vector_load %arg11[%swap3A_1077, %swap3A_1078] {strides = array<i32>} : memref<256x64xf32, #tpu.memory_space<vmem>>, vector<1x16xf32>,
        %swap3A_1080 = vector.shape_cast %swap3A_1079 : vector<1x16xf32> to vector<16xf32>
        %swap3A_1081 = vector.shape_cast %mul3A_1074 : vector<16xf32> to vector<1x16xf32>
        tpu.vector_store %arg11[%swap3A_1077, %swap3A_1078], %swap3A_1081 {strides = array<i32>} : memref<256x64xf32, #tpu.memory_space<vmem>>, vector<1x16xf32>,
        %scan3A_1082 = arith.constant 0 : i32
        scf.yield %scan3A_1082 : i32
      }
      %scan3A_104 = arith.constant 16 : i32
      %add3A_105 = arith.constant 1 : i32
      %add3A_106 = arith.addi %mul3A_53, %add3A_105 : i32
      %mul3A_107 = arith.constant 256 : i32
      %mul3A_108 = arith.muli %mul3A_107, %add3A_106 : i32
      %dma_start3A_109 = tpu.memref_slice %arg8[%mul3A_108] : memref<9216xi32, #tpu.memory_space<vmem>> -> memref<256xi32, #tpu.memory_space<vmem>>
      %dma_start3A_110 = arith.constant 0 : i32
      %dma_start3A_111 = arith.constant 0 : i32
      %dma_start3A_112 = tpu.memref_slice %arg12[%dma_start3A_110, %dma_start3A_111] : memref<16384x64xf32, #tpu.memory_space<vmem_shared>> -> memref<16384x64xf32, #tpu.memory_space<vmem_shared>>
      tpu.enqueue_indirect_dma source(%arg11 : memref<256x64xf32, #tpu.memory_space<vmem>>) target(%dma_start3A_112 : memref<16384x64xf32, #tpu.memory_space<vmem_shared>>) offsets(%dma_start3A_109 : memref<256xi32, #tpu.memory_space<vmem>>) semaphore(%arg16 : memref<!tpu.dma_semaphore, #tpu.memory_space<semaphore_mem>>) {add = true}
      %scan3A_113 = arith.constant 0 : i32
      scf.yield %scan3A_113 : i32
    }
    %scan3A_39 = arith.constant 18 : i32
    %dma_wait3A = arith.constant 0 : i32
    %dma_wait3A_40 = tpu.memref_slice %arg8[%dma_wait3A] : memref<9216xi32, #tpu.memory_space<vmem>> -> memref<256xi32, #tpu.memory_space<vmem>>
    %dma_wait3A_41 = arith.constant 0 : i32
    %dma_wait3A_42 = arith.constant 0 : i32
    %dma_wait3A_43 = tpu.memref_slice %arg12[%dma_wait3A_41, %dma_wait3A_42] : memref<16384x64xf32, #tpu.memory_space<vmem_shared>> -> memref<16384x64xf32, #tpu.memory_space<vmem_shared>>
    tpu.wait_indirect_dma semaphore(%arg16 : memref<!tpu.dma_semaphore, #tpu.memory_space<semaphore_mem>>) src(%arg11 : memref<256x64xf32, #tpu.memory_space<vmem>>) dst(%dma_wait3A_43 : memref<16384x64xf32, #tpu.memory_space<vmem_shared>>)
    %barrier3A_44 = arith.constant 0 : index
    tpu.barrier barrier_id(%barrier3A_44)
    %mul3A_45 = arith.constant 1024 : i32
    %mul3A_46 = arith.muli %arg1, %mul3A_45 : i32
    %mul3A_47 = arith.constant 16384 : i32
    %mul3A_48 = arith.muli %arg0, %mul3A_47 : i32
    %add3A_49 = arith.addi %mul3A_48, %mul3A_46 : i32
    "tpu.region"() ({
      %run_scoped3A = tpu.sem_alloc : memref<!tpu.dma_semaphore, #tpu.memory_space<semaphore_mem>>
      %dma_start3A_50 = arith.constant 0 : i32
      %dma_start3A_51 = tpu.memref_slice %arg6[%add3A_49, %dma_start3A_50] : memref<32768x64xf32, #tpu.memory_space<hbm>> -> memref<1024x64xf32, #tpu.memory_space<hbm>>
      %dma_start3A_52 = arith.constant 0 : i32
      %dma_start3A_53 = tpu.memref_slice %arg12[%mul3A_46, %dma_start3A_52] : memref<16384x64xf32, #tpu.memory_space<vmem_shared>> -> memref<1024x64xf32, #tpu.memory_space<vmem_shared>>
      tpu.enqueue_dma source(%dma_start3A_53 : memref<1024x64xf32, #tpu.memory_space<vmem_shared>>) target(%dma_start3A_51 : memref<1024x64xf32, #tpu.memory_space<hbm>>) target_semaphore(%run_scoped3A : memref<!tpu.dma_semaphore, #tpu.memory_space<semaphore_mem>>)
      %dma_wait3A_54 = arith.constant 0 : i32
      %dma_wait3A_55 = tpu.memref_slice %arg6[%add3A_49, %dma_wait3A_54] : memref<32768x64xf32, #tpu.memory_space<hbm>> -> memref<1024x64xf32, #tpu.memory_space<hbm>>
      %dma_wait3A_56 = arith.constant 0 : i32
      %dma_wait3A_57 = tpu.memref_slice %arg12[%mul3A_46, %dma_wait3A_56] : memref<16384x64xf32, #tpu.memory_space<vmem_shared>> -> memref<1024x64xf32, #tpu.memory_space<vmem_shared>>
      tpu.wait_dma2 semaphore(%run_scoped3A : memref<!tpu.dma_semaphore, #tpu.memory_space<semaphore_mem>>) src(%dma_wait3A_57 : memref<1024x64xf32, #tpu.memory_space<vmem_shared>>) dst(%dma_wait3A_55 : memref<1024x64xf32, #tpu.memory_space<hbm>>)
      tpu.yield
    }) : () -> ()
    return
  }
}

module attributes {stable_mosaic.version = 14 : i64} {
  func.func @body(%arg0: i32, %arg1: memref<1024x64xf32, #tpu.memory_space<vmem>>, %arg2: memref<1024x64xf32, #tpu.memory_space<vmem>>, %arg3: memref<1024x1xf32, #tpu.memory_space<vmem>>, %arg4: memref<1024x64xf32, #tpu.memory_space<vmem>>) attributes {dimension_semantics = [#tpu.dimension_semantics<arbitrary>], iteration_bounds = array<i64: 16>, scalar_prefetch = 0 : i64, scratch_operands = 0 : i64, tpu.core_type = #tpu.core_type<tc>, window_params = [{transform_indices = @transform_0, window_bounds = array<i64: 1024, 64>}, {transform_indices = @transform_1, window_bounds = array<i64: 1024, 64>}, {transform_indices = @transform_2, window_bounds = array<i64: 1024, 1>}, {transform_indices = @transform_3, window_bounds = array<i64: 1024, 64>}]} {
    %get3A = arith.constant 0 : index
    %get3A_0 = arith.constant 0 : index
    %get3A_1 = vector.load %arg1[%get3A, %get3A_0] : memref<1024x64xf32, #tpu.memory_space<vmem>>, vector<1024x64xf32>
    %get3A_2 = arith.constant 0 : index
    %get3A_3 = arith.constant 0 : index
    %get3A_4 = vector.load %arg2[%get3A_2, %get3A_3] : memref<1024x64xf32, #tpu.memory_space<vmem>>, vector<1024x64xf32>
    %add3A = arith.addf %get3A_1, %get3A_4 : vector<1024x64xf32>
    %get3A_5 = arith.constant 0 : index
    %get3A_6 = arith.constant 0 : index
    %get3A_7 = vector.load %arg3[%get3A_5, %get3A_6] : memref<1024x1xf32, #tpu.memory_space<vmem>>, vector<1024x1xf32>
    %add3A_8 = vector.broadcast %get3A_7 : vector<1024x1xf32> to vector<1024x64xf32>
    %add3A_9 = arith.addf %add3A, %add3A_8 : vector<1024x64xf32>
    %swap3A = arith.constant 0 : index
    %swap3A_10 = arith.constant 0 : index
    %swap3A_11 = vector.load %arg4[%swap3A, %swap3A_10] : memref<1024x64xf32, #tpu.memory_space<vmem>>, vector<1024x64xf32>
    tpu.vector_store %arg4[%swap3A, %swap3A_10], %add3A_9 {strides = array<i32>} : memref<1024x64xf32, #tpu.memory_space<vmem>>, vector<1024x64xf32>,
    return
  }
  func.func @transform_0(%arg0: i32) -> (i32, i32) {
    %c0_i32 = arith.constant 0 : i32
    %c0_i32_0 = arith.constant 0 : i32
    return %arg0, %c0_i32 : i32, i32
  }
  func.func @transform_1(%arg0: i32) -> (i32, i32) {
    %add3A = arith.constant 16 : i32
    %add3A_0 = arith.addi %arg0, %add3A : i32
    %c0_i32 = arith.constant 0 : i32
    %c0_i32_1 = arith.constant 0 : i32
    return %add3A_0, %c0_i32 : i32, i32
  }
  func.func @transform_2(%arg0: i32) -> (i32, i32) {
    %c0_i32 = arith.constant 0 : i32
    %c0_i32_0 = arith.constant 0 : i32
    return %arg0, %c0_i32 : i32, i32
  }
  func.func @transform_3(%arg0: i32) -> (i32, i32) {
    %c0_i32 = arith.constant 0 : i32
    %c0_i32_0 = arith.constant 0 : i32
    return %arg0, %c0_i32 : i32, i32
  }
}

</mosaic_0001>

<sc_bundles>
// kernel: kernel.4.cloned.1.call-start
scs
__scs_entry_jumppad:
0x0: {  	(pc) =	sbr.rel $0x88, $3  }
0x1: {  	(tag) =	ssettag $0x0;
	lr =	simm.s32 $0x1  }
0x2: {  	[smem:$0x3F9C] =	sst lr;
	_ =	strace $0xD0000000  }
0x3: {  	_ = 	snop  }
0x4: {  	_ = 	snop  }
0x5: {  	_ = 	snop  }
0x6: {  	_ = 	snop  }
0x7: {  	_ = 	snop  }
__scs_overlays_trampoline_lowered:
0x8: {  	[smem:$0x3FAB] =	sst s0  }
0x9: {  	[smem:$0x3FAC] =	sst s1  }
0xa: {  	[smem:$0x3FAD] =	sst s2  }
0xb: {  	[smem:$0x3FAE] =	sst s3  }
0xc: {  	[smem:$0x3FAF] =	sst s4  }
0xd: {  	[smem:$0x3FB0] =	sst s5  }
0xe: {  	[smem:$0x3FB1] =	sst s6  }
0xf: {  	[smem:$0x3FB2] =	sst s7  }
0x10: {  	[smem:$0x3FB3] =	sst s8  }
0x11: {  	[smem:$0x3FB4] =	sst s9;
	s0 =	simm.s32 @!p0 $0x0  }
0x12: {  	s1 =	sld [smem:$0x3F9A];
	s0 =	simm.s32 @p0 $0x1  }
0x13: {  	[smem:$0x3FB5] =	sst s0;
	s0 =	simm.s32 @!p1 $0x0  }
0x14: {  	s2 =	sld [smem:$0x3F99];
	s0 =	simm.s32 @p1 $0x1  }
0x15: {  	[smem:$0x3FB6] =	sst s0;
	s0 =	simm.s32 @!p2 $0x0  }
0x16: {  	s3 =	sld [smem:$0x3FDB];
	s0 =	simm.s32 @p2 $0x1  }
0x17: {  	s4 =	simm.s32 $0x1BF5;
	[smem:$0x3FB8] =	sst s0  }
0x18: {  	s0 =	sld [smem:$0x3F9B];
	_ =	swait.ge [sflag:s4], $0x0  }
0x19: {  	s7 =	sld [smem:$0x3F9C]  }
0x1a: {  	s8 =	sadd.s32 $0xFFFFE003, lr  }
0x1b: {  	s9 =	sadd.s32 $0xFFFFFEF7, lr;
	s5 =	simm.s32 $0xFFFFFFFF;
	p2 =	slt.u32 s8, $0xFFFFF086  }
0x1c: {  	p1 =	slt.u32 s9, $0xF7A;
	s5 =	simm.s32 @!p2 $0x0  }
0x1d: {  	s5 =	simm.s32 @p1 $0x1;
	p0 =	seq.s32 s7, s2  }
0x1e: {  	s7 =	smul.u32 @!p0 $0xF7A, s2;
	p2 =	seq.s32 @!p0 s5, $0x0  }
0x1f: {  	s9 =	smul.u32 $0xF7A, s1;
	s8 =	simm.s32 @!p0 $0x1BF5;
	p2 =	por !p2, p0  }
0x20: {  	[sflag:s8] =	ssyncset.s32 @!p0 $0xFFFFF086;
	s6 =	sadd.s32 @!p0 s3, s7;
	s7 =	simm.s32 @!p0 $0x108  }
0x21: {  	s3 =	sadd.s32 s3, s9;
	s6 =	sadd.s32 @!p0 $0x88, s6;
	s7 =	simm.s32 @p2 $0x1082  }
0x22: {  	[simem:s7], [sflag:s8] =	dma.local @!p0 [hbm:s6], $0xF7A  }
0x23: {  	s9 =	sor.u32 $0xD0000000, s2;
	s6 =	simm.s32 $0x108;
	_ =	swait.ge @!p0 [sflag:s8], $0x0  }
0x24: {  	s3 =	sadd.s32 $0x88, s3;
	s6 =	simm.s32 @!p1 $0x1082;
	[sflag:s4] =	ssyncset.s32 $0xFFFFF086  }
0x25: {  	[simem:s6], [sflag:s4] =	dma.local [hbm:s3], $0xF7A  }
0x26: {  	[smem:$0x3F9C] =	sst s1;
	(tag) =	ssettag s2;
	_ =	strace s9  }
0x27: {  	s1 =	sld [smem:$0x3FAC]  }
0x28: {  	s2 =	sld [smem:$0x3FAD]  }
0x29: {  	s4 =	sld [smem:$0x3FAF]  }
0x2a: {  	p0 =	seq.s32 s5, $0x0;
	s5 =	sld [smem:$0x3FB0]  }
0x2b: {  	s6 =	sld [smem:$0x3FB1]  }
0x2c: {  	s7 =	sld [smem:$0x3FB2]  }
0x2d: {  	s3 =	simm.s32 $0x108;
	s8 =	sld [smem:$0x3FB3]  }
0x2e: {  	s3 =	simm.s32 @!p0 $0x1082;
	s9 =	sld [smem:$0x3FB4]  }
0x2f: {  	lr =	sadd.s32 s0, s3;
	s0 =	sld [smem:$0x3FAB]  }
0x30: {  	s3 =	sld [smem:$0x3FAE]  }
0x31: {  	[smem:$0x3FB7] =	sst s10  }
0x32: {  	s10 =	sld [smem:$0x3FB5];
	_ =	sdelay $0x3  }
0x33: {  	p0 =	seq.s32 s10, $0x1;
	s10 =	sld [smem:$0x3FB7];
	_ =	sdelay $0x3  }
0x34: {  	[smem:$0x3FB7] =	sst s10  }
0x35: {  	s10 =	sld [smem:$0x3FB6];
	_ =	sdelay $0x3  }
0x36: {  	p1 =	seq.s32 s10, $0x1;
	s10 =	sld [smem:$0x3FB7];
	_ =	sdelay $0x3  }
0x37: {  	[smem:$0x3FB7] =	sst s10  }
0x38: {  	s10 =	sld [smem:$0x3FB8]  }
0x39: {  	_ = 	snop;
	(pc) =	sbr.ind lr, $3  }
0x3a: {  	_ = 	snop  }
0x3b: {  	_ = 	snop  }
0x3c: {  	p2 =	seq.s32 s10, $0x1;
	s10 =	sld [smem:$0x3FB7]  }
0x3d: {  	_ =	shalt  }
0x3e: {  	_ =	shalt  }
0x3f: {  	_ =	shalt  }
0x40: {  	_ =	shalt  }
0x41: {  	_ =	shalt  }
0x42: {  	_ =	shalt  }
0x43: {  	_ =	shalt  }
0x44: {  	_ =	shalt  }
0x45: {  	_ =	shalt  }
0x46: {  	_ =	shalt  }
0x47: {  	_ =	shalt  }
0x48: {  	_ =	shalt  }
0x49: {  	_ =	shalt  }
0x4a: {  	_ =	shalt  }
0x4b: {  	_ =	shalt  }
0x4c: {  	_ =	shalt  }
0x4d: {  	_ =	shalt  }
0x4e: {  	_ =	shalt  }
0x4f: {  	_ =	shalt  }
0x50: {  	_ =	shalt  }
0x51: {  	_ =	shalt  }
0x52: {  	_ =	shalt  }
0x53: {  	_ =	shalt  }
0x54: {  	_ =	shalt  }
0x55: {  	_ =	shalt  }
0x56: {  	_ =	shalt  }
0x57: {  	_ =	shalt  }
0x58: {  	_ =	shalt  }
0x59: {  	_ =	shalt  }
0x5a: {  	_ =	shalt  }
0x5b: {  	_ =	shalt  }
0x5c: {  	_ =	shalt  }
0x5d: {  	_ =	shalt  }
0x5e: {  	_ =	shalt  }
0x5f: {  	_ =	shalt  }
0x60: {  	_ =	shalt  }
0x61: {  	_ =	shalt  }
0x62: {  	_ =	shalt  }
0x63: {  	_ =	shalt  }
0x64: {  	_ =	shalt  }
0x65: {  	_ =	shalt  }
0x66: {  	_ =	shalt  }
0x67: {  	_ =	shalt  }
0x68: {  	_ =	shalt  }
0x69: {  	_ =	shalt  }
0x6a: {  	_ =	shalt  }
0x6b: {  	_ =	shalt  }
0x6c: {  	_ =	shalt  }
0x6d: {  	_ =	shalt  }
0x6e: {  	_ =	shalt  }
0x6f: {  	_ =	shalt  }
0x70: {  	_ =	shalt  }
0x71: {  	_ =	shalt  }
0x72: {  	_ =	shalt  }
0x73: {  	_ =	shalt  }
0x74: {  	_ =	shalt  }
0x75: {  	_ =	shalt  }
0x76: {  	_ =	shalt  }
0x77: {  	_ =	shalt  }
0x78: {  	_ =	shalt  }
0x79: {  	_ =	shalt  }
0x7a: {  	_ =	shalt  }
0x7b: {  	_ =	shalt  }
0x7c: {  	_ =	shalt  }
0x7d: {  	_ =	shalt  }
0x7e: {  	_ =	shalt  }
0x7f: {  	_ =	shalt  }
0x80: {  	_ =	shalt  }
0x81: {  	_ =	shalt  }
0x82: {  	_ =	shalt  }
0x83: {  	_ =	shalt  }
0x84: {  	_ =	shalt  }
0x85: {  	_ =	shalt  }
0x86: {  	_ =	shalt  }
0x87: {  	_ =	shalt  }
.Lfunc_end0:
.L_simem_size_0:
called_computation_lowered:
.L_overlay_start_0:
0x88: {  	s2 =	sld [smem:$0x3FD9]  }
0x89: {  	s3 =	sld [smem:$0x3FFE];
	_ =	sdelay $0x1  }
0x8a: {  	s1 =	srdreg.scid  }
0x8b: {  	s0 =	sand.u32 $0x1, s1  }
0x8c: {  	s17 =	sshll.u32 s0, $0xA;
	s2 =	sadd.s32 s3, s2  }
0x8d: {  	s2 =	sadd.s32 s2, s17  }
0x8e: {  	[smem:$0x3FC3] =	sst s2  }
0x8f: {  	_ = 	snop  }
0x90: {  	s2 =	sld [smem:$0x3FD0];
	(tm) =	ssettm $0x1  }
0x91: {  	s18 =	sld [smem:$0x3FFB];
	_ =	sdelay $0x3  }
0x92: {  	_ =	strace s18  }
0x93: {  	s3 =	sld [smem:$0x3FFC];
	_ =	sdelay $0x3  }
0x94: {  	_ =	strace s3  }
0x95: {  	s3 =	sld [smem:$0x3FFD];
	_ =	sdelay $0x3  }
0x96: {  	_ =	strace s3  }
0x97: {  	_ =	strace $0x8FFFFFFF  }
0x98: {  	s19 =	sld [smem:$0x3FDB];
	_ =	sdelay $0x1  }
0x99: {  	s4 =	simm.s32 $_scs_section_size  }
0x9a: {  	s5 =	simm.s32 $_size__tile_overlayer_lowered;
	s6 =	simm.s32 $_tile_overlayer_lowered  }
0x9b: {  	s22 =	simm.s32 $0x1BFF;
	s21 =	sshll.u32 s6, $0x1;
	s3 =	sadd.s32 s4, s19  }
0x9c: {  	s7 =	simm.s32 $0x0;
	s20 =	sshll.u32 s5, $0x1;
	s5 =	sadd.s32 s21, s3  }
0x9d: {  	[timem:s7], [sflag:s22] =	dma.local [hbm:s5], s20  }
0x9e: {  	_ =	swait.ge [sflag:s22], s20  }
0x9f: {  	s4 =	ssub.s32 $0x0, s20;
	[sflag:s22] =	ssyncset.done $0x0  }
0xa0: {  	[sflag:s22] =	ssyncadd.s32 s4;
	_ =	sdelay $0x1  }
0xa1: {  	s23 =	simm.s32 $0x1B8B  }
0xa2: {  	_ =	swait.ge [sflag:s23], $0x1  }
0xa3: {  	[sflag:s23] =	ssyncset.done $0x0  }
0xa4: {  	s25 =	simm.s32 $0x1B8E;
	s24 =	sld [smem:$0x3FFE];
	[sflag:s23] =	ssyncadd.s32 $0xFFFFFFFF  }
0xa5: {  	s26 =	simm.s32 $execute0_lowered;
	[smem:$0x3FD2] =	sst s25  }
0xa6: {  	s5 =	sshll.u32 s26, $0x1;
	_ =	strace $0x80000046;
	[dreg:$0x1] =	wrdreg $0xFFFFFFFF  }
0xa7: {  	s28 =	simm.s32 $_size_execute0_lowered;
	s3 =	sadd.s32 s3, s5;
	[dreg:$0x0] =	wrdreg $0x0  }
0xa8: {  	s5 =	sshll.u32 s28, $0x1;
	[dreg:$0x2] =	wrdreg s3  }
0xa9: {  	[dreg:$0x3] =	wrdreg s5  }
0xaa: {  	[dreg:$0x4] =	wrdreg $0xC0  }
0xab: {  	_ =	task [dreg:s7], $0x5FFFF  }
0xac: {  	[dreg:$0x1] =	wrdreg $0xFFFFFFFF  }
0xad: {  	[dreg:$0x0] =	wrdreg $0x60  }
0xae: {  	[dreg:$0x2] =	wrdreg s2  }
0xaf: {  	[dreg:$0x3] =	wrdreg s24  }
0xb0: {  	[dreg:$0x4] =	wrdreg $0xEC000  }
0xb1: {  	[dreg:$0x5] =	wrdreg $0x9  }
0xb2: {  	_ =	task.clear_ibuf [dreg:s7], $0x6FFFF;
	_ =	strace $0x90000046  }
0xb3: {  	s29 =	simm.s32 $0x9;
	_ =	strace $0x80000048  }
0xb4: {  	_ =	swait.ge [sflag:s29], $0x1  }
0xb5: {  	[sflag:s29] =	ssyncadd.s32 $0xFFFFFFFF  }
0xb6: {  	_ =	strace $0x90000048  }
0xb7: {  	_ =	sfence  }
0xb8: {  	s30 =	sld [smem:$0x0];
	_ =	sdelay $0x2  }
0xb9: {  	s31 =	sshll.u32 s1, $0xD;
	s1 =	sshrl.u32 s1, $0x2  }
0xba: {  	s3 =	sand.u32 $0x4000, s31;
	s1 =	sadd.s32 s1, s30  }
0xbb: {  	s0 =	sor.u32 s3, s0;
	s1 =	sshll.u32 s1, $0x11  }
0xbc: {  	s0 =	sor.u32 s1, s0  }
0xbd: {  	s0 =	sadd.s32 $0x8F2B, s0  }
0xbe: {  	[sflag:s0] =	ssyncadd.remote.s32 $0x1  }
0xbf: {  	_ =	sfence.sel $0xFFFF  }
0xc0: {  	[dreg:$0x0] =	wrdreg $0xFFFFFFFF;
	(pc) =	sbr.abs _section_cstart, $3  }
0xc1: {  	[dreg:$0x1] =	wrdreg $0xFFFFFFFF  }
0xc2: {  	_ =	task.clear_ibuf [dreg:s7], $0x2FFFF;
	_ =	strace $0x9FFFFFFF  }
0xc3: {  	(tm) =	ssettm $0x7FFFFFFF  }
tec
execute0_lowered:
.L_overlay_start_1:
0x0: {  	(tag) =	ssettag $0x1  }
0x1: {  	s0 =	srdreg.scid;
	s1 =	rddreg [dreg:$0x0]  }
0x2: {  	s2 =	rddreg [dreg:$0x1];
	s7 =	stileid.u32  }
0x3: {  	s3 =	rddreg [dreg:$0x2];
	s18 =	simm.s32 $0x6C00;
	s19 =	simm.s32 $0x5  }
0x4: {  	s21 =	simm.s32 $0x100;
	s22 =	simm.s32 $0x1;
	s23 =	simm.s32 $0xAC00  }
0x5: {  	s24 =	simm.s32 $0x2;
	s25 =	simm.s32 $0x3;
	s0 =	sand.u32 $0x1, s0  }
0x6: {  	s26 =	simm.s32 $0x4;
	s30 =	sshll.u32 s7, $0xD;
	s4 =	sshll.u32 s0, $0x4  }
0x7: {  	s6 =	ssub.s32 $0x2, s0;
	s0 =	sshll.u32 s0, $0x11;
	s5 =	sor.u32 s7, s4  }
0x8: {  	s4 =	simm.s32 $0x0;
	s8 =	sshrl.u32 s6, $0x1;
	s5 =	smul.u32 $0x480, s5  }
0x9: {  	s7 =	sshll.u32 s7, $0x10;
	[smem:$0x7FF] =	sst s4;
	s17 =	ssub.s32 s6, s8  }
0xa: {  	v0 =	vimm.f32 $0.0e+00;
	v1 =	vimm.s32 $0x0;
	_ =	strace $0x80000047;
	s15 =	sadd.s32 s5, s2;
	s5 =	sadd.s32 s7, s3  }
0xb: {  	v2 =	vimm.s32 $0x1;
	v3 =	vimm.s32 $0x2;
	v4 =	vimm.s32 $0x3;
	s17 =	smax.u32 s17, $0x1;
	s2 =	sadd.s32 s30, s2;
	s31 =	sadd.s32 $0x2000, s5  }
0xc: {  	v5 =	vimm.s32 $0x4;
	v6 =	vimm.s32 $0x5;
	v7 =	vimm.s32 $0x6;
	s7 =	sadd.s32 $0x4000, s5;
	s8 =	sadd.s32 $0x6000, s5;
	s9 =	sadd.s32 $0x8000, s5  }
0xd: {  	v8 =	vimm.s32 $0x7;
	v9 =	vimm.s32 $0x8;
	v10 =	vimm.s32 $0x9;
	s10 =	sadd.s32 $0xA000, s5;
	s11 =	sadd.s32 $0xC000, s5;
	s12 =	sadd.s32 $0xE000, s5  }
0xe: {  	v11 =	vimm.s32 $0xA;
	v12 =	vimm.s32 $0xB;
	v13 =	vimm.s32 $0xC;
	s13 =	sadd.s32 $0x9A00, s15;
	s14 =	sadd.s32 $0xA00, s15;
	s0 =	sadd.s32 s0, s2  }
0xf: {  	v14 =	vimm.s32 $0xD;
	v15 =	vimm.s32 $0xE;
	v16 =	vimm.s32 $0xF;
	s15 =	sadd.s32 $0x12A00, s15;
	[dreg:$0x4] =	wrdreg s31;
	s16 =	sadd.s32 $0x1BA00, s0  }
.LBB2_1:
0x10: {  	s2 =	simm.s32 $0x100;
	s0 =	simm.s32 $0x0  }
.LBB2_2:
0x11: {  	p0 =	sne.s32 s2, $0x7F00;
	[tilespmem:s0+$0x6C30] =	vst v0;
	s20 =	smov.u32 s2;
	s2 =	sadd.s32 $0x100, s2  }
.Ltmp0:
0x12: {  	[tilespmem:s0+$0x6C20] =	vst v0;
	(pc) =	sbr.rel @p0 .LBB2_2-.Ltmp0, $3  }
0x13: {  	[tilespmem:s0+$0x6C00] =	vst v0  }
0x14: {  	[tilespmem:s0+$0x6C10] =	vst v0;
	_ =	sdelay $0x1  }
0x15: {  	s0 =	sshra.s32 s20, $0x2  }
0x16: {  	[tilespmem:s0+$0x6C30] =	vst v0  }
0x17: {  	[tilespmem:s0+$0x6C20] =	vst v0  }
0x18: {  	[tilespmem:s0+$0x6C00] =	vst v0  }
0x19: {  	[tilespmem:s0+$0x6C10] =	vst v0  }
0x1a: {  	[spmem:s5] =	stream.linear.scatter [tilespmem:s18], [sflag:$0x5], $0x2000, $0x38;
	[tilespmem:$0x1EC00] =	vst v63  }
0x1b: {  	_ =	swait.ge [sflag:s19], $0x2000  }
0x1c: {  	[sflag:s19] =	ssyncset.done $0x0  }
0x1d: {  	s20 =	rddreg [dreg:$0x4];
	[sflag:s19] =	ssyncadd.s32 $0xFFFFE000  }
0x1e: {  	[spmem:s20] =	stream.linear.scatter [tilespmem:s18], [sflag:$0x5], $0x2000, $0x38;
	[tilespmem:$0x1EC00] =	vst v63  }
0x1f: {  	_ =	swait.ge [sflag:s19], $0x2000  }
0x20: {  	[sflag:s19] =	ssyncset.done $0x0  }
0x21: {  	[sflag:s19] =	ssyncadd.s32 $0xFFFFE000  }
0x22: {  	[spmem:s7] =	stream.linear.scatter [tilespmem:s18], [sflag:$0x5], $0x2000, $0x38;
	[tilespmem:$0x1EC00] =	vst v63  }
0x23: {  	_ =	swait.ge [sflag:s19], $0x2000  }
0x24: {  	[sflag:s19] =	ssyncset.done $0x0  }
0x25: {  	[sflag:s19] =	ssyncadd.s32 $0xFFFFE000  }
0x26: {  	[spmem:s8] =	stream.linear.scatter [tilespmem:s18], [sflag:$0x5], $0x2000, $0x38;
	[tilespmem:$0x1EC00] =	vst v63  }
0x27: {  	_ =	swait.ge [sflag:s19], $0x2000  }
0x28: {  	[sflag:s19] =	ssyncset.done $0x0  }
0x29: {  	[sflag:s19] =	ssyncadd.s32 $0xFFFFE000  }
0x2a: {  	[spmem:s9] =	stream.linear.scatter [tilespmem:s18], [sflag:$0x5], $0x2000, $0x38;
	[tilespmem:$0x1EC00] =	vst v63  }
0x2b: {  	_ =	swait.ge [sflag:s19], $0x2000  }
0x2c: {  	[sflag:s19] =	ssyncset.done $0x0  }
0x2d: {  	[sflag:s19] =	ssyncadd.s32 $0xFFFFE000  }
0x2e: {  	[spmem:s10] =	stream.linear.scatter [tilespmem:s18], [sflag:$0x5], $0x2000, $0x38;
	[tilespmem:$0x1EC00] =	vst v63  }
0x2f: {  	_ =	swait.ge [sflag:s19], $0x2000  }
0x30: {  	[sflag:s19] =	ssyncset.done $0x0  }
0x31: {  	[sflag:s19] =	ssyncadd.s32 $0xFFFFE000  }
0x32: {  	[spmem:s11] =	stream.linear.scatter [tilespmem:s18], [sflag:$0x5], $0x2000, $0x38;
	[tilespmem:$0x1EC00] =	vst v63  }
0x33: {  	_ =	swait.ge [sflag:s19], $0x2000  }
0x34: {  	[sflag:s19] =	ssyncset.done $0x0  }
0x35: {  	[sflag:s19] =	ssyncadd.s32 $0xFFFFE000  }
0x36: {  	[spmem:s12] =	stream.linear.scatter [tilespmem:s18], [sflag:$0x5], $0x2000, $0x38;
	[tilespmem:$0x1EC00] =	vst v63  }
0x37: {  	_ =	swait.ge [sflag:s19], $0x2000  }
0x38: {  	[sflag:s19] =	ssyncset.done $0x0  }
0x39: {  	s28 =	simm.s32 $0x0;
	[sflag:s19] =	ssyncadd.s32 $0xFFFFE000  }
0x3a: {  	[tilespmem:s28], [sflag:$0x5] =	stream.linear.gather [hbm4b:s13+s28], $0x2400, $0x38;
	[tilespmem:$0x1EC00] =	vst v63  }
0x3b: {  	_ =	swait.ge [sflag:s19], $0x2400  }
0x3c: {  	[sflag:s19] =	ssyncset.done $0x0  }
0x3d: {  	s31 =	simm.s32 $0x2400;
	[sflag:s19] =	ssyncadd.s32 $0xFFFFDC00  }
0x3e: {  	[tilespmem:s31], [sflag:$0x5] =	stream.linear.gather [hbm4b:s14+s28], $0x2400, $0x38;
	[tilespmem:$0x1EC00] =	vst v63  }
0x3f: {  	_ =	swait.ge [sflag:s19], $0x2400  }
0x40: {  	[sflag:s19] =	ssyncset.done $0x0  }
0x41: {  	s29 =	simm.s32 $0x4800;
	[sflag:s19] =	ssyncadd.s32 $0xFFFFDC00  }
0x42: {  	[tilespmem:s29], [sflag:$0x5] =	stream.linear.gather [hbm4b:s15+s28], $0x2400, $0x38;
	[tilespmem:$0x1EC00] =	vst v63  }
0x43: {  	_ =	swait.ge [sflag:s19], $0x2400  }
0x44: {  	[sflag:s19] =	ssyncset.done $0x0  }
0x45: {  	[sflag:s19] =	ssyncadd.s32 $0xFFFFDC00  }
0x46: {  	s30 =	simm.s32 $0x4900;
	[bflag:$0x0] =	sbarrier.arrive $0xFFFF  }
0x47: {  	[tilespmem:s18], [sflag:$0x1] =	stream.indirect.gather [hbm4b:s1+s21], $0x40, s28, s21, $0xb8;
	[tilespmem:$0x1EC00] =	vst v63  }
.LBB2_4:
0x48: {  	_ =	swait.ge [sflag:s22], $0x4000  }
0x49: {  	p0 =	seq.s32 s28, $0x0;
	[sflag:s22] =	ssyncset.done $0x0  }
0x4a: {  	s0 =	simm.s32 @!p0 $0x4;
	[sflag:s22] =	ssyncadd.s32 $0xFFFFC000  }
0x4b: {  	s2 =	sshll.u32 s28, $0x9;
	v17 =	vmov s29;
	_ =	swait.ge @!p0 [sflag:s0], $0x4000  }
0x4c: {  	s20 =	simm.s32 $0x6E00;
	s31 =	sor.u32 $0x100, s2;
	[sflag:s0] =	ssyncset.done @!p0 $0x0  }
0x4d: {  	s2 =	sshll.u32 s28, $0xB;
	[sflag:s0] =	ssyncadd.s32 @!p0 $0xFFFFC000;
	s0 =	simm.s32 $0x0  }
0x4e: {  	[tilespmem:s23], [sflag:$0x2] =	stream.indirect.gather [hbm4b:s1+s21], $0x40, s31, s21, $0xb8;
	[tilespmem:$0x1EC00] =	vst v63  }
.LBB2_5:
0x4f: {  	s6 =	sshra.s32 s0, $0x2  }
0x50: {  	v18 =	vld.idx.msk [tilespmem:v17+s6+$0x0 ss:$0x1], $0xffff;
	_ =	sdelay $0x1  }
0x51: {  	v19 =	vld [tilespmem:s20+$0xFFFFFE00];
	_ =	sdelay $0x2  }
0x52: {  	v20 =	vperm.xlane v18, v1;
	_ =	sdelay $0x1  }
0x53: {  	v19 =	vmul.f32 v19, v20;
	_ =	sdelay $0x1  }
0x54: {  	[tilespmem:s20+$0xFFFFFE00] =	vst v19;
	v19 =	vld [tilespmem:s20+$0xFFFFFE10];
	_ =	sdelay $0x4  }
0x55: {  	v19 =	vmul.f32 v19, v20;
	_ =	sdelay $0x1  }
0x56: {  	[tilespmem:s20+$0xFFFFFE10] =	vst v19;
	v19 =	vld [tilespmem:s20+$0xFFFFFE20];
	_ =	sdelay $0x4  }
0x57: {  	v19 =	vmul.f32 v19, v20;
	_ =	sdelay $0x1  }
0x58: {  	[tilespmem:s20+$0xFFFFFE20] =	vst v19;
	v19 =	vld [tilespmem:s20+$0xFFFFFE30];
	_ =	sdelay $0x4  }
0x59: {  	v19 =	vmul.f32 v19, v20;
	_ =	sdelay $0x1  }
0x5a: {  	[tilespmem:s20+$0xFFFFFE30] =	vst v19;
	v19 =	vld [tilespmem:s20+$0xFFFFFE40];
	_ =	sdelay $0x2  }
0x5b: {  	v50 =	vperm.xlane v18, v2;
	_ =	sdelay $0x1  }
0x5c: {  	v19 =	vmul.f32 v19, v50;
	_ =	sdelay $0x1  }
0x5d: {  	[tilespmem:s20+$0xFFFFFE40] =	vst v19;
	v19 =	vld [tilespmem:s20+$0xFFFFFE50];
	_ =	sdelay $0x4  }
0x5e: {  	v19 =	vmul.f32 v19, v50;
	_ =	sdelay $0x1  }
0x5f: {  	[tilespmem:s20+$0xFFFFFE50] =	vst v19;
	v19 =	vld [tilespmem:s20+$0xFFFFFE60];
	_ =	sdelay $0x4  }
0x60: {  	v19 =	vmul.f32 v19, v50;
	_ =	sdelay $0x1  }
0x61: {  	[tilespmem:s20+$0xFFFFFE60] =	vst v19;
	v19 =	vld [tilespmem:s20+$0xFFFFFE70];
	_ =	sdelay $0x4  }
0x62: {  	v19 =	vmul.f32 v19, v50;
	_ =	sdelay $0x1  }
0x63: {  	[tilespmem:s20+$0xFFFFFE70] =	vst v19;
	v19 =	vld [tilespmem:s20+$0xFFFFFE80];
	_ =	sdelay $0x2  }
0x64: {  	v51 =	vperm.xlane v18, v3;
	_ =	sdelay $0x1  }
0x65: {  	v19 =	vmul.f32 v19, v51;
	_ =	sdelay $0x1  }
0x66: {  	[tilespmem:s20+$0xFFFFFE80] =	vst v19;
	v19 =	vld [tilespmem:s20+$0xFFFFFE90];
	_ =	sdelay $0x4  }
0x67: {  	v19 =	vmul.f32 v19, v51;
	_ =	sdelay $0x1  }
0x68: {  	[tilespmem:s20+$0xFFFFFE90] =	vst v19;
	v19 =	vld [tilespmem:s20+$0xFFFFFEA0];
	_ =	sdelay $0x4  }
0x69: {  	v19 =	vmul.f32 v19, v51;
	_ =	sdelay $0x1  }
0x6a: {  	[tilespmem:s20+$0xFFFFFEA0] =	vst v19;
	v19 =	vld [tilespmem:s20+$0xFFFFFEB0];
	_ =	sdelay $0x4  }
0x6b: {  	v19 =	vmul.f32 v19, v51;
	_ =	sdelay $0x1  }
0x6c: {  	[tilespmem:s20+$0xFFFFFEB0] =	vst v19;
	v19 =	vld [tilespmem:s20+$0xFFFFFEC0];
	_ =	sdelay $0x2  }
0x6d: {  	v52 =	vperm.xlane v18, v4;
	_ =	sdelay $0x1  }
0x6e: {  	v19 =	vmul.f32 v19, v52;
	_ =	sdelay $0x1  }
0x6f: {  	[tilespmem:s20+$0xFFFFFEC0] =	vst v19;
	v19 =	vld [tilespmem:s20+$0xFFFFFED0];
	_ =	sdelay $0x4  }
0x70: {  	v19 =	vmul.f32 v19, v52;
	_ =	sdelay $0x1  }
0x71: {  	[tilespmem:s20+$0xFFFFFED0] =	vst v19;
	v19 =	vld [tilespmem:s20+$0xFFFFFEE0];
	_ =	sdelay $0x4  }
0x72: {  	v19 =	vmul.f32 v19, v52;
	_ =	sdelay $0x1  }
0x73: {  	[tilespmem:s20+$0xFFFFFEE0] =	vst v19;
	v19 =	vld [tilespmem:s20+$0xFFFFFEF0];
	_ =	sdelay $0x4  }
0x74: {  	v19 =	vmul.f32 v19, v52;
	_ =	sdelay $0x1  }
0x75: {  	[tilespmem:s20+$0xFFFFFEF0] =	vst v19;
	v19 =	vld [tilespmem:s20+$0xFFFFFF00];
	_ =	sdelay $0x2  }
0x76: {  	v53 =	vperm.xlane v18, v5;
	_ =	sdelay $0x1  }
0x77: {  	v19 =	vmul.f32 v19, v53;
	_ =	sdelay $0x1  }
0x78: {  	[tilespmem:s20+$0xFFFFFF00] =	vst v19;
	v19 =	vld [tilespmem:s20+$0xFFFFFF10];
	_ =	sdelay $0x4  }
0x79: {  	v19 =	vmul.f32 v19, v53;
	_ =	sdelay $0x1  }
0x7a: {  	[tilespmem:s20+$0xFFFFFF10] =	vst v19;
	v19 =	vld [tilespmem:s20+$0xFFFFFF20];
	_ =	sdelay $0x4  }
0x7b: {  	v19 =	vmul.f32 v19, v53;
	_ =	sdelay $0x1  }
0x7c: {  	[tilespmem:s20+$0xFFFFFF20] =	vst v19;
	v19 =	vld [tilespmem:s20+$0xFFFFFF30];
	_ =	sdelay $0x4  }
0x7d: {  	v19 =	vmul.f32 v19, v53;
	_ =	sdelay $0x1  }
0x7e: {  	[tilespmem:s20+$0xFFFFFF30] =	vst v19;
	v19 =	vld [tilespmem:s20+$0xFFFFFF40];
	_ =	sdelay $0x2  }
0x7f: {  	v54 =	vperm.xlane v18, v6;
	_ =	sdelay $0x1  }
0x80: {  	v19 =	vmul.f32 v19, v54;
	_ =	sdelay $0x1  }
0x81: {  	[tilespmem:s20+$0xFFFFFF40] =	vst v19;
	v19 =	vld [tilespmem:s20+$0xFFFFFF50];
	_ =	sdelay $0x4  }
0x82: {  	v19 =	vmul.f32 v19, v54;
	_ =	sdelay $0x1  }
0x83: {  	[tilespmem:s20+$0xFFFFFF50] =	vst v19;
	v19 =	vld [tilespmem:s20+$0xFFFFFF60];
	_ =	sdelay $0x4  }
0x84: {  	v19 =	vmul.f32 v19, v54;
	_ =	sdelay $0x1  }
0x85: {  	[tilespmem:s20+$0xFFFFFF60] =	vst v19;
	v19 =	vld [tilespmem:s20+$0xFFFFFF70];
	_ =	sdelay $0x4  }
0x86: {  	v19 =	vmul.f32 v19, v54;
	_ =	sdelay $0x1  }
0x87: {  	[tilespmem:s20+$0xFFFFFF70] =	vst v19;
	v19 =	vld [tilespmem:s20+$0xFFFFFF80];
	_ =	sdelay $0x2  }
0x88: {  	v55 =	vperm.xlane v18, v7;
	_ =	sdelay $0x1  }
0x89: {  	v19 =	vmul.f32 v19, v55;
	_ =	sdelay $0x1  }
0x8a: {  	[tilespmem:s20+$0xFFFFFF80] =	vst v19;
	v19 =	vld [tilespmem:s20+$0xFFFFFF90];
	_ =	sdelay $0x4  }
0x8b: {  	v19 =	vmul.f32 v19, v55;
	_ =	sdelay $0x1  }
0x8c: {  	[tilespmem:s20+$0xFFFFFF90] =	vst v19;
	v19 =	vld [tilespmem:s20+$0xFFFFFFA0];
	_ =	sdelay $0x4  }
0x8d: {  	v19 =	vmul.f32 v19, v55;
	_ =	sdelay $0x1  }
0x8e: {  	[tilespmem:s20+$0xFFFFFFA0] =	vst v19;
	v19 =	vld [tilespmem:s20+$0xFFFFFFB0];
	_ =	sdelay $0x4  }
0x8f: {  	v19 =	vmul.f32 v19, v55;
	_ =	sdelay $0x1  }
0x90: {  	[tilespmem:s20+$0xFFFFFFB0] =	vst v19;
	v19 =	vld [tilespmem:s20+$0xFFFFFFC0];
	_ =	sdelay $0x2  }
0x91: {  	v56 =	vperm.xlane v18, v8;
	_ =	sdelay $0x1  }
0x92: {  	v19 =	vmul.f32 v19, v56;
	_ =	sdelay $0x1  }
0x93: {  	[tilespmem:s20+$0xFFFFFFC0] =	vst v19;
	v19 =	vld [tilespmem:s20+$0xFFFFFFD0];
	_ =	sdelay $0x4  }
0x94: {  	v19 =	vmul.f32 v19, v56;
	_ =	sdelay $0x1  }
0x95: {  	[tilespmem:s20+$0xFFFFFFD0] =	vst v19;
	v19 =	vld [tilespmem:s20+$0xFFFFFFE0];
	_ =	sdelay $0x4  }
0x96: {  	v19 =	vmul.f32 v19, v56;
	_ =	sdelay $0x1  }
0x97: {  	[tilespmem:s20+$0xFFFFFFE0] =	vst v19;
	v19 =	vld [tilespmem:s20+$0xFFFFFFF0];
	_ =	sdelay $0x4  }
0x98: {  	v19 =	vmul.f32 v19, v56;
	_ =	sdelay $0x1  }
0x99: {  	[tilespmem:s20+$0xFFFFFFF0] =	vst v19;
	v19 =	vld [tilespmem:s20+$0x0];
	_ =	sdelay $0x2  }
0x9a: {  	v57 =	vperm.xlane v18, v9;
	_ =	sdelay $0x1  }
0x9b: {  	v19 =	vmul.f32 v19, v57;
	_ =	sdelay $0x1  }
0x9c: {  	[tilespmem:s20+$0x0] =	vst v19;
	v19 =	vld [tilespmem:s20+$0x10];
	_ =	sdelay $0x4  }
0x9d: {  	v19 =	vmul.f32 v19, v57;
	_ =	sdelay $0x1  }
0x9e: {  	[tilespmem:s20+$0x10] =	vst v19;
	v19 =	vld [tilespmem:s20+$0x20];
	_ =	sdelay $0x4  }
0x9f: {  	v19 =	vmul.f32 v19, v57;
	_ =	sdelay $0x1  }
0xa0: {  	[tilespmem:s20+$0x20] =	vst v19;
	v19 =	vld [tilespmem:s20+$0x30];
	_ =	sdelay $0x4  }
0xa1: {  	v19 =	vmul.f32 v19, v57;
	_ =	sdelay $0x1  }
0xa2: {  	[tilespmem:s20+$0x30] =	vst v19;
	v19 =	vld [tilespmem:s20+$0x40];
	_ =	sdelay $0x2  }
0xa3: {  	v58 =	vperm.xlane v18, v10;
	_ =	sdelay $0x1  }
0xa4: {  	v19 =	vmul.f32 v19, v58;
	_ =	sdelay $0x1  }
0xa5: {  	[tilespmem:s20+$0x40] =	vst v19;
	v19 =	vld [tilespmem:s20+$0x50];
	_ =	sdelay $0x4  }
0xa6: {  	v19 =	vmul.f32 v19, v58;
	_ =	sdelay $0x1  }
0xa7: {  	[tilespmem:s20+$0x50] =	vst v19;
	v19 =	vld [tilespmem:s20+$0x60];
	_ =	sdelay $0x4  }
0xa8: {  	v19 =	vmul.f32 v19, v58;
	_ =	sdelay $0x1  }
0xa9: {  	[tilespmem:s20+$0x60] =	vst v19;
	v19 =	vld [tilespmem:s20+$0x70];
	_ =	sdelay $0x4  }
0xaa: {  	v19 =	vmul.f32 v19, v58;
	_ =	sdelay $0x1  }
0xab: {  	[tilespmem:s20+$0x70] =	vst v19;
	v19 =	vld [tilespmem:s20+$0x80];
	_ =	sdelay $0x2  }
0xac: {  	v59 =	vperm.xlane v18, v11;
	_ =	sdelay $0x1  }
0xad: {  	v19 =	vmul.f32 v19, v59;
	_ =	sdelay $0x1  }
0xae: {  	[tilespmem:s20+$0x80] =	vst v19;
	v19 =	vld [tilespmem:s20+$0x90];
	_ =	sdelay $0x4  }
0xaf: {  	v19 =	vmul.f32 v19, v59;
	_ =	sdelay $0x1  }
0xb0: {  	[tilespmem:s20+$0x90] =	vst v19;
	v19 =	vld [tilespmem:s20+$0xA0];
	_ =	sdelay $0x4  }
0xb1: {  	v19 =	vmul.f32 v19, v59;
	_ =	sdelay $0x1  }
0xb2: {  	[tilespmem:s20+$0xA0] =	vst v19;
	v19 =	vld [tilespmem:s20+$0xB0];
	_ =	sdelay $0x4  }
0xb3: {  	v19 =	vmul.f32 v19, v59;
	_ =	sdelay $0x1  }
0xb4: {  	[tilespmem:s20+$0xB0] =	vst v19;
	v19 =	vld [tilespmem:s20+$0xC0];
	_ =	sdelay $0x2  }
0xb5: {  	v60 =	vperm.xlane v18, v12;
	_ =	sdelay $0x1  }
0xb6: {  	v19 =	vmul.f32 v19, v60;
	_ =	sdelay $0x1  }
0xb7: {  	[tilespmem:s20+$0xC0] =	vst v19;
	v19 =	vld [tilespmem:s20+$0xD0];
	_ =	sdelay $0x4  }
0xb8: {  	v19 =	vmul.f32 v19, v60;
	_ =	sdelay $0x1  }
0xb9: {  	[tilespmem:s20+$0xD0] =	vst v19;
	v19 =	vld [tilespmem:s20+$0xE0];
	_ =	sdelay $0x4  }
0xba: {  	v19 =	vmul.f32 v19, v60;
	_ =	sdelay $0x1  }
0xbb: {  	[tilespmem:s20+$0xE0] =	vst v19;
	v19 =	vld [tilespmem:s20+$0xF0];
	_ =	sdelay $0x4  }
0xbc: {  	v19 =	vmul.f32 v19, v60;
	_ =	sdelay $0x1  }
0xbd: {  	[tilespmem:s20+$0xF0] =	vst v19;
	v19 =	vld [tilespmem:s20+$0x100];
	_ =	sdelay $0x2  }
0xbe: {  	v61 =	vperm.xlane v18, v13;
	_ =	sdelay $0x1  }
0xbf: {  	v19 =	vmul.f32 v19, v61;
	_ =	sdelay $0x1  }
0xc0: {  	[tilespmem:s20+$0x100] =	vst v19;
	v19 =	vld [tilespmem:s20+$0x110];
	_ =	sdelay $0x4  }
0xc1: {  	v19 =	vmul.f32 v19, v61;
	_ =	sdelay $0x1  }
0xc2: {  	[tilespmem:s20+$0x110] =	vst v19;
	v19 =	vld [tilespmem:s20+$0x120];
	_ =	sdelay $0x4  }
0xc3: {  	v19 =	vmul.f32 v19, v61;
	_ =	sdelay $0x1  }
0xc4: {  	[tilespmem:s20+$0x120] =	vst v19;
	v19 =	vld [tilespmem:s20+$0x130];
	_ =	sdelay $0x4  }
0xc5: {  	v19 =	vmul.f32 v19, v61;
	_ =	sdelay $0x1  }
0xc6: {  	[tilespmem:s20+$0x130] =	vst v19;
	v19 =	vld [tilespmem:s20+$0x140];
	_ =	sdelay $0x2  }
0xc7: {  	v62 =	vperm.xlane v18, v14;
	_ =	sdelay $0x1  }
0xc8: {  	v19 =	vmul.f32 v19, v62;
	_ =	sdelay $0x1  }
0xc9: {  	[tilespmem:s20+$0x140] =	vst v19;
	v19 =	vld [tilespmem:s20+$0x150];
	_ =	sdelay $0x4  }
0xca: {  	v19 =	vmul.f32 v19, v62;
	_ =	sdelay $0x1  }
0xcb: {  	[tilespmem:s20+$0x150] =	vst v19;
	v19 =	vld [tilespmem:s20+$0x160];
	_ =	sdelay $0x4  }
0xcc: {  	v19 =	vmul.f32 v19, v62;
	_ =	sdelay $0x1  }
0xcd: {  	[tilespmem:s20+$0x160] =	vst v19;
	v19 =	vld [tilespmem:s20+$0x170];
	_ =	sdelay $0x4  }
0xce: {  	v19 =	vmul.f32 v19, v62;
	_ =	sdelay $0x1  }
0xcf: {  	[tilespmem:s20+$0x170] =	vst v19;
	v19 =	vld [tilespmem:s20+$0x180];
	_ =	sdelay $0x2  }
0xd0: {  	v63 =	vperm.xlane v18, v15;
	_ =	sdelay $0x1  }
0xd1: {  	v19 =	vmul.f32 v19, v63;
	_ =	sdelay $0x1  }
0xd2: {  	[tilespmem:s20+$0x180] =	vst v19;
	v19 =	vld [tilespmem:s20+$0x190];
	_ =	sdelay $0x4  }
0xd3: {  	v19 =	vmul.f32 v19, v63;
	_ =	sdelay $0x1  }
0xd4: {  	[tilespmem:s20+$0x190] =	vst v19;
	v19 =	vld [tilespmem:s20+$0x1A0];
	_ =	sdelay $0x4  }
0xd5: {  	v19 =	vmul.f32 v19, v63;
	_ =	sdelay $0x1  }
0xd6: {  	[tilespmem:s20+$0x1A0] =	vst v19;
	v19 =	vld [tilespmem:s20+$0x1B0];
	_ =	sdelay $0x4  }
0xd7: {  	v19 =	vmul.f32 v19, v63;
	_ =	sdelay $0x1  }
0xd8: {  	[tilespmem:s20+$0x1B0] =	vst v19;
	v19 =	vld [tilespmem:s20+$0x1C0];
	_ =	sdelay $0x2  }
0xd9: {  	v18 =	vperm.xlane v18, v16;
	_ =	sdelay $0x1  }
0xda: {  	v19 =	vmul.f32 v19, v18;
	_ =	sdelay $0x1  }
0xdb: {  	[tilespmem:s20+$0x1C0] =	vst v19;
	v19 =	vld [tilespmem:s20+$0x1D0];
	_ =	sdelay $0x4  }
0xdc: {  	v19 =	vmul.f32 v19, v18;
	_ =	sdelay $0x1  }
0xdd: {  	[tilespmem:s20+$0x1D0] =	vst v19;
	v19 =	vld [tilespmem:s20+$0x1E0];
	_ =	sdelay $0x4  }
0xde: {  	v19 =	vmul.f32 v19, v18;
	_ =	sdelay $0x1  }
0xdf: {  	[tilespmem:s20+$0x1E0] =	vst v19;
	v19 =	vld [tilespmem:s20+$0x1F0];
	_ =	sdelay $0x1  }
0xe0: {  	p0 =	sne.s32 s0, $0x3C0  }
.Ltmp1:
0xe1: {  	_ = 	snop;
	(pc) =	sbr.rel @p0 .LBB2_5-.Ltmp1, $3  }
0xe2: {  	_ = 	snop  }
0xe3: {  	v18 =	vmul.f32 v19, v18;
	_ =	sdelay $0x1  }
0xe4: {  	s0 =	sadd.s32 $0x40, s0;
	[tilespmem:s20+$0x1F0] =	vst v18;
	s20 =	sadd.s32 $0x400, s20  }
0xe5: {  	s0 =	sshrl.u32 s2, $0x2  }
0xe6: {  	s0 =	sadd.s32 $0x2400, s0  }
0xe7: {  	[spmem:s3] =	stream.indirect.scatter.add.f32 [tilespmem:s18], [sflag:$0x3], $0x40, s0, s21, $0xb8;
	[tilespmem:$0x1EC00] =	vst v63  }
0xe8: {  	_ =	swait.ge [sflag:s24], $0x4000  }
0xe9: {  	[sflag:s24] =	ssyncset.done $0x0  }
0xea: {  	[sflag:s24] =	ssyncadd.s32 $0xFFFFC000  }
0xeb: {  	p0 =	seq.s32 s28, $0x11;
	_ =	swait.ge [sflag:s25], $0x4000  }
0xec: {  	v17 =	vmov s30;
	s6 =	simm.s32 @!p0 $0x6C00;
	s0 =	sshrl.u32 @!p0 s2, $0x2;
	[sflag:s25] =	ssyncset.done $0x0  }
0xed: {  	s2 =	simm.s32 @!p0 $0x100;
	s0 =	sadd.s32 @!p0 $0x200, s0;
	[sflag:s25] =	ssyncadd.s32 $0xFFFFC000  }
0xee: {  	[tilespmem:s6], [sflag:$0x1] =	stream.indirect.gather @!p0 [hbm4b:s1+s2], $0x40, s0, s2, $0xb8;
	[tilespmem:$0x1EC00] =	vst v63  }
0xef: {  	s20 =	simm.s32 $0xAE00;
	s2 =	simm.s32 $0x0  }
.LBB2_7:
0xf0: {  	s0 =	sshra.s32 s2, $0x2  }
0xf1: {  	v18 =	vld.idx.msk [tilespmem:v17+s0+$0x0 ss:$0x1], $0xffff;
	_ =	sdelay $0x1  }
0xf2: {  	v19 =	vld [tilespmem:s20+$0xFFFFFE00];
	_ =	sdelay $0x2  }
0xf3: {  	v20 =	vperm.xlane v18, v1;
	_ =	sdelay $0x1  }
0xf4: {  	v19 =	vmul.f32 v19, v20;
	_ =	sdelay $0x1  }
0xf5: {  	[tilespmem:s20+$0xFFFFFE00] =	vst v19;
	v19 =	vld [tilespmem:s20+$0xFFFFFE10];
	_ =	sdelay $0x4  }
0xf6: {  	v19 =	vmul.f32 v19, v20;
	_ =	sdelay $0x1  }
0xf7: {  	[tilespmem:s20+$0xFFFFFE10] =	vst v19;
	v19 =	vld [tilespmem:s20+$0xFFFFFE20];
	_ =	sdelay $0x4  }
0xf8: {  	v19 =	vmul.f32 v19, v20;
	_ =	sdelay $0x1  }
0xf9: {  	[tilespmem:s20+$0xFFFFFE20] =	vst v19;
	v19 =	vld [tilespmem:s20+$0xFFFFFE30];
	_ =	sdelay $0x4  }
0xfa: {  	v19 =	vmul.f32 v19, v20;
	_ =	sdelay $0x1  }
0xfb: {  	[tilespmem:s20+$0xFFFFFE30] =	vst v19;
	v19 =	vld [tilespmem:s20+$0xFFFFFE40];
	_ =	sdelay $0x2  }
0xfc: {  	v50 =	vperm.xlane v18, v2;
	_ =	sdelay $0x1  }
0xfd: {  	v19 =	vmul.f32 v19, v50;
	_ =	sdelay $0x1  }
0xfe: {  	[tilespmem:s20+$0xFFFFFE40] =	vst v19;
	v19 =	vld [tilespmem:s20+$0xFFFFFE50];
	_ =	sdelay $0x4  }
0xff: {  	v19 =	vmul.f32 v19, v50;
	_ =	sdelay $0x1  }
0x100: {  	[tilespmem:s20+$0xFFFFFE50] =	vst v19;
	v19 =	vld [tilespmem:s20+$0xFFFFFE60];
	_ =	sdelay $0x4  }
0x101: {  	v19 =	vmul.f32 v19, v50;
	_ =	sdelay $0x1  }
0x102: {  	[tilespmem:s20+$0xFFFFFE60] =	vst v19;
	v19 =	vld [tilespmem:s20+$0xFFFFFE70];
	_ =	sdelay $0x4  }
0x103: {  	v19 =	vmul.f32 v19, v50;
	_ =	sdelay $0x1  }
0x104: {  	[tilespmem:s20+$0xFFFFFE70] =	vst v19;
	v19 =	vld [tilespmem:s20+$0xFFFFFE80];
	_ =	sdelay $0x2  }
0x105: {  	v51 =	vperm.xlane v18, v3;
	_ =	sdelay $0x1  }
0x106: {  	v19 =	vmul.f32 v19, v51;
	_ =	sdelay $0x1  }
0x107: {  	[tilespmem:s20+$0xFFFFFE80] =	vst v19;
	v19 =	vld [tilespmem:s20+$0xFFFFFE90];
	_ =	sdelay $0x4  }
0x108: {  	v19 =	vmul.f32 v19, v51;
	_ =	sdelay $0x1  }
0x109: {  	[tilespmem:s20+$0xFFFFFE90] =	vst v19;
	v19 =	vld [tilespmem:s20+$0xFFFFFEA0];
	_ =	sdelay $0x4  }
0x10a: {  	v19 =	vmul.f32 v19, v51;
	_ =	sdelay $0x1  }
0x10b: {  	[tilespmem:s20+$0xFFFFFEA0] =	vst v19;
	v19 =	vld [tilespmem:s20+$0xFFFFFEB0];
	_ =	sdelay $0x4  }
0x10c: {  	v19 =	vmul.f32 v19, v51;
	_ =	sdelay $0x1  }
0x10d: {  	[tilespmem:s20+$0xFFFFFEB0] =	vst v19;
	v19 =	vld [tilespmem:s20+$0xFFFFFEC0];
	_ =	sdelay $0x2  }
0x10e: {  	v52 =	vperm.xlane v18, v4;
	_ =	sdelay $0x1  }
0x10f: {  	v19 =	vmul.f32 v19, v52;
	_ =	sdelay $0x1  }
0x110: {  	[tilespmem:s20+$0xFFFFFEC0] =	vst v19;
	v19 =	vld [tilespmem:s20+$0xFFFFFED0];
	_ =	sdelay $0x4  }
0x111: {  	v19 =	vmul.f32 v19, v52;
	_ =	sdelay $0x1  }
0x112: {  	[tilespmem:s20+$0xFFFFFED0] =	vst v19;
	v19 =	vld [tilespmem:s20+$0xFFFFFEE0];
	_ =	sdelay $0x4  }
0x113: {  	v19 =	vmul.f32 v19, v52;
	_ =	sdelay $0x1  }
0x114: {  	[tilespmem:s20+$0xFFFFFEE0] =	vst v19;
	v19 =	vld [tilespmem:s20+$0xFFFFFEF0];
	_ =	sdelay $0x4  }
0x115: {  	v19 =	vmul.f32 v19, v52;
	_ =	sdelay $0x1  }
0x116: {  	[tilespmem:s20+$0xFFFFFEF0] =	vst v19;
	v19 =	vld [tilespmem:s20+$0xFFFFFF00];
	_ =	sdelay $0x2  }
0x117: {  	v53 =	vperm.xlane v18, v5;
	_ =	sdelay $0x1  }
0x118: {  	v19 =	vmul.f32 v19, v53;
	_ =	sdelay $0x1  }
0x119: {  	[tilespmem:s20+$0xFFFFFF00] =	vst v19;
	v19 =	vld [tilespmem:s20+$0xFFFFFF10];
	_ =	sdelay $0x4  }
0x11a: {  	v19 =	vmul.f32 v19, v53;
	_ =	sdelay $0x1  }
0x11b: {  	[tilespmem:s20+$0xFFFFFF10] =	vst v19;
	v19 =	vld [tilespmem:s20+$0xFFFFFF20];
	_ =	sdelay $0x4  }
0x11c: {  	v19 =	vmul.f32 v19, v53;
	_ =	sdelay $0x1  }
0x11d: {  	[tilespmem:s20+$0xFFFFFF20] =	vst v19;
	v19 =	vld [tilespmem:s20+$0xFFFFFF30];
	_ =	sdelay $0x4  }
0x11e: {  	v19 =	vmul.f32 v19, v53;
	_ =	sdelay $0x1  }
0x11f: {  	[tilespmem:s20+$0xFFFFFF30] =	vst v19;
	v19 =	vld [tilespmem:s20+$0xFFFFFF40];
	_ =	sdelay $0x2  }
0x120: {  	v54 =	vperm.xlane v18, v6;
	_ =	sdelay $0x1  }
0x121: {  	v19 =	vmul.f32 v19, v54;
	_ =	sdelay $0x1  }
0x122: {  	[tilespmem:s20+$0xFFFFFF40] =	vst v19;
	v19 =	vld [tilespmem:s20+$0xFFFFFF50];
	_ =	sdelay $0x4  }
0x123: {  	v19 =	vmul.f32 v19, v54;
	_ =	sdelay $0x1  }
0x124: {  	[tilespmem:s20+$0xFFFFFF50] =	vst v19;
	v19 =	vld [tilespmem:s20+$0xFFFFFF60];
	_ =	sdelay $0x4  }
0x125: {  	v19 =	vmul.f32 v19, v54;
	_ =	sdelay $0x1  }
0x126: {  	[tilespmem:s20+$0xFFFFFF60] =	vst v19;
	v19 =	vld [tilespmem:s20+$0xFFFFFF70];
	_ =	sdelay $0x4  }
0x127: {  	v19 =	vmul.f32 v19, v54;
	_ =	sdelay $0x1  }
0x128: {  	[tilespmem:s20+$0xFFFFFF70] =	vst v19;
	v19 =	vld [tilespmem:s20+$0xFFFFFF80];
	_ =	sdelay $0x2  }
0x129: {  	v55 =	vperm.xlane v18, v7;
	_ =	sdelay $0x1  }
0x12a: {  	v19 =	vmul.f32 v19, v55;
	_ =	sdelay $0x1  }
0x12b: {  	[tilespmem:s20+$0xFFFFFF80] =	vst v19;
	v19 =	vld [tilespmem:s20+$0xFFFFFF90];
	_ =	sdelay $0x4  }
0x12c: {  	v19 =	vmul.f32 v19, v55;
	_ =	sdelay $0x1  }
0x12d: {  	[tilespmem:s20+$0xFFFFFF90] =	vst v19;
	v19 =	vld [tilespmem:s20+$0xFFFFFFA0];
	_ =	sdelay $0x4  }
0x12e: {  	v19 =	vmul.f32 v19, v55;
	_ =	sdelay $0x1  }
0x12f: {  	[tilespmem:s20+$0xFFFFFFA0] =	vst v19;
	v19 =	vld [tilespmem:s20+$0xFFFFFFB0];
	_ =	sdelay $0x4  }
0x130: {  	v19 =	vmul.f32 v19, v55;
	_ =	sdelay $0x1  }
0x131: {  	[tilespmem:s20+$0xFFFFFFB0] =	vst v19;
	v19 =	vld [tilespmem:s20+$0xFFFFFFC0];
	_ =	sdelay $0x2  }
0x132: {  	v56 =	vperm.xlane v18, v8;
	_ =	sdelay $0x1  }
0x133: {  	v19 =	vmul.f32 v19, v56;
	_ =	sdelay $0x1  }
0x134: {  	[tilespmem:s20+$0xFFFFFFC0] =	vst v19;
	v19 =	vld [tilespmem:s20+$0xFFFFFFD0];
	_ =	sdelay $0x4  }
0x135: {  	v19 =	vmul.f32 v19, v56;
	_ =	sdelay $0x1  }
0x136: {  	[tilespmem:s20+$0xFFFFFFD0] =	vst v19;
	v19 =	vld [tilespmem:s20+$0xFFFFFFE0];
	_ =	sdelay $0x4  }
0x137: {  	v19 =	vmul.f32 v19, v56;
	_ =	sdelay $0x1  }
0x138: {  	[tilespmem:s20+$0xFFFFFFE0] =	vst v19;
	v19 =	vld [tilespmem:s20+$0xFFFFFFF0];
	_ =	sdelay $0x4  }
0x139: {  	v19 =	vmul.f32 v19, v56;
	_ =	sdelay $0x1  }
0x13a: {  	[tilespmem:s20+$0xFFFFFFF0] =	vst v19;
	v19 =	vld [tilespmem:s20+$0x0];
	_ =	sdelay $0x2  }
0x13b: {  	v57 =	vperm.xlane v18, v9;
	_ =	sdelay $0x1  }
0x13c: {  	v19 =	vmul.f32 v19, v57;
	_ =	sdelay $0x1  }
0x13d: {  	[tilespmem:s20+$0x0] =	vst v19;
	v19 =	vld [tilespmem:s20+$0x10];
	_ =	sdelay $0x4  }
0x13e: {  	v19 =	vmul.f32 v19, v57;
	_ =	sdelay $0x1  }
0x13f: {  	[tilespmem:s20+$0x10] =	vst v19;
	v19 =	vld [tilespmem:s20+$0x20];
	_ =	sdelay $0x4  }
0x140: {  	v19 =	vmul.f32 v19, v57;
	_ =	sdelay $0x1  }
0x141: {  	[tilespmem:s20+$0x20] =	vst v19;
	v19 =	vld [tilespmem:s20+$0x30];
	_ =	sdelay $0x4  }
0x142: {  	v19 =	vmul.f32 v19, v57;
	_ =	sdelay $0x1  }
0x143: {  	[tilespmem:s20+$0x30] =	vst v19;
	v19 =	vld [tilespmem:s20+$0x40];
	_ =	sdelay $0x2  }
0x144: {  	v58 =	vperm.xlane v18, v10;
	_ =	sdelay $0x1  }
0x145: {  	v19 =	vmul.f32 v19, v58;
	_ =	sdelay $0x1  }
0x146: {  	[tilespmem:s20+$0x40] =	vst v19;
	v19 =	vld [tilespmem:s20+$0x50];
	_ =	sdelay $0x4  }
0x147: {  	v19 =	vmul.f32 v19, v58;
	_ =	sdelay $0x1  }
0x148: {  	[tilespmem:s20+$0x50] =	vst v19;
	v19 =	vld [tilespmem:s20+$0x60];
	_ =	sdelay $0x4  }
0x149: {  	v19 =	vmul.f32 v19, v58;
	_ =	sdelay $0x1  }
0x14a: {  	[tilespmem:s20+$0x60] =	vst v19;
	v19 =	vld [tilespmem:s20+$0x70];
	_ =	sdelay $0x4  }
0x14b: {  	v19 =	vmul.f32 v19, v58;
	_ =	sdelay $0x1  }
0x14c: {  	[tilespmem:s20+$0x70] =	vst v19;
	v19 =	vld [tilespmem:s20+$0x80];
	_ =	sdelay $0x2  }
0x14d: {  	v59 =	vperm.xlane v18, v11;
	_ =	sdelay $0x1  }
0x14e: {  	v19 =	vmul.f32 v19, v59;
	_ =	sdelay $0x1  }
0x14f: {  	[tilespmem:s20+$0x80] =	vst v19;
	v19 =	vld [tilespmem:s20+$0x90];
	_ =	sdelay $0x4  }
0x150: {  	v19 =	vmul.f32 v19, v59;
	_ =	sdelay $0x1  }
0x151: {  	[tilespmem:s20+$0x90] =	vst v19;
	v19 =	vld [tilespmem:s20+$0xA0];
	_ =	sdelay $0x4  }
0x152: {  	v19 =	vmul.f32 v19, v59;
	_ =	sdelay $0x1  }
0x153: {  	[tilespmem:s20+$0xA0] =	vst v19;
	v19 =	vld [tilespmem:s20+$0xB0];
	_ =	sdelay $0x4  }
0x154: {  	v19 =	vmul.f32 v19, v59;
	_ =	sdelay $0x1  }
0x155: {  	[tilespmem:s20+$0xB0] =	vst v19;
	v19 =	vld [tilespmem:s20+$0xC0];
	_ =	sdelay $0x2  }
0x156: {  	v60 =	vperm.xlane v18, v12;
	_ =	sdelay $0x1  }
0x157: {  	v19 =	vmul.f32 v19, v60;
	_ =	sdelay $0x1  }
0x158: {  	[tilespmem:s20+$0xC0] =	vst v19;
	v19 =	vld [tilespmem:s20+$0xD0];
	_ =	sdelay $0x4  }
0x159: {  	v19 =	vmul.f32 v19, v60;
	_ =	sdelay $0x1  }
0x15a: {  	[tilespmem:s20+$0xD0] =	vst v19;
	v19 =	vld [tilespmem:s20+$0xE0];
	_ =	sdelay $0x4  }
0x15b: {  	v19 =	vmul.f32 v19, v60;
	_ =	sdelay $0x1  }
0x15c: {  	[tilespmem:s20+$0xE0] =	vst v19;
	v19 =	vld [tilespmem:s20+$0xF0];
	_ =	sdelay $0x4  }
0x15d: {  	v19 =	vmul.f32 v19, v60;
	_ =	sdelay $0x1  }
0x15e: {  	[tilespmem:s20+$0xF0] =	vst v19;
	v19 =	vld [tilespmem:s20+$0x100];
	_ =	sdelay $0x2  }
0x15f: {  	v61 =	vperm.xlane v18, v13;
	_ =	sdelay $0x1  }
0x160: {  	v19 =	vmul.f32 v19, v61;
	_ =	sdelay $0x1  }
0x161: {  	[tilespmem:s20+$0x100] =	vst v19;
	v19 =	vld [tilespmem:s20+$0x110];
	_ =	sdelay $0x4  }
0x162: {  	v19 =	vmul.f32 v19, v61;
	_ =	sdelay $0x1  }
0x163: {  	[tilespmem:s20+$0x110] =	vst v19;
	v19 =	vld [tilespmem:s20+$0x120];
	_ =	sdelay $0x4  }
0x164: {  	v19 =	vmul.f32 v19, v61;
	_ =	sdelay $0x1  }
0x165: {  	[tilespmem:s20+$0x120] =	vst v19;
	v19 =	vld [tilespmem:s20+$0x130];
	_ =	sdelay $0x4  }
0x166: {  	v19 =	vmul.f32 v19, v61;
	_ =	sdelay $0x1  }
0x167: {  	[tilespmem:s20+$0x130] =	vst v19;
	v19 =	vld [tilespmem:s20+$0x140];
	_ =	sdelay $0x2  }
0x168: {  	v62 =	vperm.xlane v18, v14;
	_ =	sdelay $0x1  }
0x169: {  	v19 =	vmul.f32 v19, v62;
	_ =	sdelay $0x1  }
0x16a: {  	[tilespmem:s20+$0x140] =	vst v19;
	v19 =	vld [tilespmem:s20+$0x150];
	_ =	sdelay $0x4  }
0x16b: {  	v19 =	vmul.f32 v19, v62;
	_ =	sdelay $0x1  }
0x16c: {  	[tilespmem:s20+$0x150] =	vst v19;
	v19 =	vld [tilespmem:s20+$0x160];
	_ =	sdelay $0x4  }
0x16d: {  	v19 =	vmul.f32 v19, v62;
	_ =	sdelay $0x1  }
0x16e: {  	[tilespmem:s20+$0x160] =	vst v19;
	v19 =	vld [tilespmem:s20+$0x170];
	_ =	sdelay $0x4  }
0x16f: {  	v19 =	vmul.f32 v19, v62;
	_ =	sdelay $0x1  }
0x170: {  	[tilespmem:s20+$0x170] =	vst v19;
	v19 =	vld [tilespmem:s20+$0x180];
	_ =	sdelay $0x2  }
0x171: {  	v63 =	vperm.xlane v18, v15;
	_ =	sdelay $0x1  }
0x172: {  	v19 =	vmul.f32 v19, v63;
	_ =	sdelay $0x1  }
0x173: {  	[tilespmem:s20+$0x180] =	vst v19;
	v19 =	vld [tilespmem:s20+$0x190];
	_ =	sdelay $0x4  }
0x174: {  	v19 =	vmul.f32 v19, v63;
	_ =	sdelay $0x1  }
0x175: {  	[tilespmem:s20+$0x190] =	vst v19;
	v19 =	vld [tilespmem:s20+$0x1A0];
	_ =	sdelay $0x4  }
0x176: {  	v19 =	vmul.f32 v19, v63;
	_ =	sdelay $0x1  }
0x177: {  	[tilespmem:s20+$0x1A0] =	vst v19;
	v19 =	vld [tilespmem:s20+$0x1B0];
	_ =	sdelay $0x4  }
0x178: {  	v19 =	vmul.f32 v19, v63;
	_ =	sdelay $0x1  }
0x179: {  	[tilespmem:s20+$0x1B0] =	vst v19;
	v19 =	vld [tilespmem:s20+$0x1C0];
	_ =	sdelay $0x2  }
0x17a: {  	v18 =	vperm.xlane v18, v16;
	_ =	sdelay $0x1  }
0x17b: {  	v19 =	vmul.f32 v19, v18;
	_ =	sdelay $0x1  }
0x17c: {  	[tilespmem:s20+$0x1C0] =	vst v19;
	v19 =	vld [tilespmem:s20+$0x1D0];
	_ =	sdelay $0x4  }
0x17d: {  	v19 =	vmul.f32 v19, v18;
	_ =	sdelay $0x1  }
0x17e: {  	[tilespmem:s20+$0x1D0] =	vst v19;
	v19 =	vld [tilespmem:s20+$0x1E0];
	_ =	sdelay $0x4  }
0x17f: {  	v19 =	vmul.f32 v19, v18;
	_ =	sdelay $0x1  }
0x180: {  	[tilespmem:s20+$0x1E0] =	vst v19;
	v19 =	vld [tilespmem:s20+$0x1F0];
	_ =	sdelay $0x1  }
0x181: {  	p0 =	sne.s32 s2, $0x3C0  }
.Ltmp2:
0x182: {  	_ = 	snop;
	(pc) =	sbr.rel @p0 .LBB2_7-.Ltmp2, $3  }
0x183: {  	_ = 	snop  }
0x184: {  	v18 =	vmul.f32 v19, v18;
	_ =	sdelay $0x1  }
0x185: {  	s2 =	sadd.s32 $0x40, s2;
	[tilespmem:s20+$0x1F0] =	vst v18;
	s20 =	sadd.s32 $0x400, s20  }
0x186: {  	s28 =	sadd.s32 $0x1, s28  }
0x187: {  	p0 =	sne.s32 s28, $0x12  }
.Ltmp3:
0x188: {  	_ = 	snop;
	(pc) =	sbr.rel @p0 .LBB2_4-.Ltmp3, $3  }
0x189: {  	_ =	sdelay $0x1  }
0x18a: {  	s0 =	sadd.s32 $0x2400, s31;
	s29 =	sadd.s32 $0x200, s29;
	s30 =	sadd.s32 $0x200, s30  }
0x18b: {  	[spmem:s3] =	stream.indirect.scatter.add.f32 [tilespmem:s23], [sflag:$0x4], $0x40, s0, s21, $0xb8;
	[tilespmem:$0x1EC00] =	vst v63  }
0x18c: {  	_ =	swait.ge [sflag:s26], $0x4000;
	s0 =	stileid.u32  }
0x18d: {  	s2 =	sshrl.u32 s5, $0x3;
	s4 =	sadd.s32 $0x1, s4;
	[sflag:s26] =	ssyncset.done $0x0  }
0x18e: {  	s0 =	sshll.u32 s0, $0x6;
	p0 =	sne.s32 s4, s17;
	[sflag:s26] =	ssyncadd.s32 $0xFFFFC000  }
.Ltmp4:
0x18f: {  	s0 =	sor.u32 $0x1C05, s0;
	[bflag:$0x0] =	sbarrier.arrive $0xFFFF;
	(pc) =	sbr.rel @p0 .LBB2_1-.Ltmp4, $4  }
0x190: {  	[hbm:s16], [sflag:s0] =	dma.local [spmem:s2], $0x2000  }
0x191: {  	_ =	swait.ge [sflag:s19], $0x2000  }
0x192: {  	[sflag:s19] =	ssyncset.done $0x0  }
0x193: {  	[sflag:s19] =	ssyncadd.s32 $0xFFFFE000  }
0x194: {  	_ =	sfence.sel $0x180000  }
0x195: {  	[bflag:$0x0] =	sbarrier.arrive $0xFFFF  }
0x196: {  	_ =	strace $0x90000047  }
0x197: {  	s0 =	stileid.u32;
	[bflag:$0x2] =	sbarrier.arrive $0xFFFF  }
0x198: {  	p0 =	sne.s32 s0, $0x0;
	s0 =	rddreg [dreg:$0x3]  }
0x199: {  	s0 =	sadd.s32 @!p0 $0x100000, s0  }
0x19a: {  	[sflag:s0] =	ssyncadd.tile.s32 @!p0 $0x1;
	_ =	shalt  }
.Lfunc_end2:
_tile_overlayer_lowered:
.L_overlay_start_2:
0x19b: {  	(tag) =	ssettag $0x2  }
0x19c: {  	s0 =	rddreg [dreg:$0x0];
	s2 =	stileid.u32  }
0x19d: {  	s1 =	rddreg [dreg:$0x1];
	p0 =	sne.s32 s2, $0x0  }
0x19e: {  	s3 =	rddreg [dreg:$0x2];
	[bflag:$0x3] =	sbarrier.arrive $0xFFFF;
	s2 =	simm.s32 @!p0 $0x1C05  }
0x19f: {  	[timem:s3], [sflag:s2] =	dma.local @!p0 [hbm:s0], s1  }
0x1a0: {  	s0 =	simm.s32 @!p0 $0x5  }
0x1a1: {  	_ =	swait.ge @!p0 [sflag:s0], s1  }
0x1a2: {  	s1 =	ssub.s32 @!p0 $0x0, s1;
	[sflag:s0] =	ssyncset.done @!p0 $0x0  }
0x1a3: {  	[sflag:s0] =	ssyncadd.s32 @!p0 s1  }
0x1a4: {  	[bflag:$0x3] =	sbarrier.arrive $0xFFFF  }
0x1a5: {  	_ =	shalt  }

</sc_bundles>
